<compile_context>
chip_gen: v7x
topology: tpu7x:2x2x1
jax: 0.10.2.dev20260603
libtpu: 0.0.44.dev20260713+nightly
codegen_flags: <defaults>
</compile_context>

<pallas_src>
import functools

import jax
import jax.numpy as jnp
from jax import lax
from jax.experimental import pallas as pl
from jax.experimental.pallas import tpu as pltpu
from jax.experimental.pallas import tpu_sc as plsc

N = 10000
E = 320000
D = 128
DH = 64
CHUNK = 128
NT = 16
DEGW = 16
N_PAD = 10240
TROWS = N_PAD // NT
TCH = 128
TNCH = TROWS // TCH
EC_PAD = 327680
TILE_CHUNKS = EC_PAD // (NT * CHUNK)
SG = 8
GROUPS = TILE_CHUNKS // SG
NSLOT = 4


def _build_sc_aggregate(with_deg: bool):
    mesh = plsc.VectorSubcoreMesh(core_axis_name="c", subcore_axis_name="s")
    out_type = [jax.ShapeDtypeStruct((2, N_PAD, DH), jnp.float32)]
    if with_deg:
        out_type.append(jax.ShapeDtypeStruct((2, N_PAD, DEGW), jnp.float32))

    @functools.partial(
        pl.kernel,
        out_type=out_type,
        mesh=mesh,
        scratch_types=[
            pltpu.VMEM((SG * CHUNK,), jnp.int32),
            pltpu.VMEM((SG, CHUNK), jnp.int32),
            pltpu.VMEM((CHUNK, DH), jnp.float32),
            pltpu.VMEM((CHUNK, DH), jnp.float32),
            pltpu.VMEM((CHUNK, DH), jnp.float32),
            pltpu.VMEM((CHUNK, DH), jnp.float32),
            pltpu.VMEM((CHUNK, DEGW), jnp.float32),
            pltpu.VMEM_SHARED((N_PAD, DH), jnp.float32),
            pltpu.VMEM_SHARED((N_PAD, DH), jnp.float32),
            pltpu.VMEM_SHARED((N_PAD, DEGW), jnp.float32),
            pltpu.SemaphoreType.DMA,
            pltpu.SemaphoreType.DMA,
            pltpu.SemaphoreType.DMA,
        ],
        compiler_params=pltpu.CompilerParams(use_tc_tiling_on_sc=False),
    )
    def sc_agg(x_hbm, gath_hbm, scat_hbm, z64_hbm, z16_hbm, ones_hbm,
               sums_out, *rest):
        if with_deg:
            (deg_out, idx_g, idx_s, rows0, rows1, rows2, rows3, ones_v,
             x_sp, acc, dacc, gsem, ssem, dsem) = rest
        else:
            (idx_g, idx_s, rows0, rows1, rows2, rows3, ones_v,
             x_sp, acc, dacc, gsem, ssem, dsem) = rest
        cid = lax.axis_index("c")
        tid = lax.axis_index("s")

        pltpu.sync_copy(z64_hbm, rows0)
        pltpu.sync_copy(z16_hbm, ones_v)
        r0 = tid * TROWS

        def zbody(k, carry):
            pltpu.sync_copy(rows0, acc.at[pl.ds(r0 + k * TCH, TCH)])
            if with_deg:
                pltpu.sync_copy(ones_v, dacc.at[pl.ds(r0 + k * TCH, TCH)])
            return carry

        lax.fori_loop(0, TNCH, zbody, 0)
        pltpu.sync_copy(ones_hbm, ones_v)

        def xbody(k, carry):
            rr = (tid + k * NT) * CHUNK

            @pl.when(rr + CHUNK <= N)
            def _():
                pltpu.sync_copy(x_hbm.at[pl.ds(rr, CHUNK)], rows1)
                pltpu.sync_copy(rows1, x_sp.at[pl.ds(rr, CHUNK)])

            @pl.when((rr < N) & (rr + CHUNK > N))
            def _():
                pltpu.sync_copy(x_hbm.at[pl.ds(rr, N - (N // CHUNK) * CHUNK)],
                                rows1.at[pl.ds(0, N - (N // CHUNK) * CHUNK)])
                pltpu.sync_copy(rows1.at[pl.ds(0, N - (N // CHUNK) * CHUNK)],
                                x_sp.at[pl.ds(rr, N - (N // CHUNK) * CHUNK)])
            return carry

        lax.fori_loop(0, (N + NT * CHUNK - 1) // (NT * CHUNK), xbody, 0)
        plsc.subcore_barrier()

        goff = cid * EC_PAD + tid * TILE_CHUNKS * CHUNK
        crow = cid * NT * TILE_CHUNKS + tid * TILE_CHUNKS
        slots = (rows0, rows1, rows2, rows3)

        def body(t, carry):
            pltpu.sync_copy(gath_hbm.at[pl.ds(goff + t * SG * CHUNK, SG * CHUNK)], idx_g)
            pltpu.sync_copy(scat_hbm.at[pl.ds(crow + t * SG, SG)], idx_s)

            def gather(u):
                return pltpu.async_copy(
                    x_sp.at[idx_g.at[pl.ds(u * CHUNK, CHUNK)]],
                    slots[u % NSLOT], gsem)

            gd = {}
            sd = {}
            dd = {}
            for p in range(NSLOT - 1):
                gd[p] = gather(p)
            for u in range(SG):
                s = u % NSLOT
                f = u + NSLOT - 1
                if f < SG:
                    fs = f % NSLOT
                    if fs in sd:
                        sd[fs].wait()
                        if with_deg:
                            dd[fs].wait()
                    gd[f] = gather(f)
                gd[u].wait()
                sd[s] = pltpu.async_copy(
                    slots[s], acc.at[idx_s.at[u]], ssem, add=True)
                if with_deg:
                    dd[s] = pltpu.async_copy(
                        ones_v, dacc.at[idx_s.at[u]], dsem, add=True)
            for s in range(NSLOT):
                sd[s].wait()
                if with_deg:
                    dd[s].wait()
            return carry

        lax.fori_loop(0, GROUPS, body, 0)
        plsc.subcore_barrier()

        def wbody(k, carry):
            rr = r0 + k * TCH
            pltpu.sync_copy(acc.at[pl.ds(rr, TCH)], rows0)
            pltpu.sync_copy(rows0, sums_out.at[cid, pl.ds(rr, TCH)])
            if with_deg:
                pltpu.sync_copy(dacc.at[pl.ds(rr, TCH)], ones_v)
                pltpu.sync_copy(ones_v, deg_out.at[cid, pl.ds(rr, TCH)])
            return carry

        lax.fori_loop(0, TNCH, wbody, 0)

    return sc_agg


_SC_AGG_DEG = _build_sc_aggregate(True)
_SC_AGG = _build_sc_aggregate(False)

_TC_ROWS = 1000


def _tc_body(x_ref, s0_ref, s1_ref, d_ref, ws_ref, w2_ref, w3_ref, b_ref, o_ref):
    xb = x_ref[...]
    r_in = 0.5 / jnp.maximum(d_ref[0, :, 0:1], 1.0)
    r_out = 0.5 / jnp.maximum(d_ref[1, :, 0:1], 1.0)
    acc = jnp.dot(xb, ws_ref[...], preferred_element_type=jnp.float32)
    s2d = (jnp.dot(s0_ref[0], w2_ref[pl.ds(0, DH), :], preferred_element_type=jnp.float32)
           + jnp.dot(s1_ref[0], w2_ref[pl.ds(DH, DH), :], preferred_element_type=jnp.float32))
    d2s = (jnp.dot(s0_ref[1], w3_ref[pl.ds(0, DH), :], preferred_element_type=jnp.float32)
           + jnp.dot(s1_ref[1], w3_ref[pl.ds(DH, DH), :], preferred_element_type=jnp.float32))
    o_ref[...] = acc + r_in * s2d + r_out * d2s + b_ref[...]


def _tc_combine(x, sums0, sums1, degs, ws_t, w2_t, w3_t, b_all):
    return pl.pallas_call(
        _tc_body,
        grid=(N // _TC_ROWS,),
        in_specs=[
            pl.BlockSpec((_TC_ROWS, D), lambda i: (i, 0)),
            pl.BlockSpec((2, _TC_ROWS, DH), lambda i: (0, i, 0)),
            pl.BlockSpec((2, _TC_ROWS, DH), lambda i: (0, i, 0)),
            pl.BlockSpec((2, _TC_ROWS, DEGW), lambda i: (0, i, 0)),
            pl.BlockSpec((D, D), lambda i: (0, 0)),
            pl.BlockSpec((D, D), lambda i: (0, 0)),
            pl.BlockSpec((D, D), lambda i: (0, 0)),
            pl.BlockSpec((1, D), lambda i: (0, 0)),
        ],
        out_specs=pl.BlockSpec((_TC_ROWS, D), lambda i: (i, 0)),
        out_shape=jax.ShapeDtypeStruct((N, D), jnp.float32),
    )(x, sums0, sums1, degs, ws_t, w2_t, w3_t, b_all)


def kernel(x, edge_index, W_self, b_self, W_s2d, b_s2d, W_d2s, b_d2s):
    z64 = jnp.zeros((TCH, DH), jnp.float32)
    z16 = jnp.zeros((CHUNK, DEGW), jnp.float32)
    ones = jnp.ones((CHUNK, DEGW), jnp.float32)
    src = edge_index[0]
    dst = edge_index[1]
    padg = jnp.zeros((EC_PAD - E,), jnp.int32)
    pads = jnp.full((EC_PAD - E,), N, jnp.int32)
    gath = jnp.concatenate([src, padg, dst, padg])
    scat = jnp.concatenate([dst, pads, src, pads]).reshape(-1, CHUNK)
    sums0, degs = _SC_AGG_DEG(x[:, :DH], gath, scat, z64, z16, ones)
    (sums1,) = _SC_AGG(x[:, DH:], gath, scat, z64, z16, ones)
    b_all = (b_self + 0.5 * (b_s2d + b_d2s)).reshape(1, D)
    return _tc_combine(x, sums0, sums1, degs, W_self.T, W_s2d.T, W_d2s.T, b_all)

# --- scband reference (transcript-rebuilt; emitter-appended) ---
"""Pipeline reference for scband-dir-sage-conv-27152783245350 (READ-ONLY COPY).

The authoritative reference and input builder live on the scoring server;
editing this copy changes nothing except your own understanding.
"""

import jax, jax.numpy as jnp
import numpy as np

N = 10000
E = 320000
D_IN = 128
D_OUT = 128
ALPHA = 0.5


def setup_inputs(seed: int = 0) -> dict:
    key = jax.random.key(seed)
    ks = jax.random.split(key, 8)
    x = jax.random.normal(ks[0], (N, D_IN), dtype=jnp.float32)
    edge_index = jax.random.randint(ks[1], (2, E), 0, N, dtype=jnp.int32)
    s = 1.0 / np.sqrt(D_IN)
    W_self = jax.random.normal(ks[2], (D_OUT, D_IN), dtype=jnp.float32) * s
    b_self = jnp.zeros((D_OUT,), dtype=jnp.float32)
    W_s2d = jax.random.normal(ks[3], (D_OUT, D_IN), dtype=jnp.float32) * s
    b_s2d = jnp.zeros((D_OUT,), dtype=jnp.float32)
    W_d2s = jax.random.normal(ks[4], (D_OUT, D_IN), dtype=jnp.float32) * s
    b_d2s = jnp.zeros((D_OUT,), dtype=jnp.float32)
    return {
        "x": x,
        "edge_index": edge_index,
        "W_self": W_self,
        "b_self": b_self,
        "W_s2d": W_s2d,
        "b_s2d": b_s2d,
        "W_d2s": W_d2s,
        "b_d2s": b_d2s,
    }


def _mean_aggregate(x, src_idx, dst_idx, num_nodes):
    # mean over incoming messages: agg[i] = mean_{e: dst[e]==i} x[src[e]]
    msgs = jnp.take(x, src_idx, axis=0)
    summed = jax.ops.segment_sum(msgs, dst_idx, num_segments=num_nodes)
    deg = jax.ops.segment_sum(jnp.ones_like(dst_idx, dtype=x.dtype), dst_idx, num_segments=num_nodes)
    deg = jnp.clip(deg, 1.0, None)
    return summed / deg[:, None]


def reference(x, edge_index, W_self, b_self, W_s2d, b_s2d, W_d2s, b_d2s):
    src = edge_index[0]
    dst = edge_index[1]
    # SAGEConv(flow='source_to_target', root_weight=False): aggregate x[src] at dst
    agg_s2d = _mean_aggregate(x, src, dst, N)
    out_s2d = agg_s2d @ W_s2d.T + b_s2d
    # SAGEConv(flow='target_to_source', root_weight=False): aggregate x[dst] at src
    agg_d2s = _mean_aggregate(x, dst, src, N)
    out_d2s = agg_d2s @ W_d2s.T + b_d2s
    out_self = x @ W_self.T + b_self
    return out_self + (1.0 - ALPHA) * out_s2d + ALPHA * out_d2s

if __name__ == "__main__":
    import jax
    _d = setup_inputs()
    print(jax.jit(kernel)(*tuple(_d.values())))

</pallas_src>

<mosaic_0001>
#map = affine_map<(d0, d1) -> (0, 0)>
#map1 = affine_map<(d0, d1) -> (0)>
#map2 = affine_map<(d0, d1) -> (0, 0, 0)>
module attributes {stable_mosaic.version = 14 : i64} {
  func.func @sc_agg(%arg0: i32, %arg1: i32, %arg2: memref<10000x64xf32, #tpu.memory_space<hbm>>, %arg3: memref<655360xi32, #tpu.memory_space<hbm>>, %arg4: memref<5120x128xi32, #tpu.memory_space<hbm>>, %arg5: memref<128x64xf32, #tpu.memory_space<hbm>>, %arg6: memref<128x16xf32, #tpu.memory_space<hbm>>, %arg7: memref<128x16xf32, #tpu.memory_space<hbm>>, %arg8: memref<2x10240x64xf32, #tpu.memory_space<hbm>>, %arg9: memref<1024xi32, #tpu.memory_space<vmem>>, %arg10: memref<8x128xi32, #tpu.memory_space<vmem>>, %arg11: memref<128x64xf32, #tpu.memory_space<vmem>>, %arg12: memref<128x64xf32, #tpu.memory_space<vmem>>, %arg13: memref<128x64xf32, #tpu.memory_space<vmem>>, %arg14: memref<128x64xf32, #tpu.memory_space<vmem>>, %arg15: memref<128x16xf32, #tpu.memory_space<vmem>>, %arg16: memref<10240x64xf32, #tpu.memory_space<vmem_shared>>, %arg17: memref<10240x64xf32, #tpu.memory_space<vmem_shared>>, %arg18: memref<10240x16xf32, #tpu.memory_space<vmem_shared>>, %arg19: memref<!tpu.dma_semaphore, #tpu.memory_space<semaphore_mem>>, %arg20: memref<!tpu.dma_semaphore, #tpu.memory_space<semaphore_mem>>, %arg21: memref<!tpu.dma_semaphore, #tpu.memory_space<semaphore_mem>>) attributes {dimension_semantics = [#tpu.dimension_semantics<core_parallel>, #tpu.dimension_semantics<subcore_parallel>], iteration_bounds = array<i64: 2, 16>, scalar_prefetch = 0 : i64, scratch_operands = 13 : i64, tpu.core_type = #tpu.core_type<sc_vector_subcore>, window_params = [{transform_indices = #map}, {transform_indices = #map1}, {transform_indices = #map}, {transform_indices = #map}, {transform_indices = #map}, {transform_indices = #map}, {transform_indices = #map2}]} {
    "tpu.region"() ({
      %run_scoped3A = tpu.sem_alloc : memref<!tpu.dma_semaphore, #tpu.memory_space<semaphore_mem>>
      tpu.enqueue_dma source(%arg5 : memref<128x64xf32, #tpu.memory_space<hbm>>) target(%arg11 : memref<128x64xf32, #tpu.memory_space<vmem>>) target_semaphore(%run_scoped3A : memref<!tpu.dma_semaphore, #tpu.memory_space<semaphore_mem>>)
      tpu.wait_dma2 semaphore(%run_scoped3A : memref<!tpu.dma_semaphore, #tpu.memory_space<semaphore_mem>>) src(%arg5 : memref<128x64xf32, #tpu.memory_space<hbm>>) dst(%arg11 : memref<128x64xf32, #tpu.memory_space<vmem>>)
      tpu.yield
    }) : () -> ()
    "tpu.region"() ({
      %run_scoped3A = tpu.sem_alloc : memref<!tpu.dma_semaphore, #tpu.memory_space<semaphore_mem>>
      tpu.enqueue_dma source(%arg6 : memref<128x16xf32, #tpu.memory_space<hbm>>) target(%arg15 : memref<128x16xf32, #tpu.memory_space<vmem>>) target_semaphore(%run_scoped3A : memref<!tpu.dma_semaphore, #tpu.memory_space<semaphore_mem>>)
      tpu.wait_dma2 semaphore(%run_scoped3A : memref<!tpu.dma_semaphore, #tpu.memory_space<semaphore_mem>>) src(%arg6 : memref<128x16xf32, #tpu.memory_space<hbm>>) dst(%arg15 : memref<128x16xf32, #tpu.memory_space<vmem>>)
      tpu.yield
    }) : () -> ()
    %mul3A = arith.constant 640 : i32
    %mul3A_0 = arith.muli %arg1, %mul3A : i32
    %scan3A = arith.constant 0 : i32
    %scan3A_1 = arith.constant 0 : i32
    %scan3A_2 = arith.constant 5 : i32
    %scan3A_3 = arith.addi %scan3A_1, %scan3A_2 : i32
    %scan3A_4 = arith.constant 1 : i32
    scf.for %scan3A_38 = %scan3A_1 to %scan3A_3 step %scan3A_4  : i32 {
      %mul3A_39 = arith.constant 128 : i32
      %mul3A_40 = arith.muli %scan3A_38, %mul3A_39 : i32
      %add3A_41 = arith.addi %mul3A_0, %mul3A_40 : i32
      "tpu.region"() ({
        %run_scoped3A = tpu.sem_alloc : memref<!tpu.dma_semaphore, #tpu.memory_space<semaphore_mem>>
        %dma_start3A = arith.constant 0 : i32
        %dma_start3A_42 = tpu.memref_slice %arg17[%add3A_41, %dma_start3A] : memref<10240x64xf32, #tpu.memory_space<vmem_shared>> -> memref<128x64xf32, #tpu.memory_space<vmem_shared>>
        %dma_start3A_43 = arith.constant 0 : i32
        %dma_start3A_44 = tpu.memref_slice %arg17[%add3A_41, %dma_start3A_43] : memref<10240x64xf32, #tpu.memory_space<vmem_shared>> -> memref<128x64xf32, #tpu.memory_space<vmem_shared>>
        tpu.enqueue_dma source(%arg11 : memref<128x64xf32, #tpu.memory_space<vmem>>) target(%dma_start3A_44 : memref<128x64xf32, #tpu.memory_space<vmem_shared>>) target_semaphore(%run_scoped3A : memref<!tpu.dma_semaphore, #tpu.memory_space<semaphore_mem>>)
        %dma_wait3A = arith.constant 0 : i32
        %dma_wait3A_45 = tpu.memref_slice %arg17[%add3A_41, %dma_wait3A] : memref<10240x64xf32, #tpu.memory_space<vmem_shared>> -> memref<128x64xf32, #tpu.memory_space<vmem_shared>>
        %dma_wait3A_46 = arith.constant 0 : i32
        %dma_wait3A_47 = tpu.memref_slice %arg17[%add3A_41, %dma_wait3A_46] : memref<10240x64xf32, #tpu.memory_space<vmem_shared>> -> memref<128x64xf32, #tpu.memory_space<vmem_shared>>
        tpu.wait_dma2 semaphore(%run_scoped3A : memref<!tpu.dma_semaphore, #tpu.memory_space<semaphore_mem>>) src(%arg11 : memref<128x64xf32, #tpu.memory_space<vmem>>) dst(%dma_wait3A_47 : memref<128x64xf32, #tpu.memory_space<vmem_shared>>)
        tpu.yield
      }) : () -> ()
    }
    %scan3A_5 = arith.constant 5 : i32
    "tpu.region"() ({
      %run_scoped3A = tpu.sem_alloc : memref<!tpu.dma_semaphore, #tpu.memory_space<semaphore_mem>>
      tpu.enqueue_dma source(%arg7 : memref<128x16xf32, #tpu.memory_space<hbm>>) target(%arg15 : memref<128x16xf32, #tpu.memory_space<vmem>>) target_semaphore(%run_scoped3A : memref<!tpu.dma_semaphore, #tpu.memory_space<semaphore_mem>>)
      tpu.wait_dma2 semaphore(%run_scoped3A : memref<!tpu.dma_semaphore, #tpu.memory_space<semaphore_mem>>) src(%arg7 : memref<128x16xf32, #tpu.memory_space<hbm>>) dst(%arg15 : memref<128x16xf32, #tpu.memory_space<vmem>>)
      tpu.yield
    }) : () -> ()
    %scan3A_6 = arith.constant 0 : i32
    %scan3A_7 = arith.constant 0 : i32
    %scan3A_8 = arith.constant 5 : i32
    %scan3A_9 = arith.addi %scan3A_7, %scan3A_8 : i32
    %scan3A_10 = arith.constant 1 : i32
    scf.for %scan3A_38 = %scan3A_7 to %scan3A_9 step %scan3A_10  : i32 {
      %mul3A_39 = arith.constant 16 : i32
      %mul3A_40 = arith.muli %scan3A_38, %mul3A_39 : i32
      %add3A_41 = arith.addi %arg1, %mul3A_40 : i32
      %mul3A_42 = arith.constant 128 : i32
      %mul3A_43 = arith.muli %add3A_41, %mul3A_42 : i32
      %add3A_44 = arith.constant 128 : i32
      %add3A_45 = arith.addi %mul3A_43, %add3A_44 : i32
      %le3A = arith.constant 10000 : i32
      %le3A_46 = arith.cmpi sle, %add3A_45, %le3A : i32
      %convert_element_type3A = arith.extui %le3A_46 : i1 to i32
      %cond3A = arith.constant 0 : i32
      %cond3A_47 = arith.cmpi ne, %convert_element_type3A, %cond3A : i32
      scf.if %cond3A_47 {
        "tpu.region"() ({
          %run_scoped3A = tpu.sem_alloc : memref<!tpu.dma_semaphore, #tpu.memory_space<semaphore_mem>>
          %dma_start3A = arith.constant 0 : i32
          %dma_start3A_55 = tpu.memref_slice %arg2[%mul3A_43, %dma_start3A] : memref<10000x64xf32, #tpu.memory_space<hbm>> -> memref<128x64xf32, #tpu.memory_space<hbm>>
          %dma_start3A_56 = arith.constant 0 : i32
          %dma_start3A_57 = tpu.memref_slice %arg2[%mul3A_43, %dma_start3A_56] : memref<10000x64xf32, #tpu.memory_space<hbm>> -> memref<128x64xf32, #tpu.memory_space<hbm>>
          tpu.enqueue_dma source(%dma_start3A_57 : memref<128x64xf32, #tpu.memory_space<hbm>>) target(%arg12 : memref<128x64xf32, #tpu.memory_space<vmem>>) target_semaphore(%run_scoped3A : memref<!tpu.dma_semaphore, #tpu.memory_space<semaphore_mem>>)
          %dma_wait3A = arith.constant 0 : i32
          %dma_wait3A_58 = tpu.memref_slice %arg2[%mul3A_43, %dma_wait3A] : memref<10000x64xf32, #tpu.memory_space<hbm>> -> memref<128x64xf32, #tpu.memory_space<hbm>>
          %dma_wait3A_59 = arith.constant 0 : i32
          %dma_wait3A_60 = tpu.memref_slice %arg2[%mul3A_43, %dma_wait3A_59] : memref<10000x64xf32, #tpu.memory_space<hbm>> -> memref<128x64xf32, #tpu.memory_space<hbm>>
          tpu.wait_dma2 semaphore(%run_scoped3A : memref<!tpu.dma_semaphore, #tpu.memory_space<semaphore_mem>>) src(%dma_wait3A_60 : memref<128x64xf32, #tpu.memory_space<hbm>>) dst(%arg12 : memref<128x64xf32, #tpu.memory_space<vmem>>)
          tpu.yield
        }) : () -> ()
        "tpu.region"() ({
          %run_scoped3A = tpu.sem_alloc : memref<!tpu.dma_semaphore, #tpu.memory_space<semaphore_mem>>
          %dma_start3A = arith.constant 0 : i32
          %dma_start3A_55 = tpu.memref_slice %arg16[%mul3A_43, %dma_start3A] : memref<10240x64xf32, #tpu.memory_space<vmem_shared>> -> memref<128x64xf32, #tpu.memory_space<vmem_shared>>
          %dma_start3A_56 = arith.constant 0 : i32
          %dma_start3A_57 = tpu.memref_slice %arg16[%mul3A_43, %dma_start3A_56] : memref<10240x64xf32, #tpu.memory_space<vmem_shared>> -> memref<128x64xf32, #tpu.memory_space<vmem_shared>>
          tpu.enqueue_dma source(%arg12 : memref<128x64xf32, #tpu.memory_space<vmem>>) target(%dma_start3A_57 : memref<128x64xf32, #tpu.memory_space<vmem_shared>>) target_semaphore(%run_scoped3A : memref<!tpu.dma_semaphore, #tpu.memory_space<semaphore_mem>>)
          %dma_wait3A = arith.constant 0 : i32
          %dma_wait3A_58 = tpu.memref_slice %arg16[%mul3A_43, %dma_wait3A] : memref<10240x64xf32, #tpu.memory_space<vmem_shared>> -> memref<128x64xf32, #tpu.memory_space<vmem_shared>>
          %dma_wait3A_59 = arith.constant 0 : i32
          %dma_wait3A_60 = tpu.memref_slice %arg16[%mul3A_43, %dma_wait3A_59] : memref<10240x64xf32, #tpu.memory_space<vmem_shared>> -> memref<128x64xf32, #tpu.memory_space<vmem_shared>>
          tpu.wait_dma2 semaphore(%run_scoped3A : memref<!tpu.dma_semaphore, #tpu.memory_space<semaphore_mem>>) src(%arg12 : memref<128x64xf32, #tpu.memory_space<vmem>>) dst(%dma_wait3A_60 : memref<128x64xf32, #tpu.memory_space<vmem_shared>>)
          tpu.yield
        }) : () -> ()
      } else {
      }
      %lt3A = arith.constant 10000 : i32
      %lt3A_48 = arith.cmpi slt, %mul3A_43, %lt3A : i32
      %add3A_49 = arith.constant 128 : i32
      %add3A_50 = arith.addi %mul3A_43, %add3A_49 : i32
      %gt3A = arith.constant 10000 : i32
      %gt3A_51 = arith.cmpi sgt, %add3A_50, %gt3A : i32
      %and3A = arith.andi %lt3A_48, %gt3A_51 : i1
      %convert_element_type3A_52 = arith.extui %and3A : i1 to i32
      %cond3A_53 = arith.constant 0 : i32
      %cond3A_54 = arith.cmpi ne, %convert_element_type3A_52, %cond3A_53 : i32
      scf.if %cond3A_54 {
        "tpu.region"() ({
          %run_scoped3A = tpu.sem_alloc : memref<!tpu.dma_semaphore, #tpu.memory_space<semaphore_mem>>
          %dma_start3A = arith.constant 0 : i32
          %dma_start3A_55 = arith.constant 0 : i32
          %dma_start3A_56 = tpu.memref_slice %arg12[%dma_start3A, %dma_start3A_55] : memref<128x64xf32, #tpu.memory_space<vmem>> -> memref<16x64xf32, #tpu.memory_space<vmem>>
          %dma_start3A_57 = arith.constant 0 : i32
          %dma_start3A_58 = tpu.memref_slice %arg2[%mul3A_43, %dma_start3A_57] : memref<10000x64xf32, #tpu.memory_space<hbm>> -> memref<16x64xf32, #tpu.memory_space<hbm>>
          %dma_start3A_59 = arith.constant 0 : i32
          %dma_start3A_60 = arith.constant 0 : i32
          %dma_start3A_61 = tpu.memref_slice %arg12[%dma_start3A_59, %dma_start3A_60] : memref<128x64xf32, #tpu.memory_space<vmem>> -> memref<16x64xf32, #tpu.memory_space<vmem>>
          %dma_start3A_62 = arith.constant 0 : i32
          %dma_start3A_63 = tpu.memref_slice %arg2[%mul3A_43, %dma_start3A_62] : memref<10000x64xf32, #tpu.memory_space<hbm>> -> memref<16x64xf32, #tpu.memory_space<hbm>>
          tpu.enqueue_dma source(%dma_start3A_63 : memref<16x64xf32, #tpu.memory_space<hbm>>) target(%dma_start3A_61 : memref<16x64xf32, #tpu.memory_space<vmem>>) target_semaphore(%run_scoped3A : memref<!tpu.dma_semaphore, #tpu.memory_space<semaphore_mem>>)
          %dma_wait3A = arith.constant 0 : i32
          %dma_wait3A_64 = arith.constant 0 : i32
          %dma_wait3A_65 = tpu.memref_slice %arg12[%dma_wait3A, %dma_wait3A_64] : memref<128x64xf32, #tpu.memory_space<vmem>> -> memref<16x64xf32, #tpu.memory_space<vmem>>
          %dma_wait3A_66 = arith.constant 0 : i32
          %dma_wait3A_67 = tpu.memref_slice %arg2[%mul3A_43, %dma_wait3A_66] : memref<10000x64xf32, #tpu.memory_space<hbm>> -> memref<16x64xf32, #tpu.memory_space<hbm>>
          %dma_wait3A_68 = arith.constant 0 : i32
          %dma_wait3A_69 = arith.constant 0 : i32
          %dma_wait3A_70 = tpu.memref_slice %arg12[%dma_wait3A_68, %dma_wait3A_69] : memref<128x64xf32, #tpu.memory_space<vmem>> -> memref<16x64xf32, #tpu.memory_space<vmem>>
          %dma_wait3A_71 = arith.constant 0 : i32
          %dma_wait3A_72 = tpu.memref_slice %arg2[%mul3A_43, %dma_wait3A_71] : memref<10000x64xf32, #tpu.memory_space<hbm>> -> memref<16x64xf32, #tpu.memory_space<hbm>>
          tpu.wait_dma2 semaphore(%run_scoped3A : memref<!tpu.dma_semaphore, #tpu.memory_space<semaphore_mem>>) src(%dma_wait3A_72 : memref<16x64xf32, #tpu.memory_space<hbm>>) dst(%dma_wait3A_70 : memref<16x64xf32, #tpu.memory_space<vmem>>)
          tpu.yield
        }) : () -> ()
        "tpu.region"() ({
          %run_scoped3A = tpu.sem_alloc : memref<!tpu.dma_semaphore, #tpu.memory_space<semaphore_mem>>
          %dma_start3A = arith.constant 0 : i32
          %dma_start3A_55 = arith.constant 0 : i32
          %dma_start3A_56 = tpu.memref_slice %arg12[%dma_start3A, %dma_start3A_55] : memref<128x64xf32, #tpu.memory_space<vmem>> -> memref<16x64xf32, #tpu.memory_space<vmem>>
          %dma_start3A_57 = arith.constant 0 : i32
          %dma_start3A_58 = tpu.memref_slice %arg16[%mul3A_43, %dma_start3A_57] : memref<10240x64xf32, #tpu.memory_space<vmem_shared>> -> memref<16x64xf32, #tpu.memory_space<vmem_shared>>
          %dma_start3A_59 = arith.constant 0 : i32
          %dma_start3A_60 = tpu.memref_slice %arg16[%mul3A_43, %dma_start3A_59] : memref<10240x64xf32, #tpu.memory_space<vmem_shared>> -> memref<16x64xf32, #tpu.memory_space<vmem_shared>>
          %dma_start3A_61 = arith.constant 0 : i32
          %dma_start3A_62 = arith.constant 0 : i32
          %dma_start3A_63 = tpu.memref_slice %arg12[%dma_start3A_61, %dma_start3A_62] : memref<128x64xf32, #tpu.memory_space<vmem>> -> memref<16x64xf32, #tpu.memory_space<vmem>>
          tpu.enqueue_dma source(%dma_start3A_63 : memref<16x64xf32, #tpu.memory_space<vmem>>) target(%dma_start3A_60 : memref<16x64xf32, #tpu.memory_space<vmem_shared>>) target_semaphore(%run_scoped3A : memref<!tpu.dma_semaphore, #tpu.memory_space<semaphore_mem>>)
          %dma_wait3A = arith.constant 0 : i32
          %dma_wait3A_64 = arith.constant 0 : i32
          %dma_wait3A_65 = tpu.memref_slice %arg12[%dma_wait3A, %dma_wait3A_64] : memref<128x64xf32, #tpu.memory_space<vmem>> -> memref<16x64xf32, #tpu.memory_space<vmem>>
          %dma_wait3A_66 = arith.constant 0 : i32
          %dma_wait3A_67 = tpu.memref_slice %arg16[%mul3A_43, %dma_wait3A_66] : memref<10240x64xf32, #tpu.memory_space<vmem_shared>> -> memref<16x64xf32, #tpu.memory_space<vmem_shared>>
          %dma_wait3A_68 = arith.constant 0 : i32
          %dma_wait3A_69 = tpu.memref_slice %arg16[%mul3A_43, %dma_wait3A_68] : memref<10240x64xf32, #tpu.memory_space<vmem_shared>> -> memref<16x64xf32, #tpu.memory_space<vmem_shared>>
          %dma_wait3A_70 = arith.constant 0 : i32
          %dma_wait3A_71 = arith.constant 0 : i32
          %dma_wait3A_72 = tpu.memref_slice %arg12[%dma_wait3A_70, %dma_wait3A_71] : memref<128x64xf32, #tpu.memory_space<vmem>> -> memref<16x64xf32, #tpu.memory_space<vmem>>
          tpu.wait_dma2 semaphore(%run_scoped3A : memref<!tpu.dma_semaphore, #tpu.memory_space<semaphore_mem>>) src(%dma_wait3A_72 : memref<16x64xf32, #tpu.memory_space<vmem>>) dst(%dma_wait3A_69 : memref<16x64xf32, #tpu.memory_space<vmem_shared>>)
          tpu.yield
        }) : () -> ()
      } else {
      }
    }
    %scan3A_11 = arith.constant 5 : i32
    %barrier3A = arith.constant 0 : index
    tpu.barrier barrier_id(%barrier3A)
    %mul3A_12 = arith.constant 327680 : i32
    %mul3A_13 = arith.muli %arg0, %mul3A_12 : i32
    %mul3A_14 = arith.constant 160 : i32
    %mul3A_15 = arith.muli %arg1, %mul3A_14 : i32
    %mul3A_16 = arith.constant 128 : i32
    %mul3A_17 = arith.muli %mul3A_15, %mul3A_16 : i32
    %add3A = arith.addi %mul3A_13, %mul3A_17 : i32
    %mul3A_18 = arith.constant 16 : i32
    %mul3A_19 = arith.muli %arg0, %mul3A_18 : i32
    %mul3A_20 = arith.constant 160 : i32
    %mul3A_21 = arith.muli %mul3A_19, %mul3A_20 : i32
    %mul3A_22 = arith.constant 160 : i32
    %mul3A_23 = arith.muli %arg1, %mul3A_22 : i32
    %add3A_24 = arith.addi %mul3A_21, %mul3A_23 : i32
    %scan3A_25 = arith.constant 0 : i32
    %scan3A_26 = arith.constant 0 : i32
    %scan3A_27 = arith.constant 20 : i32
    %scan3A_28 = arith.addi %scan3A_26, %scan3A_27 : i32
    %scan3A_29 = arith.constant 1 : i32
    scf.for %scan3A_38 = %scan3A_26 to %scan3A_28 step %scan3A_29  : i32 {
      %mul3A_39 = arith.constant 8 : i32
      %mul3A_40 = arith.muli %scan3A_38, %mul3A_39 : i32
      %mul3A_41 = arith.constant 128 : i32
      %mul3A_42 = arith.muli %mul3A_40, %mul3A_41 : i32
      %add3A_43 = arith.addi %add3A, %mul3A_42 : i32
      "tpu.region"() ({
        %run_scoped3A = tpu.sem_alloc : memref<!tpu.dma_semaphore, #tpu.memory_space<semaphore_mem>>
        %dma_start3A_237 = tpu.memref_slice %arg3[%add3A_43] : memref<655360xi32, #tpu.memory_space<hbm>> -> memref<1024xi32, #tpu.memory_space<hbm>>
        %dma_start3A_238 = tpu.memref_slice %arg3[%add3A_43] : memref<655360xi32, #tpu.memory_space<hbm>> -> memref<1024xi32, #tpu.memory_space<hbm>>
        tpu.enqueue_dma source(%dma_start3A_238 : memref<1024xi32, #tpu.memory_space<hbm>>) target(%arg9 : memref<1024xi32, #tpu.memory_space<vmem>>) target_semaphore(%run_scoped3A : memref<!tpu.dma_semaphore, #tpu.memory_space<semaphore_mem>>)
        %dma_wait3A_239 = tpu.memref_slice %arg3[%add3A_43] : memref<655360xi32, #tpu.memory_space<hbm>> -> memref<1024xi32, #tpu.memory_space<hbm>>
        %dma_wait3A_240 = tpu.memref_slice %arg3[%add3A_43] : memref<655360xi32, #tpu.memory_space<hbm>> -> memref<1024xi32, #tpu.memory_space<hbm>>
        tpu.wait_dma2 semaphore(%run_scoped3A : memref<!tpu.dma_semaphore, #tpu.memory_space<semaphore_mem>>) src(%dma_wait3A_240 : memref<1024xi32, #tpu.memory_space<hbm>>) dst(%arg9 : memref<1024xi32, #tpu.memory_space<vmem>>)
        tpu.yield
      }) : () -> ()
      %mul3A_44 = arith.constant 8 : i32
      %mul3A_45 = arith.muli %scan3A_38, %mul3A_44 : i32
      %add3A_46 = arith.addi %add3A_24, %mul3A_45 : i32
      "tpu.region"() ({
        %run_scoped3A = tpu.sem_alloc : memref<!tpu.dma_semaphore, #tpu.memory_space<semaphore_mem>>
        %dma_start3A_237 = arith.constant 0 : i32
        %dma_start3A_238 = tpu.memref_slice %arg4[%add3A_46, %dma_start3A_237] : memref<5120x128xi32, #tpu.memory_space<hbm>> -> memref<8x128xi32, #tpu.memory_space<hbm>>
        %dma_start3A_239 = arith.constant 0 : i32
        %dma_start3A_240 = tpu.memref_slice %arg4[%add3A_46, %dma_start3A_239] : memref<5120x128xi32, #tpu.memory_space<hbm>> -> memref<8x128xi32, #tpu.memory_space<hbm>>
        tpu.enqueue_dma source(%dma_start3A_240 : memref<8x128xi32, #tpu.memory_space<hbm>>) target(%arg10 : memref<8x128xi32, #tpu.memory_space<vmem>>) target_semaphore(%run_scoped3A : memref<!tpu.dma_semaphore, #tpu.memory_space<semaphore_mem>>)
        %dma_wait3A_241 = arith.constant 0 : i32
        %dma_wait3A_242 = tpu.memref_slice %arg4[%add3A_46, %dma_wait3A_241] : memref<5120x128xi32, #tpu.memory_space<hbm>> -> memref<8x128xi32, #tpu.memory_space<hbm>>
        %dma_wait3A_243 = arith.constant 0 : i32
        %dma_wait3A_244 = tpu.memref_slice %arg4[%add3A_46, %dma_wait3A_243] : memref<5120x128xi32, #tpu.memory_space<hbm>> -> memref<8x128xi32, #tpu.memory_space<hbm>>
        tpu.wait_dma2 semaphore(%run_scoped3A : memref<!tpu.dma_semaphore, #tpu.memory_space<semaphore_mem>>) src(%dma_wait3A_244 : memref<8x128xi32, #tpu.memory_space<hbm>>) dst(%arg10 : memref<8x128xi32, #tpu.memory_space<vmem>>)
        tpu.yield
      }) : () -> ()
      %dma_start3A = arith.constant 0 : i32
      %dma_start3A_47 = tpu.memref_slice %arg9[%dma_start3A] : memref<1024xi32, #tpu.memory_space<vmem>> -> memref<128xi32, #tpu.memory_space<vmem>>
      %dma_start3A_48 = arith.constant 0 : i32
      %dma_start3A_49 = arith.constant 0 : i32
      %dma_start3A_50 = tpu.memref_slice %arg16[%dma_start3A_48, %dma_start3A_49] : memref<10240x64xf32, #tpu.memory_space<vmem_shared>> -> memref<10240x64xf32, #tpu.memory_space<vmem_shared>>
      tpu.enqueue_indirect_dma source(%dma_start3A_50 : memref<10240x64xf32, #tpu.memory_space<vmem_shared>>) target(%arg11 : memref<128x64xf32, #tpu.memory_space<vmem>>) offsets(%dma_start3A_47 : memref<128xi32, #tpu.memory_space<vmem>>) semaphore(%arg19 : memref<!tpu.dma_semaphore, #tpu.memory_space<semaphore_mem>>)
      %dma_start3A_51 = arith.constant 128 : i32
      %dma_start3A_52 = tpu.memref_slice %arg9[%dma_start3A_51] : memref<1024xi32, #tpu.memory_space<vmem>> -> memref<128xi32, #tpu.memory_space<vmem>>
      %dma_start3A_53 = arith.constant 0 : i32
      %dma_start3A_54 = arith.constant 0 : i32
      %dma_start3A_55 = tpu.memref_slice %arg16[%dma_start3A_53, %dma_start3A_54] : memref<10240x64xf32, #tpu.memory_space<vmem_shared>> -> memref<10240x64xf32, #tpu.memory_space<vmem_shared>>
      tpu.enqueue_indirect_dma source(%dma_start3A_55 : memref<10240x64xf32, #tpu.memory_space<vmem_shared>>) target(%arg12 : memref<128x64xf32, #tpu.memory_space<vmem>>) offsets(%dma_start3A_52 : memref<128xi32, #tpu.memory_space<vmem>>) semaphore(%arg19 : memref<!tpu.dma_semaphore, #tpu.memory_space<semaphore_mem>>)
      %dma_start3A_56 = arith.constant 256 : i32
      %dma_start3A_57 = tpu.memref_slice %arg9[%dma_start3A_56] : memref<1024xi32, #tpu.memory_space<vmem>> -> memref<128xi32, #tpu.memory_space<vmem>>
      %dma_start3A_58 = arith.constant 0 : i32
      %dma_start3A_59 = arith.constant 0 : i32
      %dma_start3A_60 = tpu.memref_slice %arg16[%dma_start3A_58, %dma_start3A_59] : memref<10240x64xf32, #tpu.memory_space<vmem_shared>> -> memref<10240x64xf32, #tpu.memory_space<vmem_shared>>
      tpu.enqueue_indirect_dma source(%dma_start3A_60 : memref<10240x64xf32, #tpu.memory_space<vmem_shared>>) target(%arg13 : memref<128x64xf32, #tpu.memory_space<vmem>>) offsets(%dma_start3A_57 : memref<128xi32, #tpu.memory_space<vmem>>) semaphore(%arg19 : memref<!tpu.dma_semaphore, #tpu.memory_space<semaphore_mem>>)
      %dma_start3A_61 = arith.constant 384 : i32
      %dma_start3A_62 = tpu.memref_slice %arg9[%dma_start3A_61] : memref<1024xi32, #tpu.memory_space<vmem>> -> memref<128xi32, #tpu.memory_space<vmem>>
      %dma_start3A_63 = arith.constant 0 : i32
      %dma_start3A_64 = arith.constant 0 : i32
      %dma_start3A_65 = tpu.memref_slice %arg16[%dma_start3A_63, %dma_start3A_64] : memref<10240x64xf32, #tpu.memory_space<vmem_shared>> -> memref<10240x64xf32, #tpu.memory_space<vmem_shared>>
      tpu.enqueue_indirect_dma source(%dma_start3A_65 : memref<10240x64xf32, #tpu.memory_space<vmem_shared>>) target(%arg14 : memref<128x64xf32, #tpu.memory_space<vmem>>) offsets(%dma_start3A_62 : memref<128xi32, #tpu.memory_space<vmem>>) semaphore(%arg19 : memref<!tpu.dma_semaphore, #tpu.memory_space<semaphore_mem>>)
      %dma_wait3A = arith.constant 0 : i32
      %dma_wait3A_66 = tpu.memref_slice %arg9[%dma_wait3A] : memref<1024xi32, #tpu.memory_space<vmem>> -> memref<128xi32, #tpu.memory_space<vmem>>
      %dma_wait3A_67 = arith.constant 0 : i32
      %dma_wait3A_68 = arith.constant 0 : i32
      %dma_wait3A_69 = tpu.memref_slice %arg16[%dma_wait3A_67, %dma_wait3A_68] : memref<10240x64xf32, #tpu.memory_space<vmem_shared>> -> memref<10240x64xf32, #tpu.memory_space<vmem_shared>>
      tpu.wait_indirect_dma semaphore(%arg19 : memref<!tpu.dma_semaphore, #tpu.memory_space<semaphore_mem>>) src(%dma_wait3A_69 : memref<10240x64xf32, #tpu.memory_space<vmem_shared>>) dst(%arg11 : memref<128x64xf32, #tpu.memory_space<vmem>>)
      %dma_start3A_70 = arith.constant 0 : i32
      %dma_start3A_71 = arith.constant 0 : i32
      %dma_start3A_72 = tpu.memref_slice %arg10[%dma_start3A_70, %dma_start3A_71] : memref<8x128xi32, #tpu.memory_space<vmem>> -> memref<1x128xi32, #tpu.memory_space<vmem>>
      %dma_start3A_73 = tpu.memref_squeeze %dma_start3A_72 : memref<1x128xi32, #tpu.memory_space<vmem>> -> memref<128xi32, #tpu.memory_space<vmem>>
      %dma_start3A_74 = arith.constant 0 : i32
      %dma_start3A_75 = arith.constant 0 : i32
      %dma_start3A_76 = tpu.memref_slice %arg17[%dma_start3A_74, %dma_start3A_75] : memref<10240x64xf32, #tpu.memory_space<vmem_shared>> -> memref<10240x64xf32, #tpu.memory_space<vmem_shared>>
      tpu.enqueue_indirect_dma source(%arg11 : memref<128x64xf32, #tpu.memory_space<vmem>>) target(%dma_start3A_76 : memref<10240x64xf32, #tpu.memory_space<vmem_shared>>) offsets(%dma_start3A_73 : memref<128xi32, #tpu.memory_space<vmem>>) semaphore(%arg20 : memref<!tpu.dma_semaphore, #tpu.memory_space<semaphore_mem>>) {add = true}
      %dma_wait3A_77 = arith.constant 0 : i32
      %dma_wait3A_78 = arith.constant 0 : i32
      %dma_wait3A_79 = tpu.memref_slice %arg10[%dma_wait3A_77, %dma_wait3A_78] : memref<8x128xi32, #tpu.memory_space<vmem>> -> memref<1x128xi32, #tpu.memory_space<vmem>>
      %dma_wait3A_80 = tpu.memref_squeeze %dma_wait3A_79 : memref<1x128xi32, #tpu.memory_space<vmem>> -> memref<128xi32, #tpu.memory_space<vmem>>
      %dma_wait3A_81 = arith.constant 0 : i32
      %dma_wait3A_82 = arith.constant 0 : i32
      %dma_wait3A_83 = tpu.memref_slice %arg17[%dma_wait3A_81, %dma_wait3A_82] : memref<10240x64xf32, #tpu.memory_space<vmem_shared>> -> memref<10240x64xf32, #tpu.memory_space<vmem_shared>>
      tpu.wait_indirect_dma semaphore(%arg20 : memref<!tpu.dma_semaphore, #tpu.memory_space<semaphore_mem>>) src(%arg11 : memref<128x64xf32, #tpu.memory_space<vmem>>) dst(%dma_wait3A_83 : memref<10240x64xf32, #tpu.memory_space<vmem_shared>>)
      %dma_start3A_84 = arith.constant 512 : i32
      %dma_start3A_85 = tpu.memref_slice %arg9[%dma_start3A_84] : memref<1024xi32, #tpu.memory_space<vmem>> -> memref<128xi32, #tpu.memory_space<vmem>>
      %dma_start3A_86 = arith.constant 0 : i32
      %dma_start3A_87 = arith.constant 0 : i32
      %dma_start3A_88 = tpu.memref_slice %arg16[%dma_start3A_86, %dma_start3A_87] : memref<10240x64xf32, #tpu.memory_space<vmem_shared>> -> memref<10240x64xf32, #tpu.memory_space<vmem_shared>>
      tpu.enqueue_indirect_dma source(%dma_start3A_88 : memref<10240x64xf32, #tpu.memory_space<vmem_shared>>) target(%arg11 : memref<128x64xf32, #tpu.memory_space<vmem>>) offsets(%dma_start3A_85 : memref<128xi32, #tpu.memory_space<vmem>>) semaphore(%arg19 : memref<!tpu.dma_semaphore, #tpu.memory_space<semaphore_mem>>)
      %dma_wait3A_89 = arith.constant 128 : i32
      %dma_wait3A_90 = tpu.memref_slice %arg9[%dma_wait3A_89] : memref<1024xi32, #tpu.memory_space<vmem>> -> memref<128xi32, #tpu.memory_space<vmem>>
      %dma_wait3A_91 = arith.constant 0 : i32
      %dma_wait3A_92 = arith.constant 0 : i32
      %dma_wait3A_93 = tpu.memref_slice %arg16[%dma_wait3A_91, %dma_wait3A_92] : memref<10240x64xf32, #tpu.memory_space<vmem_shared>> -> memref<10240x64xf32, #tpu.memory_space<vmem_shared>>
      tpu.wait_indirect_dma semaphore(%arg19 : memref<!tpu.dma_semaphore, #tpu.memory_space<semaphore_mem>>) src(%dma_wait3A_93 : memref<10240x64xf32, #tpu.memory_space<vmem_shared>>) dst(%arg12 : memref<128x64xf32, #tpu.memory_space<vmem>>)
      %dma_start3A_94 = arith.constant 1 : i32
      %dma_start3A_95 = arith.constant 0 : i32
      %dma_start3A_96 = tpu.memref_slice %arg10[%dma_start3A_94, %dma_start3A_95] : memref<8x128xi32, #tpu.memory_space<vmem>> -> memref<1x128xi32, #tpu.memory_space<vmem>>
      %dma_start3A_97 = tpu.memref_squeeze %dma_start3A_96 : memref<1x128xi32, #tpu.memory_space<vmem>> -> memref<128xi32, #tpu.memory_space<vmem>>
      %dma_start3A_98 = arith.constant 0 : i32
      %dma_start3A_99 = arith.constant 0 : i32
      %dma_start3A_100 = tpu.memref_slice %arg17[%dma_start3A_98, %dma_start3A_99] : memref<10240x64xf32, #tpu.memory_space<vmem_shared>> -> memref<10240x64xf32, #tpu.memory_space<vmem_shared>>
      tpu.enqueue_indirect_dma source(%arg12 : memref<128x64xf32, #tpu.memory_space<vmem>>) target(%dma_start3A_100 : memref<10240x64xf32, #tpu.memory_space<vmem_shared>>) offsets(%dma_start3A_97 : memref<128xi32, #tpu.memory_space<vmem>>) semaphore(%arg20 : memref<!tpu.dma_semaphore, #tpu.memory_space<semaphore_mem>>) {add = true}
      %dma_wait3A_101 = arith.constant 1 : i32
      %dma_wait3A_102 = arith.constant 0 : i32
      %dma_wait3A_103 = tpu.memref_slice %arg10[%dma_wait3A_101, %dma_wait3A_102] : memref<8x128xi32, #tpu.memory_space<vmem>> -> memref<1x128xi32, #tpu.memory_space<vmem>>
      %dma_wait3A_104 = tpu.memref_squeeze %dma_wait3A_103 : memref<1x128xi32, #tpu.memory_space<vmem>> -> memref<128xi32, #tpu.memory_space<vmem>>
      %dma_wait3A_105 = arith.constant 0 : i32
      %dma_wait3A_106 = arith.constant 0 : i32
      %dma_wait3A_107 = tpu.memref_slice %arg17[%dma_wait3A_105, %dma_wait3A_106] : memref<10240x64xf32, #tpu.memory_space<vmem_shared>> -> memref<10240x64xf32, #tpu.memory_space<vmem_shared>>
      tpu.wait_indirect_dma semaphore(%arg20 : memref<!tpu.dma_semaphore, #tpu.memory_space<semaphore_mem>>) src(%arg12 : memref<128x64xf32, #tpu.memory_space<vmem>>) dst(%dma_wait3A_107 : memref<10240x64xf32, #tpu.memory_space<vmem_shared>>)
      %dma_start3A_108 = arith.constant 640 : i32
      %dma_start3A_109 = tpu.memref_slice %arg9[%dma_start3A_108] : memref<1024xi32, #tpu.memory_space<vmem>> -> memref<128xi32, #tpu.memory_space<vmem>>
      %dma_start3A_110 = arith.constant 0 : i32
      %dma_start3A_111 = arith.constant 0 : i32
      %dma_start3A_112 = tpu.memref_slice %arg16[%dma_start3A_110, %dma_start3A_111] : memref<10240x64xf32, #tpu.memory_space<vmem_shared>> -> memref<10240x64xf32, #tpu.memory_space<vmem_shared>>
      tpu.enqueue_indirect_dma source(%dma_start3A_112 : memref<10240x64xf32, #tpu.memory_space<vmem_shared>>) target(%arg12 : memref<128x64xf32, #tpu.memory_space<vmem>>) offsets(%dma_start3A_109 : memref<128xi32, #tpu.memory_space<vmem>>) semaphore(%arg19 : memref<!tpu.dma_semaphore, #tpu.memory_space<semaphore_mem>>)
      %dma_wait3A_113 = arith.constant 256 : i32
      %dma_wait3A_114 = tpu.memref_slice %arg9[%dma_wait3A_113] : memref<1024xi32, #tpu.memory_space<vmem>> -> memref<128xi32, #tpu.memory_space<vmem>>
      %dma_wait3A_115 = arith.constant 0 : i32
      %dma_wait3A_116 = arith.constant 0 : i32
      %dma_wait3A_117 = tpu.memref_slice %arg16[%dma_wait3A_115, %dma_wait3A_116] : memref<10240x64xf32, #tpu.memory_space<vmem_shared>> -> memref<10240x64xf32, #tpu.memory_space<vmem_shared>>
      tpu.wait_indirect_dma semaphore(%arg19 : memref<!tpu.dma_semaphore, #tpu.memory_space<semaphore_mem>>) src(%dma_wait3A_117 : memref<10240x64xf32, #tpu.memory_space<vmem_shared>>) dst(%arg13 : memref<128x64xf32, #tpu.memory_space<vmem>>)
      %dma_start3A_118 = arith.constant 2 : i32
      %dma_start3A_119 = arith.constant 0 : i32
      %dma_start3A_120 = tpu.memref_slice %arg10[%dma_start3A_118, %dma_start3A_119] : memref<8x128xi32, #tpu.memory_space<vmem>> -> memref<1x128xi32, #tpu.memory_space<vmem>>
      %dma_start3A_121 = tpu.memref_squeeze %dma_start3A_120 : memref<1x128xi32, #tpu.memory_space<vmem>> -> memref<128xi32, #tpu.memory_space<vmem>>
      %dma_start3A_122 = arith.constant 0 : i32
      %dma_start3A_123 = arith.constant 0 : i32
      %dma_start3A_124 = tpu.memref_slice %arg17[%dma_start3A_122, %dma_start3A_123] : memref<10240x64xf32, #tpu.memory_space<vmem_shared>> -> memref<10240x64xf32, #tpu.memory_space<vmem_shared>>
      tpu.enqueue_indirect_dma source(%arg13 : memref<128x64xf32, #tpu.memory_space<vmem>>) target(%dma_start3A_124 : memref<10240x64xf32, #tpu.memory_space<vmem_shared>>) offsets(%dma_start3A_121 : memref<128xi32, #tpu.memory_space<vmem>>) semaphore(%arg20 : memref<!tpu.dma_semaphore, #tpu.memory_space<semaphore_mem>>) {add = true}
      %dma_wait3A_125 = arith.constant 2 : i32
      %dma_wait3A_126 = arith.constant 0 : i32
      %dma_wait3A_127 = tpu.memref_slice %arg10[%dma_wait3A_125, %dma_wait3A_126] : memref<8x128xi32, #tpu.memory_space<vmem>> -> memref<1x128xi32, #tpu.memory_space<vmem>>
      %dma_wait3A_128 = tpu.memref_squeeze %dma_wait3A_127 : memref<1x128xi32, #tpu.memory_space<vmem>> -> memref<128xi32, #tpu.memory_space<vmem>>
      %dma_wait3A_129 = arith.constant 0 : i32
      %dma_wait3A_130 = arith.constant 0 : i32
      %dma_wait3A_131 = tpu.memref_slice %arg17[%dma_wait3A_129, %dma_wait3A_130] : memref<10240x64xf32, #tpu.memory_space<vmem_shared>> -> memref<10240x64xf32, #tpu.memory_space<vmem_shared>>
      tpu.wait_indirect_dma semaphore(%arg20 : memref<!tpu.dma_semaphore, #tpu.memory_space<semaphore_mem>>) src(%arg13 : memref<128x64xf32, #tpu.memory_space<vmem>>) dst(%dma_wait3A_131 : memref<10240x64xf32, #tpu.memory_space<vmem_shared>>)
      %dma_start3A_132 = arith.constant 768 : i32
      %dma_start3A_133 = tpu.memref_slice %arg9[%dma_start3A_132] : memref<1024xi32, #tpu.memory_space<vmem>> -> memref<128xi32, #tpu.memory_space<vmem>>
      %dma_start3A_134 = arith.constant 0 : i32
      %dma_start3A_135 = arith.constant 0 : i32
      %dma_start3A_136 = tpu.memref_slice %arg16[%dma_start3A_134, %dma_start3A_135] : memref<10240x64xf32, #tpu.memory_space<vmem_shared>> -> memref<10240x64xf32, #tpu.memory_space<vmem_shared>>
      tpu.enqueue_indirect_dma source(%dma_start3A_136 : memref<10240x64xf32, #tpu.memory_space<vmem_shared>>) target(%arg13 : memref<128x64xf32, #tpu.memory_space<vmem>>) offsets(%dma_start3A_133 : memref<128xi32, #tpu.memory_space<vmem>>) semaphore(%arg19 : memref<!tpu.dma_semaphore, #tpu.memory_space<semaphore_mem>>)
      %dma_wait3A_137 = arith.constant 384 : i32
      %dma_wait3A_138 = tpu.memref_slice %arg9[%dma_wait3A_137] : memref<1024xi32, #tpu.memory_space<vmem>> -> memref<128xi32, #tpu.memory_space<vmem>>
      %dma_wait3A_139 = arith.constant 0 : i32
      %dma_wait3A_140 = arith.constant 0 : i32
      %dma_wait3A_141 = tpu.memref_slice %arg16[%dma_wait3A_139, %dma_wait3A_140] : memref<10240x64xf32, #tpu.memory_space<vmem_shared>> -> memref<10240x64xf32, #tpu.memory_space<vmem_shared>>
      tpu.wait_indirect_dma semaphore(%arg19 : memref<!tpu.dma_semaphore, #tpu.memory_space<semaphore_mem>>) src(%dma_wait3A_141 : memref<10240x64xf32, #tpu.memory_space<vmem_shared>>) dst(%arg14 : memref<128x64xf32, #tpu.memory_space<vmem>>)
      %dma_start3A_142 = arith.constant 3 : i32
      %dma_start3A_143 = arith.constant 0 : i32
      %dma_start3A_144 = tpu.memref_slice %arg10[%dma_start3A_142, %dma_start3A_143] : memref<8x128xi32, #tpu.memory_space<vmem>> -> memref<1x128xi32, #tpu.memory_space<vmem>>
      %dma_start3A_145 = tpu.memref_squeeze %dma_start3A_144 : memref<1x128xi32, #tpu.memory_space<vmem>> -> memref<128xi32, #tpu.memory_space<vmem>>
      %dma_start3A_146 = arith.constant 0 : i32
      %dma_start3A_147 = arith.constant 0 : i32
      %dma_start3A_148 = tpu.memref_slice %arg17[%dma_start3A_146, %dma_start3A_147] : memref<10240x64xf32, #tpu.memory_space<vmem_shared>> -> memref<10240x64xf32, #tpu.memory_space<vmem_shared>>
      tpu.enqueue_indirect_dma source(%arg14 : memref<128x64xf32, #tpu.memory_space<vmem>>) target(%dma_start3A_148 : memref<10240x64xf32, #tpu.memory_space<vmem_shared>>) offsets(%dma_start3A_145 : memref<128xi32, #tpu.memory_space<vmem>>) semaphore(%arg20 : memref<!tpu.dma_semaphore, #tpu.memory_space<semaphore_mem>>) {add = true}
      %dma_wait3A_149 = arith.constant 3 : i32
      %dma_wait3A_150 = arith.constant 0 : i32
      %dma_wait3A_151 = tpu.memref_slice %arg10[%dma_wait3A_149, %dma_wait3A_150] : memref<8x128xi32, #tpu.memory_space<vmem>> -> memref<1x128xi32, #tpu.memory_space<vmem>>
      %dma_wait3A_152 = tpu.memref_squeeze %dma_wait3A_151 : memref<1x128xi32, #tpu.memory_space<vmem>> -> memref<128xi32, #tpu.memory_space<vmem>>
      %dma_wait3A_153 = arith.constant 0 : i32
      %dma_wait3A_154 = arith.constant 0 : i32
      %dma_wait3A_155 = tpu.memref_slice %arg17[%dma_wait3A_153, %dma_wait3A_154] : memref<10240x64xf32, #tpu.memory_space<vmem_shared>> -> memref<10240x64xf32, #tpu.memory_space<vmem_shared>>
      tpu.wait_indirect_dma semaphore(%arg20 : memref<!tpu.dma_semaphore, #tpu.memory_space<semaphore_mem>>) src(%arg14 : memref<128x64xf32, #tpu.memory_space<vmem>>) dst(%dma_wait3A_155 : memref<10240x64xf32, #tpu.memory_space<vmem_shared>>)
      %dma_start3A_156 = arith.constant 896 : i32
      %dma_start3A_157 = tpu.memref_slice %arg9[%dma_start3A_156] : memref<1024xi32, #tpu.memory_space<vmem>> -> memref<128xi32, #tpu.memory_space<vmem>>
      %dma_start3A_158 = arith.constant 0 : i32
      %dma_start3A_159 = arith.constant 0 : i32
      %dma_start3A_160 = tpu.memref_slice %arg16[%dma_start3A_158, %dma_start3A_159] : memref<10240x64xf32, #tpu.memory_space<vmem_shared>> -> memref<10240x64xf32, #tpu.memory_space<vmem_shared>>
      tpu.enqueue_indirect_dma source(%dma_start3A_160 : memref<10240x64xf32, #tpu.memory_space<vmem_shared>>) target(%arg14 : memref<128x64xf32, #tpu.memory_space<vmem>>) offsets(%dma_start3A_157 : memref<128xi32, #tpu.memory_space<vmem>>) semaphore(%arg19 : memref<!tpu.dma_semaphore, #tpu.memory_space<semaphore_mem>>)
      %dma_wait3A_161 = arith.constant 512 : i32
      %dma_wait3A_162 = tpu.memref_slice %arg9[%dma_wait3A_161] : memref<1024xi32, #tpu.memory_space<vmem>> -> memref<128xi32, #tpu.memory_space<vmem>>
      %dma_wait3A_163 = arith.constant 0 : i32
      %dma_wait3A_164 = arith.constant 0 : i32
      %dma_wait3A_165 = tpu.memref_slice %arg16[%dma_wait3A_163, %dma_wait3A_164] : memref<10240x64xf32, #tpu.memory_space<vmem_shared>> -> memref<10240x64xf32, #tpu.memory_space<vmem_shared>>
      tpu.wait_indirect_dma semaphore(%arg19 : memref<!tpu.dma_semaphore, #tpu.memory_space<semaphore_mem>>) src(%dma_wait3A_165 : memref<10240x64xf32, #tpu.memory_space<vmem_shared>>) dst(%arg11 : memref<128x64xf32, #tpu.memory_space<vmem>>)
      %dma_start3A_166 = arith.constant 4 : i32
      %dma_start3A_167 = arith.constant 0 : i32
      %dma_start3A_168 = tpu.memref_slice %arg10[%dma_start3A_166, %dma_start3A_167] : memref<8x128xi32, #tpu.memory_space<vmem>> -> memref<1x128xi32, #tpu.memory_space<vmem>>
      %dma_start3A_169 = tpu.memref_squeeze %dma_start3A_168 : memref<1x128xi32, #tpu.memory_space<vmem>> -> memref<128xi32, #tpu.memory_space<vmem>>
      %dma_start3A_170 = arith.constant 0 : i32
      %dma_start3A_171 = arith.constant 0 : i32
      %dma_start3A_172 = tpu.memref_slice %arg17[%dma_start3A_170, %dma_start3A_171] : memref<10240x64xf32, #tpu.memory_space<vmem_shared>> -> memref<10240x64xf32, #tpu.memory_space<vmem_shared>>
      tpu.enqueue_indirect_dma source(%arg11 : memref<128x64xf32, #tpu.memory_space<vmem>>) target(%dma_start3A_172 : memref<10240x64xf32, #tpu.memory_space<vmem_shared>>) offsets(%dma_start3A_169 : memref<128xi32, #tpu.memory_space<vmem>>) semaphore(%arg20 : memref<!tpu.dma_semaphore, #tpu.memory_space<semaphore_mem>>) {add = true}
      %dma_wait3A_173 = arith.constant 640 : i32
      %dma_wait3A_174 = tpu.memref_slice %arg9[%dma_wait3A_173] : memref<1024xi32, #tpu.memory_space<vmem>> -> memref<128xi32, #tpu.memory_space<vmem>>
      %dma_wait3A_175 = arith.constant 0 : i32
      %dma_wait3A_176 = arith.constant 0 : i32
      %dma_wait3A_177 = tpu.memref_slice %arg16[%dma_wait3A_175, %dma_wait3A_176] : memref<10240x64xf32, #tpu.memory_space<vmem_shared>> -> memref<10240x64xf32, #tpu.memory_space<vmem_shared>>
      tpu.wait_indirect_dma semaphore(%arg19 : memref<!tpu.dma_semaphore, #tpu.memory_space<semaphore_mem>>) src(%dma_wait3A_177 : memref<10240x64xf32, #tpu.memory_space<vmem_shared>>) dst(%arg12 : memref<128x64xf32, #tpu.memory_space<vmem>>)
      %dma_start3A_178 = arith.constant 5 : i32
      %dma_start3A_179 = arith.constant 0 : i32
      %dma_start3A_180 = tpu.memref_slice %arg10[%dma_start3A_178, %dma_start3A_179] : memref<8x128xi32, #tpu.memory_space<vmem>> -> memref<1x128xi32, #tpu.memory_space<vmem>>
      %dma_start3A_181 = tpu.memref_squeeze %dma_start3A_180 : memref<1x128xi32, #tpu.memory_space<vmem>> -> memref<128xi32, #tpu.memory_space<vmem>>
      %dma_start3A_182 = arith.constant 0 : i32
      %dma_start3A_183 = arith.constant 0 : i32
      %dma_start3A_184 = tpu.memref_slice %arg17[%dma_start3A_182, %dma_start3A_183] : memref<10240x64xf32, #tpu.memory_space<vmem_shared>> -> memref<10240x64xf32, #tpu.memory_space<vmem_shared>>
      tpu.enqueue_indirect_dma source(%arg12 : memref<128x64xf32, #tpu.memory_space<vmem>>) target(%dma_start3A_184 : memref<10240x64xf32, #tpu.memory_space<vmem_shared>>) offsets(%dma_start3A_181 : memref<128xi32, #tpu.memory_space<vmem>>) semaphore(%arg20 : memref<!tpu.dma_semaphore, #tpu.memory_space<semaphore_mem>>) {add = true}
      %dma_wait3A_185 = arith.constant 768 : i32
      %dma_wait3A_186 = tpu.memref_slice %arg9[%dma_wait3A_185] : memref<1024xi32, #tpu.memory_space<vmem>> -> memref<128xi32, #tpu.memory_space<vmem>>
      %dma_wait3A_187 = arith.constant 0 : i32
      %dma_wait3A_188 = arith.constant 0 : i32
      %dma_wait3A_189 = tpu.memref_slice %arg16[%dma_wait3A_187, %dma_wait3A_188] : memref<10240x64xf32, #tpu.memory_space<vmem_shared>> -> memref<10240x64xf32, #tpu.memory_space<vmem_shared>>
      tpu.wait_indirect_dma semaphore(%arg19 : memref<!tpu.dma_semaphore, #tpu.memory_space<semaphore_mem>>) src(%dma_wait3A_189 : memref<10240x64xf32, #tpu.memory_space<vmem_shared>>) dst(%arg13 : memref<128x64xf32, #tpu.memory_space<vmem>>)
      %dma_start3A_190 = arith.constant 6 : i32
      %dma_start3A_191 = arith.constant 0 : i32
      %dma_start3A_192 = tpu.memref_slice %arg10[%dma_start3A_190, %dma_start3A_191] : memref<8x128xi32, #tpu.memory_space<vmem>> -> memref<1x128xi32, #tpu.memory_space<vmem>>
      %dma_start3A_193 = tpu.memref_squeeze %dma_start3A_192 : memref<1x128xi32, #tpu.memory_space<vmem>> -> memref<128xi32, #tpu.memory_space<vmem>>
      %dma_start3A_194 = arith.constant 0 : i32
      %dma_start3A_195 = arith.constant 0 : i32
      %dma_start3A_196 = tpu.memref_slice %arg17[%dma_start3A_194, %dma_start3A_195] : memref<10240x64xf32, #tpu.memory_space<vmem_shared>> -> memref<10240x64xf32, #tpu.memory_space<vmem_shared>>
      tpu.enqueue_indirect_dma source(%arg13 : memref<128x64xf32, #tpu.memory_space<vmem>>) target(%dma_start3A_196 : memref<10240x64xf32, #tpu.memory_space<vmem_shared>>) offsets(%dma_start3A_193 : memref<128xi32, #tpu.memory_space<vmem>>) semaphore(%arg20 : memref<!tpu.dma_semaphore, #tpu.memory_space<semaphore_mem>>) {add = true}
      %dma_wait3A_197 = arith.constant 896 : i32
      %dma_wait3A_198 = tpu.memref_slice %arg9[%dma_wait3A_197] : memref<1024xi32, #tpu.memory_space<vmem>> -> memref<128xi32, #tpu.memory_space<vmem>>
      %dma_wait3A_199 = arith.constant 0 : i32
      %dma_wait3A_200 = arith.constant 0 : i32
      %dma_wait3A_201 = tpu.memref_slice %arg16[%dma_wait3A_199, %dma_wait3A_200] : memref<10240x64xf32, #tpu.memory_space<vmem_shared>> -> memref<10240x64xf32, #tpu.memory_space<vmem_shared>>
      tpu.wait_indirect_dma semaphore(%arg19 : memref<!tpu.dma_semaphore, #tpu.memory_space<semaphore_mem>>) src(%dma_wait3A_201 : memref<10240x64xf32, #tpu.memory_space<vmem_shared>>) dst(%arg14 : memref<128x64xf32, #tpu.memory_space<vmem>>)
      %dma_start3A_202 = arith.constant 7 : i32
      %dma_start3A_203 = arith.constant 0 : i32
      %dma_start3A_204 = tpu.memref_slice %arg10[%dma_start3A_202, %dma_start3A_203] : memref<8x128xi32, #tpu.memory_space<vmem>> -> memref<1x128xi32, #tpu.memory_space<vmem>>
      %dma_start3A_205 = tpu.memref_squeeze %dma_start3A_204 : memref<1x128xi32, #tpu.memory_space<vmem>> -> memref<128xi32, #tpu.memory_space<vmem>>
      %dma_start3A_206 = arith.constant 0 : i32
      %dma_start3A_207 = arith.constant 0 : i32
      %dma_start3A_208 = tpu.memref_slice %arg17[%dma_start3A_206, %dma_start3A_207] : memref<10240x64xf32, #tpu.memory_space<vmem_shared>> -> memref<10240x64xf32, #tpu.memory_space<vmem_shared>>
      tpu.enqueue_indirect_dma source(%arg14 : memref<128x64xf32, #tpu.memory_space<vmem>>) target(%dma_start3A_208 : memref<10240x64xf32, #tpu.memory_space<vmem_shared>>) offsets(%dma_start3A_205 : memref<128xi32, #tpu.memory_space<vmem>>) semaphore(%arg20 : memref<!tpu.dma_semaphore, #tpu.memory_space<semaphore_mem>>) {add = true}
      %dma_wait3A_209 = arith.constant 4 : i32
      %dma_wait3A_210 = arith.constant 0 : i32
      %dma_wait3A_211 = tpu.memref_slice %arg10[%dma_wait3A_209, %dma_wait3A_210] : memref<8x128xi32, #tpu.memory_space<vmem>> -> memref<1x128xi32, #tpu.memory_space<vmem>>
      %dma_wait3A_212 = tpu.memref_squeeze %dma_wait3A_211 : memref<1x128xi32, #tpu.memory_space<vmem>> -> memref<128xi32, #tpu.memory_space<vmem>>
      %dma_wait3A_213 = arith.constant 0 : i32
      %dma_wait3A_214 = arith.constant 0 : i32
      %dma_wait3A_215 = tpu.memref_slice %arg17[%dma_wait3A_213, %dma_wait3A_214] : memref<10240x64xf32, #tpu.memory_space<vmem_shared>> -> memref<10240x64xf32, #tpu.memory_space<vmem_shared>>
      tpu.wait_indirect_dma semaphore(%arg20 : memref<!tpu.dma_semaphore, #tpu.memory_space<semaphore_mem>>) src(%arg11 : memref<128x64xf32, #tpu.memory_space<vmem>>) dst(%dma_wait3A_215 : memref<10240x64xf32, #tpu.memory_space<vmem_shared>>)
      %dma_wait3A_216 = arith.constant 5 : i32
      %dma_wait3A_217 = arith.constant 0 : i32
      %dma_wait3A_218 = tpu.memref_slice %arg10[%dma_wait3A_216, %dma_wait3A_217] : memref<8x128xi32, #tpu.memory_space<vmem>> -> memref<1x128xi32, #tpu.memory_space<vmem>>
      %dma_wait3A_219 = tpu.memref_squeeze %dma_wait3A_218 : memref<1x128xi32, #tpu.memory_space<vmem>> -> memref<128xi32, #tpu.memory_space<vmem>>
      %dma_wait3A_220 = arith.constant 0 : i32
      %dma_wait3A_221 = arith.constant 0 : i32
      %dma_wait3A_222 = tpu.memref_slice %arg17[%dma_wait3A_220, %dma_wait3A_221] : memref<10240x64xf32, #tpu.memory_space<vmem_shared>> -> memref<10240x64xf32, #tpu.memory_space<vmem_shared>>
      tpu.wait_indirect_dma semaphore(%arg20 : memref<!tpu.dma_semaphore, #tpu.memory_space<semaphore_mem>>) src(%arg12 : memref<128x64xf32, #tpu.memory_space<vmem>>) dst(%dma_wait3A_222 : memref<10240x64xf32, #tpu.memory_space<vmem_shared>>)
      %dma_wait3A_223 = arith.constant 6 : i32
      %dma_wait3A_224 = arith.constant 0 : i32
      %dma_wait3A_225 = tpu.memref_slice %arg10[%dma_wait3A_223, %dma_wait3A_224] : memref<8x128xi32, #tpu.memory_space<vmem>> -> memref<1x128xi32, #tpu.memory_space<vmem>>
      %dma_wait3A_226 = tpu.memref_squeeze %dma_wait3A_225 : memref<1x128xi32, #tpu.memory_space<vmem>> -> memref<128xi32, #tpu.memory_space<vmem>>
      %dma_wait3A_227 = arith.constant 0 : i32
      %dma_wait3A_228 = arith.constant 0 : i32
      %dma_wait3A_229 = tpu.memref_slice %arg17[%dma_wait3A_227, %dma_wait3A_228] : memref<10240x64xf32, #tpu.memory_space<vmem_shared>> -> memref<10240x64xf32, #tpu.memory_space<vmem_shared>>
      tpu.wait_indirect_dma semaphore(%arg20 : memref<!tpu.dma_semaphore, #tpu.memory_space<semaphore_mem>>) src(%arg13 : memref<128x64xf32, #tpu.memory_space<vmem>>) dst(%dma_wait3A_229 : memref<10240x64xf32, #tpu.memory_space<vmem_shared>>)
      %dma_wait3A_230 = arith.constant 7 : i32
      %dma_wait3A_231 = arith.constant 0 : i32
      %dma_wait3A_232 = tpu.memref_slice %arg10[%dma_wait3A_230, %dma_wait3A_231] : memref<8x128xi32, #tpu.memory_space<vmem>> -> memref<1x128xi32, #tpu.memory_space<vmem>>
      %dma_wait3A_233 = tpu.memref_squeeze %dma_wait3A_232 : memref<1x128xi32, #tpu.memory_space<vmem>> -> memref<128xi32, #tpu.memory_space<vmem>>
      %dma_wait3A_234 = arith.constant 0 : i32
      %dma_wait3A_235 = arith.constant 0 : i32
      %dma_wait3A_236 = tpu.memref_slice %arg17[%dma_wait3A_234, %dma_wait3A_235] : memref<10240x64xf32, #tpu.memory_space<vmem_shared>> -> memref<10240x64xf32, #tpu.memory_space<vmem_shared>>
      tpu.wait_indirect_dma semaphore(%arg20 : memref<!tpu.dma_semaphore, #tpu.memory_space<semaphore_mem>>) src(%arg14 : memref<128x64xf32, #tpu.memory_space<vmem>>) dst(%dma_wait3A_236 : memref<10240x64xf32, #tpu.memory_space<vmem_shared>>)
    }
    %scan3A_30 = arith.constant 20 : i32
    %barrier3A_31 = arith.constant 0 : index
    tpu.barrier barrier_id(%barrier3A_31)
    %scan3A_32 = arith.constant 0 : i32
    %scan3A_33 = arith.constant 0 : i32
    %scan3A_34 = arith.constant 5 : i32
    %scan3A_35 = arith.addi %scan3A_33, %scan3A_34 : i32
    %scan3A_36 = arith.constant 1 : i32
    scf.for %scan3A_38 = %scan3A_33 to %scan3A_35 step %scan3A_36  : i32 {
      %mul3A_39 = arith.constant 128 : i32
      %mul3A_40 = arith.muli %scan3A_38, %mul3A_39 : i32
      %add3A_41 = arith.addi %mul3A_0, %mul3A_40 : i32
      "tpu.region"() ({
        %run_scoped3A = tpu.sem_alloc : memref<!tpu.dma_semaphore, #tpu.memory_space<semaphore_mem>>
        %dma_start3A = arith.constant 0 : i32
        %dma_start3A_42 = tpu.memref_slice %arg17[%add3A_41, %dma_start3A] : memref<10240x64xf32, #tpu.memory_space<vmem_shared>> -> memref<128x64xf32, #tpu.memory_space<vmem_shared>>
        %dma_start3A_43 = arith.constant 0 : i32
        %dma_start3A_44 = tpu.memref_slice %arg17[%add3A_41, %dma_start3A_43] : memref<10240x64xf32, #tpu.memory_space<vmem_shared>> -> memref<128x64xf32, #tpu.memory_space<vmem_shared>>
        tpu.enqueue_dma source(%dma_start3A_44 : memref<128x64xf32, #tpu.memory_space<vmem_shared>>) target(%arg11 : memref<128x64xf32, #tpu.memory_space<vmem>>) target_semaphore(%run_scoped3A : memref<!tpu.dma_semaphore, #tpu.memory_space<semaphore_mem>>)
        %dma_wait3A = arith.constant 0 : i32
        %dma_wait3A_45 = tpu.memref_slice %arg17[%add3A_41, %dma_wait3A] : memref<10240x64xf32, #tpu.memory_space<vmem_shared>> -> memref<128x64xf32, #tpu.memory_space<vmem_shared>>
        %dma_wait3A_46 = arith.constant 0 : i32
        %dma_wait3A_47 = tpu.memref_slice %arg17[%add3A_41, %dma_wait3A_46] : memref<10240x64xf32, #tpu.memory_space<vmem_shared>> -> memref<128x64xf32, #tpu.memory_space<vmem_shared>>
        tpu.wait_dma2 semaphore(%run_scoped3A : memref<!tpu.dma_semaphore, #tpu.memory_space<semaphore_mem>>) src(%dma_wait3A_47 : memref<128x64xf32, #tpu.memory_space<vmem_shared>>) dst(%arg11 : memref<128x64xf32, #tpu.memory_space<vmem>>)
        tpu.yield
      }) : () -> ()
      "tpu.region"() ({
        %run_scoped3A = tpu.sem_alloc : memref<!tpu.dma_semaphore, #tpu.memory_space<semaphore_mem>>
        %dma_start3A = arith.constant 0 : i32
        %dma_start3A_42 = tpu.memref_slice %arg8[%arg0, %add3A_41, %dma_start3A] : memref<2x10240x64xf32, #tpu.memory_space<hbm>> -> memref<1x128x64xf32, #tpu.memory_space<hbm>>
        %dma_start3A_43 = tpu.memref_squeeze %dma_start3A_42 : memref<1x128x64xf32, #tpu.memory_space<hbm>> -> memref<128x64xf32, #tpu.memory_space<hbm>>
        %dma_start3A_44 = arith.constant 0 : i32
        %dma_start3A_45 = tpu.memref_slice %arg8[%arg0, %add3A_41, %dma_start3A_44] : memref<2x10240x64xf32, #tpu.memory_space<hbm>> -> memref<1x128x64xf32, #tpu.memory_space<hbm>>
        %dma_start3A_46 = tpu.memref_squeeze %dma_start3A_45 : memref<1x128x64xf32, #tpu.memory_space<hbm>> -> memref<128x64xf32, #tpu.memory_space<hbm>>
        tpu.enqueue_dma source(%arg11 : memref<128x64xf32, #tpu.memory_space<vmem>>) target(%dma_start3A_46 : memref<128x64xf32, #tpu.memory_space<hbm>>) target_semaphore(%run_scoped3A : memref<!tpu.dma_semaphore, #tpu.memory_space<semaphore_mem>>)
        %dma_wait3A = arith.constant 0 : i32
        %dma_wait3A_47 = tpu.memref_slice %arg8[%arg0, %add3A_41, %dma_wait3A] : memref<2x10240x64xf32, #tpu.memory_space<hbm>> -> memref<1x128x64xf32, #tpu.memory_space<hbm>>
        %dma_wait3A_48 = tpu.memref_squeeze %dma_wait3A_47 : memref<1x128x64xf32, #tpu.memory_space<hbm>> -> memref<128x64xf32, #tpu.memory_space<hbm>>
        %dma_wait3A_49 = arith.constant 0 : i32
        %dma_wait3A_50 = tpu.memref_slice %arg8[%arg0, %add3A_41, %dma_wait3A_49] : memref<2x10240x64xf32, #tpu.memory_space<hbm>> -> memref<1x128x64xf32, #tpu.memory_space<hbm>>
        %dma_wait3A_51 = tpu.memref_squeeze %dma_wait3A_50 : memref<1x128x64xf32, #tpu.memory_space<hbm>> -> memref<128x64xf32, #tpu.memory_space<hbm>>
        tpu.wait_dma2 semaphore(%run_scoped3A : memref<!tpu.dma_semaphore, #tpu.memory_space<semaphore_mem>>) src(%arg11 : memref<128x64xf32, #tpu.memory_space<vmem>>) dst(%dma_wait3A_51 : memref<128x64xf32, #tpu.memory_space<hbm>>)
        tpu.yield
      }) : () -> ()
    }
    %scan3A_37 = arith.constant 5 : i32
    return
  }
}

#map = affine_map<(d0, d1) -> (0, 0)>
#map1 = affine_map<(d0, d1) -> (0)>
#map2 = affine_map<(d0, d1) -> (0, 0, 0)>
module attributes {stable_mosaic.version = 14 : i64} {
  func.func @sc_agg(%arg0: i32, %arg1: i32, %arg2: memref<10000x64xf32, #tpu.memory_space<hbm>>, %arg3: memref<655360xi32, #tpu.memory_space<hbm>>, %arg4: memref<5120x128xi32, #tpu.memory_space<hbm>>, %arg5: memref<128x64xf32, #tpu.memory_space<hbm>>, %arg6: memref<128x16xf32, #tpu.memory_space<hbm>>, %arg7: memref<128x16xf32, #tpu.memory_space<hbm>>, %arg8: memref<2x10240x64xf32, #tpu.memory_space<hbm>>, %arg9: memref<2x10240x16xf32, #tpu.memory_space<hbm>>, %arg10: memref<1024xi32, #tpu.memory_space<vmem>>, %arg11: memref<8x128xi32, #tpu.memory_space<vmem>>, %arg12: memref<128x64xf32, #tpu.memory_space<vmem>>, %arg13: memref<128x64xf32, #tpu.memory_space<vmem>>, %arg14: memref<128x64xf32, #tpu.memory_space<vmem>>, %arg15: memref<128x64xf32, #tpu.memory_space<vmem>>, %arg16: memref<128x16xf32, #tpu.memory_space<vmem>>, %arg17: memref<10240x64xf32, #tpu.memory_space<vmem_shared>>, %arg18: memref<10240x64xf32, #tpu.memory_space<vmem_shared>>, %arg19: memref<10240x16xf32, #tpu.memory_space<vmem_shared>>, %arg20: memref<!tpu.dma_semaphore, #tpu.memory_space<semaphore_mem>>, %arg21: memref<!tpu.dma_semaphore, #tpu.memory_space<semaphore_mem>>, %arg22: memref<!tpu.dma_semaphore, #tpu.memory_space<semaphore_mem>>) attributes {dimension_semantics = [#tpu.dimension_semantics<core_parallel>, #tpu.dimension_semantics<subcore_parallel>], iteration_bounds = array<i64: 2, 16>, scalar_prefetch = 0 : i64, scratch_operands = 13 : i64, tpu.core_type = #tpu.core_type<sc_vector_subcore>, window_params = [{transform_indices = #map}, {transform_indices = #map1}, {transform_indices = #map}, {transform_indices = #map}, {transform_indices = #map}, {transform_indices = #map}, {transform_indices = #map2}, {transform_indices = #map2}]} {
    "tpu.region"() ({
      %run_scoped3A = tpu.sem_alloc : memref<!tpu.dma_semaphore, #tpu.memory_space<semaphore_mem>>
      tpu.enqueue_dma source(%arg5 : memref<128x64xf32, #tpu.memory_space<hbm>>) target(%arg12 : memref<128x64xf32, #tpu.memory_space<vmem>>) target_semaphore(%run_scoped3A : memref<!tpu.dma_semaphore, #tpu.memory_space<semaphore_mem>>)
      tpu.wait_dma2 semaphore(%run_scoped3A : memref<!tpu.dma_semaphore, #tpu.memory_space<semaphore_mem>>) src(%arg5 : memref<128x64xf32, #tpu.memory_space<hbm>>) dst(%arg12 : memref<128x64xf32, #tpu.memory_space<vmem>>)
      tpu.yield
    }) : () -> ()
    "tpu.region"() ({
      %run_scoped3A = tpu.sem_alloc : memref<!tpu.dma_semaphore, #tpu.memory_space<semaphore_mem>>
      tpu.enqueue_dma source(%arg6 : memref<128x16xf32, #tpu.memory_space<hbm>>) target(%arg16 : memref<128x16xf32, #tpu.memory_space<vmem>>) target_semaphore(%run_scoped3A : memref<!tpu.dma_semaphore, #tpu.memory_space<semaphore_mem>>)
      tpu.wait_dma2 semaphore(%run_scoped3A : memref<!tpu.dma_semaphore, #tpu.memory_space<semaphore_mem>>) src(%arg6 : memref<128x16xf32, #tpu.memory_space<hbm>>) dst(%arg16 : memref<128x16xf32, #tpu.memory_space<vmem>>)
      tpu.yield
    }) : () -> ()
    %mul3A = arith.constant 640 : i32
    %mul3A_0 = arith.muli %arg1, %mul3A : i32
    %scan3A = arith.constant 0 : i32
    %scan3A_1 = arith.constant 0 : i32
    %scan3A_2 = arith.constant 5 : i32
    %scan3A_3 = arith.addi %scan3A_1, %scan3A_2 : i32
    %scan3A_4 = arith.constant 1 : i32
    scf.for %scan3A_38 = %scan3A_1 to %scan3A_3 step %scan3A_4  : i32 {
      %mul3A_39 = arith.constant 128 : i32
      %mul3A_40 = arith.muli %scan3A_38, %mul3A_39 : i32
      %add3A_41 = arith.addi %mul3A_0, %mul3A_40 : i32
      "tpu.region"() ({
        %run_scoped3A = tpu.sem_alloc : memref<!tpu.dma_semaphore, #tpu.memory_space<semaphore_mem>>
        %dma_start3A = arith.constant 0 : i32
        %dma_start3A_45 = tpu.memref_slice %arg18[%add3A_41, %dma_start3A] : memref<10240x64xf32, #tpu.memory_space<vmem_shared>> -> memref<128x64xf32, #tpu.memory_space<vmem_shared>>
        %dma_start3A_46 = arith.constant 0 : i32
        %dma_start3A_47 = tpu.memref_slice %arg18[%add3A_41, %dma_start3A_46] : memref<10240x64xf32, #tpu.memory_space<vmem_shared>> -> memref<128x64xf32, #tpu.memory_space<vmem_shared>>
        tpu.enqueue_dma source(%arg12 : memref<128x64xf32, #tpu.memory_space<vmem>>) target(%dma_start3A_47 : memref<128x64xf32, #tpu.memory_space<vmem_shared>>) target_semaphore(%run_scoped3A : memref<!tpu.dma_semaphore, #tpu.memory_space<semaphore_mem>>)
        %dma_wait3A = arith.constant 0 : i32
        %dma_wait3A_48 = tpu.memref_slice %arg18[%add3A_41, %dma_wait3A] : memref<10240x64xf32, #tpu.memory_space<vmem_shared>> -> memref<128x64xf32, #tpu.memory_space<vmem_shared>>
        %dma_wait3A_49 = arith.constant 0 : i32
        %dma_wait3A_50 = tpu.memref_slice %arg18[%add3A_41, %dma_wait3A_49] : memref<10240x64xf32, #tpu.memory_space<vmem_shared>> -> memref<128x64xf32, #tpu.memory_space<vmem_shared>>
        tpu.wait_dma2 semaphore(%run_scoped3A : memref<!tpu.dma_semaphore, #tpu.memory_space<semaphore_mem>>) src(%arg12 : memref<128x64xf32, #tpu.memory_space<vmem>>) dst(%dma_wait3A_50 : memref<128x64xf32, #tpu.memory_space<vmem_shared>>)
        tpu.yield
      }) : () -> ()
      %mul3A_42 = arith.constant 128 : i32
      %mul3A_43 = arith.muli %scan3A_38, %mul3A_42 : i32
      %add3A_44 = arith.addi %mul3A_0, %mul3A_43 : i32
      "tpu.region"() ({
        %run_scoped3A = tpu.sem_alloc : memref<!tpu.dma_semaphore, #tpu.memory_space<semaphore_mem>>
        %dma_start3A = arith.constant 0 : i32
        %dma_start3A_45 = tpu.memref_slice %arg19[%add3A_44, %dma_start3A] : memref<10240x16xf32, #tpu.memory_space<vmem_shared>> -> memref<128x16xf32, #tpu.memory_space<vmem_shared>>
        %dma_start3A_46 = arith.constant 0 : i32
        %dma_start3A_47 = tpu.memref_slice %arg19[%add3A_44, %dma_start3A_46] : memref<10240x16xf32, #tpu.memory_space<vmem_shared>> -> memref<128x16xf32, #tpu.memory_space<vmem_shared>>
        tpu.enqueue_dma source(%arg16 : memref<128x16xf32, #tpu.memory_space<vmem>>) target(%dma_start3A_47 : memref<128x16xf32, #tpu.memory_space<vmem_shared>>) target_semaphore(%run_scoped3A : memref<!tpu.dma_semaphore, #tpu.memory_space<semaphore_mem>>)
        %dma_wait3A = arith.constant 0 : i32
        %dma_wait3A_48 = tpu.memref_slice %arg19[%add3A_44, %dma_wait3A] : memref<10240x16xf32, #tpu.memory_space<vmem_shared>> -> memref<128x16xf32, #tpu.memory_space<vmem_shared>>
        %dma_wait3A_49 = arith.constant 0 : i32
        %dma_wait3A_50 = tpu.memref_slice %arg19[%add3A_44, %dma_wait3A_49] : memref<10240x16xf32, #tpu.memory_space<vmem_shared>> -> memref<128x16xf32, #tpu.memory_space<vmem_shared>>
        tpu.wait_dma2 semaphore(%run_scoped3A : memref<!tpu.dma_semaphore, #tpu.memory_space<semaphore_mem>>) src(%arg16 : memref<128x16xf32, #tpu.memory_space<vmem>>) dst(%dma_wait3A_50 : memref<128x16xf32, #tpu.memory_space<vmem_shared>>)
        tpu.yield
      }) : () -> ()
    }
    %scan3A_5 = arith.constant 5 : i32
    "tpu.region"() ({
      %run_scoped3A = tpu.sem_alloc : memref<!tpu.dma_semaphore, #tpu.memory_space<semaphore_mem>>
      tpu.enqueue_dma source(%arg7 : memref<128x16xf32, #tpu.memory_space<hbm>>) target(%arg16 : memref<128x16xf32, #tpu.memory_space<vmem>>) target_semaphore(%run_scoped3A : memref<!tpu.dma_semaphore, #tpu.memory_space<semaphore_mem>>)
      tpu.wait_dma2 semaphore(%run_scoped3A : memref<!tpu.dma_semaphore, #tpu.memory_space<semaphore_mem>>) src(%arg7 : memref<128x16xf32, #tpu.memory_space<hbm>>) dst(%arg16 : memref<128x16xf32, #tpu.memory_space<vmem>>)
      tpu.yield
    }) : () -> ()
    %scan3A_6 = arith.constant 0 : i32
    %scan3A_7 = arith.constant 0 : i32
    %scan3A_8 = arith.constant 5 : i32
    %scan3A_9 = arith.addi %scan3A_7, %scan3A_8 : i32
    %scan3A_10 = arith.constant 1 : i32
    scf.for %scan3A_38 = %scan3A_7 to %scan3A_9 step %scan3A_10  : i32 {
      %mul3A_39 = arith.constant 16 : i32
      %mul3A_40 = arith.muli %scan3A_38, %mul3A_39 : i32
      %add3A_41 = arith.addi %arg1, %mul3A_40 : i32
      %mul3A_42 = arith.constant 128 : i32
      %mul3A_43 = arith.muli %add3A_41, %mul3A_42 : i32
      %add3A_44 = arith.constant 128 : i32
      %add3A_45 = arith.addi %mul3A_43, %add3A_44 : i32
      %le3A = arith.constant 10000 : i32
      %le3A_46 = arith.cmpi sle, %add3A_45, %le3A : i32
      %convert_element_type3A = arith.extui %le3A_46 : i1 to i32
      %cond3A = arith.constant 0 : i32
      %cond3A_47 = arith.cmpi ne, %convert_element_type3A, %cond3A : i32
      scf.if %cond3A_47 {
        "tpu.region"() ({
          %run_scoped3A = tpu.sem_alloc : memref<!tpu.dma_semaphore, #tpu.memory_space<semaphore_mem>>
          %dma_start3A = arith.constant 0 : i32
          %dma_start3A_55 = tpu.memref_slice %arg2[%mul3A_43, %dma_start3A] : memref<10000x64xf32, #tpu.memory_space<hbm>> -> memref<128x64xf32, #tpu.memory_space<hbm>>
          %dma_start3A_56 = arith.constant 0 : i32
          %dma_start3A_57 = tpu.memref_slice %arg2[%mul3A_43, %dma_start3A_56] : memref<10000x64xf32, #tpu.memory_space<hbm>> -> memref<128x64xf32, #tpu.memory_space<hbm>>
          tpu.enqueue_dma source(%dma_start3A_57 : memref<128x64xf32, #tpu.memory_space<hbm>>) target(%arg13 : memref<128x64xf32, #tpu.memory_space<vmem>>) target_semaphore(%run_scoped3A : memref<!tpu.dma_semaphore, #tpu.memory_space<semaphore_mem>>)
          %dma_wait3A = arith.constant 0 : i32
          %dma_wait3A_58 = tpu.memref_slice %arg2[%mul3A_43, %dma_wait3A] : memref<10000x64xf32, #tpu.memory_space<hbm>> -> memref<128x64xf32, #tpu.memory_space<hbm>>
          %dma_wait3A_59 = arith.constant 0 : i32
          %dma_wait3A_60 = tpu.memref_slice %arg2[%mul3A_43, %dma_wait3A_59] : memref<10000x64xf32, #tpu.memory_space<hbm>> -> memref<128x64xf32, #tpu.memory_space<hbm>>
          tpu.wait_dma2 semaphore(%run_scoped3A : memref<!tpu.dma_semaphore, #tpu.memory_space<semaphore_mem>>) src(%dma_wait3A_60 : memref<128x64xf32, #tpu.memory_space<hbm>>) dst(%arg13 : memref<128x64xf32, #tpu.memory_space<vmem>>)
          tpu.yield
        }) : () -> ()
        "tpu.region"() ({
          %run_scoped3A = tpu.sem_alloc : memref<!tpu.dma_semaphore, #tpu.memory_space<semaphore_mem>>
          %dma_start3A = arith.constant 0 : i32
          %dma_start3A_55 = tpu.memref_slice %arg17[%mul3A_43, %dma_start3A] : memref<10240x64xf32, #tpu.memory_space<vmem_shared>> -> memref<128x64xf32, #tpu.memory_space<vmem_shared>>
          %dma_start3A_56 = arith.constant 0 : i32
          %dma_start3A_57 = tpu.memref_slice %arg17[%mul3A_43, %dma_start3A_56] : memref<10240x64xf32, #tpu.memory_space<vmem_shared>> -> memref<128x64xf32, #tpu.memory_space<vmem_shared>>
          tpu.enqueue_dma source(%arg13 : memref<128x64xf32, #tpu.memory_space<vmem>>) target(%dma_start3A_57 : memref<128x64xf32, #tpu.memory_space<vmem_shared>>) target_semaphore(%run_scoped3A : memref<!tpu.dma_semaphore, #tpu.memory_space<semaphore_mem>>)
          %dma_wait3A = arith.constant 0 : i32
          %dma_wait3A_58 = tpu.memref_slice %arg17[%mul3A_43, %dma_wait3A] : memref<10240x64xf32, #tpu.memory_space<vmem_shared>> -> memref<128x64xf32, #tpu.memory_space<vmem_shared>>
          %dma_wait3A_59 = arith.constant 0 : i32
          %dma_wait3A_60 = tpu.memref_slice %arg17[%mul3A_43, %dma_wait3A_59] : memref<10240x64xf32, #tpu.memory_space<vmem_shared>> -> memref<128x64xf32, #tpu.memory_space<vmem_shared>>
          tpu.wait_dma2 semaphore(%run_scoped3A : memref<!tpu.dma_semaphore, #tpu.memory_space<semaphore_mem>>) src(%arg13 : memref<128x64xf32, #tpu.memory_space<vmem>>) dst(%dma_wait3A_60 : memref<128x64xf32, #tpu.memory_space<vmem_shared>>)
          tpu.yield
        }) : () -> ()
      } else {
      }
      %lt3A = arith.constant 10000 : i32
      %lt3A_48 = arith.cmpi slt, %mul3A_43, %lt3A : i32
      %add3A_49 = arith.constant 128 : i32
      %add3A_50 = arith.addi %mul3A_43, %add3A_49 : i32
      %gt3A = arith.constant 10000 : i32
      %gt3A_51 = arith.cmpi sgt, %add3A_50, %gt3A : i32
      %and3A = arith.andi %lt3A_48, %gt3A_51 : i1
      %convert_element_type3A_52 = arith.extui %and3A : i1 to i32
      %cond3A_53 = arith.constant 0 : i32
      %cond3A_54 = arith.cmpi ne, %convert_element_type3A_52, %cond3A_53 : i32
      scf.if %cond3A_54 {
        "tpu.region"() ({
          %run_scoped3A = tpu.sem_alloc : memref<!tpu.dma_semaphore, #tpu.memory_space<semaphore_mem>>
          %dma_start3A = arith.constant 0 : i32
          %dma_start3A_55 = arith.constant 0 : i32
          %dma_start3A_56 = tpu.memref_slice %arg13[%dma_start3A, %dma_start3A_55] : memref<128x64xf32, #tpu.memory_space<vmem>> -> memref<16x64xf32, #tpu.memory_space<vmem>>
          %dma_start3A_57 = arith.constant 0 : i32
          %dma_start3A_58 = tpu.memref_slice %arg2[%mul3A_43, %dma_start3A_57] : memref<10000x64xf32, #tpu.memory_space<hbm>> -> memref<16x64xf32, #tpu.memory_space<hbm>>
          %dma_start3A_59 = arith.constant 0 : i32
          %dma_start3A_60 = arith.constant 0 : i32
          %dma_start3A_61 = tpu.memref_slice %arg13[%dma_start3A_59, %dma_start3A_60] : memref<128x64xf32, #tpu.memory_space<vmem>> -> memref<16x64xf32, #tpu.memory_space<vmem>>
          %dma_start3A_62 = arith.constant 0 : i32
          %dma_start3A_63 = tpu.memref_slice %arg2[%mul3A_43, %dma_start3A_62] : memref<10000x64xf32, #tpu.memory_space<hbm>> -> memref<16x64xf32, #tpu.memory_space<hbm>>
          tpu.enqueue_dma source(%dma_start3A_63 : memref<16x64xf32, #tpu.memory_space<hbm>>) target(%dma_start3A_61 : memref<16x64xf32, #tpu.memory_space<vmem>>) target_semaphore(%run_scoped3A : memref<!tpu.dma_semaphore, #tpu.memory_space<semaphore_mem>>)
          %dma_wait3A = arith.constant 0 : i32
          %dma_wait3A_64 = arith.constant 0 : i32
          %dma_wait3A_65 = tpu.memref_slice %arg13[%dma_wait3A, %dma_wait3A_64] : memref<128x64xf32, #tpu.memory_space<vmem>> -> memref<16x64xf32, #tpu.memory_space<vmem>>
          %dma_wait3A_66 = arith.constant 0 : i32
          %dma_wait3A_67 = tpu.memref_slice %arg2[%mul3A_43, %dma_wait3A_66] : memref<10000x64xf32, #tpu.memory_space<hbm>> -> memref<16x64xf32, #tpu.memory_space<hbm>>
          %dma_wait3A_68 = arith.constant 0 : i32
          %dma_wait3A_69 = arith.constant 0 : i32
          %dma_wait3A_70 = tpu.memref_slice %arg13[%dma_wait3A_68, %dma_wait3A_69] : memref<128x64xf32, #tpu.memory_space<vmem>> -> memref<16x64xf32, #tpu.memory_space<vmem>>
          %dma_wait3A_71 = arith.constant 0 : i32
          %dma_wait3A_72 = tpu.memref_slice %arg2[%mul3A_43, %dma_wait3A_71] : memref<10000x64xf32, #tpu.memory_space<hbm>> -> memref<16x64xf32, #tpu.memory_space<hbm>>
          tpu.wait_dma2 semaphore(%run_scoped3A : memref<!tpu.dma_semaphore, #tpu.memory_space<semaphore_mem>>) src(%dma_wait3A_72 : memref<16x64xf32, #tpu.memory_space<hbm>>) dst(%dma_wait3A_70 : memref<16x64xf32, #tpu.memory_space<vmem>>)
          tpu.yield
        }) : () -> ()
        "tpu.region"() ({
          %run_scoped3A = tpu.sem_alloc : memref<!tpu.dma_semaphore, #tpu.memory_space<semaphore_mem>>
          %dma_start3A = arith.constant 0 : i32
          %dma_start3A_55 = arith.constant 0 : i32
          %dma_start3A_56 = tpu.memref_slice %arg13[%dma_start3A, %dma_start3A_55] : memref<128x64xf32, #tpu.memory_space<vmem>> -> memref<16x64xf32, #tpu.memory_space<vmem>>
          %dma_start3A_57 = arith.constant 0 : i32
          %dma_start3A_58 = tpu.memref_slice %arg17[%mul3A_43, %dma_start3A_57] : memref<10240x64xf32, #tpu.memory_space<vmem_shared>> -> memref<16x64xf32, #tpu.memory_space<vmem_shared>>
          %dma_start3A_59 = arith.constant 0 : i32
          %dma_start3A_60 = tpu.memref_slice %arg17[%mul3A_43, %dma_start3A_59] : memref<10240x64xf32, #tpu.memory_space<vmem_shared>> -> memref<16x64xf32, #tpu.memory_space<vmem_shared>>
          %dma_start3A_61 = arith.constant 0 : i32
          %dma_start3A_62 = arith.constant 0 : i32
          %dma_start3A_63 = tpu.memref_slice %arg13[%dma_start3A_61, %dma_start3A_62] : memref<128x64xf32, #tpu.memory_space<vmem>> -> memref<16x64xf32, #tpu.memory_space<vmem>>
          tpu.enqueue_dma source(%dma_start3A_63 : memref<16x64xf32, #tpu.memory_space<vmem>>) target(%dma_start3A_60 : memref<16x64xf32, #tpu.memory_space<vmem_shared>>) target_semaphore(%run_scoped3A : memref<!tpu.dma_semaphore, #tpu.memory_space<semaphore_mem>>)
          %dma_wait3A = arith.constant 0 : i32
          %dma_wait3A_64 = arith.constant 0 : i32
          %dma_wait3A_65 = tpu.memref_slice %arg13[%dma_wait3A, %dma_wait3A_64] : memref<128x64xf32, #tpu.memory_space<vmem>> -> memref<16x64xf32, #tpu.memory_space<vmem>>
          %dma_wait3A_66 = arith.constant 0 : i32
          %dma_wait3A_67 = tpu.memref_slice %arg17[%mul3A_43, %dma_wait3A_66] : memref<10240x64xf32, #tpu.memory_space<vmem_shared>> -> memref<16x64xf32, #tpu.memory_space<vmem_shared>>
          %dma_wait3A_68 = arith.constant 0 : i32
          %dma_wait3A_69 = tpu.memref_slice %arg17[%mul3A_43, %dma_wait3A_68] : memref<10240x64xf32, #tpu.memory_space<vmem_shared>> -> memref<16x64xf32, #tpu.memory_space<vmem_shared>>
          %dma_wait3A_70 = arith.constant 0 : i32
          %dma_wait3A_71 = arith.constant 0 : i32
          %dma_wait3A_72 = tpu.memref_slice %arg13[%dma_wait3A_70, %dma_wait3A_71] : memref<128x64xf32, #tpu.memory_space<vmem>> -> memref<16x64xf32, #tpu.memory_space<vmem>>
          tpu.wait_dma2 semaphore(%run_scoped3A : memref<!tpu.dma_semaphore, #tpu.memory_space<semaphore_mem>>) src(%dma_wait3A_72 : memref<16x64xf32, #tpu.memory_space<vmem>>) dst(%dma_wait3A_69 : memref<16x64xf32, #tpu.memory_space<vmem_shared>>)
          tpu.yield
        }) : () -> ()
      } else {
      }
    }
    %scan3A_11 = arith.constant 5 : i32
    %barrier3A = arith.constant 0 : index
    tpu.barrier barrier_id(%barrier3A)
    %mul3A_12 = arith.constant 327680 : i32
    %mul3A_13 = arith.muli %arg0, %mul3A_12 : i32
    %mul3A_14 = arith.constant 160 : i32
    %mul3A_15 = arith.muli %arg1, %mul3A_14 : i32
    %mul3A_16 = arith.constant 128 : i32
    %mul3A_17 = arith.muli %mul3A_15, %mul3A_16 : i32
    %add3A = arith.addi %mul3A_13, %mul3A_17 : i32
    %mul3A_18 = arith.constant 16 : i32
    %mul3A_19 = arith.muli %arg0, %mul3A_18 : i32
    %mul3A_20 = arith.constant 160 : i32
    %mul3A_21 = arith.muli %mul3A_19, %mul3A_20 : i32
    %mul3A_22 = arith.constant 160 : i32
    %mul3A_23 = arith.muli %arg1, %mul3A_22 : i32
    %add3A_24 = arith.addi %mul3A_21, %mul3A_23 : i32
    %scan3A_25 = arith.constant 0 : i32
    %scan3A_26 = arith.constant 0 : i32
    %scan3A_27 = arith.constant 20 : i32
    %scan3A_28 = arith.addi %scan3A_26, %scan3A_27 : i32
    %scan3A_29 = arith.constant 1 : i32
    scf.for %scan3A_38 = %scan3A_26 to %scan3A_28 step %scan3A_29  : i32 {
      %mul3A_39 = arith.constant 8 : i32
      %mul3A_40 = arith.muli %scan3A_38, %mul3A_39 : i32
      %mul3A_41 = arith.constant 128 : i32
      %mul3A_42 = arith.muli %mul3A_40, %mul3A_41 : i32
      %add3A_43 = arith.addi %add3A, %mul3A_42 : i32
      "tpu.region"() ({
        %run_scoped3A = tpu.sem_alloc : memref<!tpu.dma_semaphore, #tpu.memory_space<semaphore_mem>>
        %dma_start3A_349 = tpu.memref_slice %arg3[%add3A_43] : memref<655360xi32, #tpu.memory_space<hbm>> -> memref<1024xi32, #tpu.memory_space<hbm>>
        %dma_start3A_350 = tpu.memref_slice %arg3[%add3A_43] : memref<655360xi32, #tpu.memory_space<hbm>> -> memref<1024xi32, #tpu.memory_space<hbm>>
        tpu.enqueue_dma source(%dma_start3A_350 : memref<1024xi32, #tpu.memory_space<hbm>>) target(%arg10 : memref<1024xi32, #tpu.memory_space<vmem>>) target_semaphore(%run_scoped3A : memref<!tpu.dma_semaphore, #tpu.memory_space<semaphore_mem>>)
        %dma_wait3A_351 = tpu.memref_slice %arg3[%add3A_43] : memref<655360xi32, #tpu.memory_space<hbm>> -> memref<1024xi32, #tpu.memory_space<hbm>>
        %dma_wait3A_352 = tpu.memref_slice %arg3[%add3A_43] : memref<655360xi32, #tpu.memory_space<hbm>> -> memref<1024xi32, #tpu.memory_space<hbm>>
        tpu.wait_dma2 semaphore(%run_scoped3A : memref<!tpu.dma_semaphore, #tpu.memory_space<semaphore_mem>>) src(%dma_wait3A_352 : memref<1024xi32, #tpu.memory_space<hbm>>) dst(%arg10 : memref<1024xi32, #tpu.memory_space<vmem>>)
        tpu.yield
      }) : () -> ()
      %mul3A_44 = arith.constant 8 : i32
      %mul3A_45 = arith.muli %scan3A_38, %mul3A_44 : i32
      %add3A_46 = arith.addi %add3A_24, %mul3A_45 : i32
      "tpu.region"() ({
        %run_scoped3A = tpu.sem_alloc : memref<!tpu.dma_semaphore, #tpu.memory_space<semaphore_mem>>
        %dma_start3A_349 = arith.constant 0 : i32
        %dma_start3A_350 = tpu.memref_slice %arg4[%add3A_46, %dma_start3A_349] : memref<5120x128xi32, #tpu.memory_space<hbm>> -> memref<8x128xi32, #tpu.memory_space<hbm>>
        %dma_start3A_351 = arith.constant 0 : i32
        %dma_start3A_352 = tpu.memref_slice %arg4[%add3A_46, %dma_start3A_351] : memref<5120x128xi32, #tpu.memory_space<hbm>> -> memref<8x128xi32, #tpu.memory_space<hbm>>
        tpu.enqueue_dma source(%dma_start3A_352 : memref<8x128xi32, #tpu.memory_space<hbm>>) target(%arg11 : memref<8x128xi32, #tpu.memory_space<vmem>>) target_semaphore(%run_scoped3A : memref<!tpu.dma_semaphore, #tpu.memory_space<semaphore_mem>>)
        %dma_wait3A_353 = arith.constant 0 : i32
        %dma_wait3A_354 = tpu.memref_slice %arg4[%add3A_46, %dma_wait3A_353] : memref<5120x128xi32, #tpu.memory_space<hbm>> -> memref<8x128xi32, #tpu.memory_space<hbm>>
        %dma_wait3A_355 = arith.constant 0 : i32
        %dma_wait3A_356 = tpu.memref_slice %arg4[%add3A_46, %dma_wait3A_355] : memref<5120x128xi32, #tpu.memory_space<hbm>> -> memref<8x128xi32, #tpu.memory_space<hbm>>
        tpu.wait_dma2 semaphore(%run_scoped3A : memref<!tpu.dma_semaphore, #tpu.memory_space<semaphore_mem>>) src(%dma_wait3A_356 : memref<8x128xi32, #tpu.memory_space<hbm>>) dst(%arg11 : memref<8x128xi32, #tpu.memory_space<vmem>>)
        tpu.yield
      }) : () -> ()
      %dma_start3A = arith.constant 0 : i32
      %dma_start3A_47 = tpu.memref_slice %arg10[%dma_start3A] : memref<1024xi32, #tpu.memory_space<vmem>> -> memref<128xi32, #tpu.memory_space<vmem>>
      %dma_start3A_48 = arith.constant 0 : i32
      %dma_start3A_49 = arith.constant 0 : i32
      %dma_start3A_50 = tpu.memref_slice %arg17[%dma_start3A_48, %dma_start3A_49] : memref<10240x64xf32, #tpu.memory_space<vmem_shared>> -> memref<10240x64xf32, #tpu.memory_space<vmem_shared>>
      tpu.enqueue_indirect_dma source(%dma_start3A_50 : memref<10240x64xf32, #tpu.memory_space<vmem_shared>>) target(%arg12 : memref<128x64xf32, #tpu.memory_space<vmem>>) offsets(%dma_start3A_47 : memref<128xi32, #tpu.memory_space<vmem>>) semaphore(%arg20 : memref<!tpu.dma_semaphore, #tpu.memory_space<semaphore_mem>>)
      %dma_start3A_51 = arith.constant 128 : i32
      %dma_start3A_52 = tpu.memref_slice %arg10[%dma_start3A_51] : memref<1024xi32, #tpu.memory_space<vmem>> -> memref<128xi32, #tpu.memory_space<vmem>>
      %dma_start3A_53 = arith.constant 0 : i32
      %dma_start3A_54 = arith.constant 0 : i32
      %dma_start3A_55 = tpu.memref_slice %arg17[%dma_start3A_53, %dma_start3A_54] : memref<10240x64xf32, #tpu.memory_space<vmem_shared>> -> memref<10240x64xf32, #tpu.memory_space<vmem_shared>>
      tpu.enqueue_indirect_dma source(%dma_start3A_55 : memref<10240x64xf32, #tpu.memory_space<vmem_shared>>) target(%arg13 : memref<128x64xf32, #tpu.memory_space<vmem>>) offsets(%dma_start3A_52 : memref<128xi32, #tpu.memory_space<vmem>>) semaphore(%arg20 : memref<!tpu.dma_semaphore, #tpu.memory_space<semaphore_mem>>)
      %dma_start3A_56 = arith.constant 256 : i32
      %dma_start3A_57 = tpu.memref_slice %arg10[%dma_start3A_56] : memref<1024xi32, #tpu.memory_space<vmem>> -> memref<128xi32, #tpu.memory_space<vmem>>
      %dma_start3A_58 = arith.constant 0 : i32
      %dma_start3A_59 = arith.constant 0 : i32
      %dma_start3A_60 = tpu.memref_slice %arg17[%dma_start3A_58, %dma_start3A_59] : memref<10240x64xf32, #tpu.memory_space<vmem_shared>> -> memref<10240x64xf32, #tpu.memory_space<vmem_shared>>
      tpu.enqueue_indirect_dma source(%dma_start3A_60 : memref<10240x64xf32, #tpu.memory_space<vmem_shared>>) target(%arg14 : memref<128x64xf32, #tpu.memory_space<vmem>>) offsets(%dma_start3A_57 : memref<128xi32, #tpu.memory_space<vmem>>) semaphore(%arg20 : memref<!tpu.dma_semaphore, #tpu.memory_space<semaphore_mem>>)
      %dma_start3A_61 = arith.constant 384 : i32
      %dma_start3A_62 = tpu.memref_slice %arg10[%dma_start3A_61] : memref<1024xi32, #tpu.memory_space<vmem>> -> memref<128xi32, #tpu.memory_space<vmem>>
      %dma_start3A_63 = arith.constant 0 : i32
      %dma_start3A_64 = arith.constant 0 : i32
      %dma_start3A_65 = tpu.memref_slice %arg17[%dma_start3A_63, %dma_start3A_64] : memref<10240x64xf32, #tpu.memory_space<vmem_shared>> -> memref<10240x64xf32, #tpu.memory_space<vmem_shared>>
      tpu.enqueue_indirect_dma source(%dma_start3A_65 : memref<10240x64xf32, #tpu.memory_space<vmem_shared>>) target(%arg15 : memref<128x64xf32, #tpu.memory_space<vmem>>) offsets(%dma_start3A_62 : memref<128xi32, #tpu.memory_space<vmem>>) semaphore(%arg20 : memref<!tpu.dma_semaphore, #tpu.memory_space<semaphore_mem>>)
      %dma_wait3A = arith.constant 0 : i32
      %dma_wait3A_66 = tpu.memref_slice %arg10[%dma_wait3A] : memref<1024xi32, #tpu.memory_space<vmem>> -> memref<128xi32, #tpu.memory_space<vmem>>
      %dma_wait3A_67 = arith.constant 0 : i32
      %dma_wait3A_68 = arith.constant 0 : i32
      %dma_wait3A_69 = tpu.memref_slice %arg17[%dma_wait3A_67, %dma_wait3A_68] : memref<10240x64xf32, #tpu.memory_space<vmem_shared>> -> memref<10240x64xf32, #tpu.memory_space<vmem_shared>>
      tpu.wait_indirect_dma semaphore(%arg20 : memref<!tpu.dma_semaphore, #tpu.memory_space<semaphore_mem>>) src(%dma_wait3A_69 : memref<10240x64xf32, #tpu.memory_space<vmem_shared>>) dst(%arg12 : memref<128x64xf32, #tpu.memory_space<vmem>>)
      %dma_start3A_70 = arith.constant 0 : i32
      %dma_start3A_71 = arith.constant 0 : i32
      %dma_start3A_72 = tpu.memref_slice %arg11[%dma_start3A_70, %dma_start3A_71] : memref<8x128xi32, #tpu.memory_space<vmem>> -> memref<1x128xi32, #tpu.memory_space<vmem>>
      %dma_start3A_73 = tpu.memref_squeeze %dma_start3A_72 : memref<1x128xi32, #tpu.memory_space<vmem>> -> memref<128xi32, #tpu.memory_space<vmem>>
      %dma_start3A_74 = arith.constant 0 : i32
      %dma_start3A_75 = arith.constant 0 : i32
      %dma_start3A_76 = tpu.memref_slice %arg18[%dma_start3A_74, %dma_start3A_75] : memref<10240x64xf32, #tpu.memory_space<vmem_shared>> -> memref<10240x64xf32, #tpu.memory_space<vmem_shared>>
      tpu.enqueue_indirect_dma source(%arg12 : memref<128x64xf32, #tpu.memory_space<vmem>>) target(%dma_start3A_76 : memref<10240x64xf32, #tpu.memory_space<vmem_shared>>) offsets(%dma_start3A_73 : memref<128xi32, #tpu.memory_space<vmem>>) semaphore(%arg21 : memref<!tpu.dma_semaphore, #tpu.memory_space<semaphore_mem>>) {add = true}
      %dma_start3A_77 = arith.constant 0 : i32
      %dma_start3A_78 = arith.constant 0 : i32
      %dma_start3A_79 = tpu.memref_slice %arg11[%dma_start3A_77, %dma_start3A_78] : memref<8x128xi32, #tpu.memory_space<vmem>> -> memref<1x128xi32, #tpu.memory_space<vmem>>
      %dma_start3A_80 = tpu.memref_squeeze %dma_start3A_79 : memref<1x128xi32, #tpu.memory_space<vmem>> -> memref<128xi32, #tpu.memory_space<vmem>>
      %dma_start3A_81 = arith.constant 0 : i32
      %dma_start3A_82 = arith.constant 0 : i32
      %dma_start3A_83 = tpu.memref_slice %arg19[%dma_start3A_81, %dma_start3A_82] : memref<10240x16xf32, #tpu.memory_space<vmem_shared>> -> memref<10240x16xf32, #tpu.memory_space<vmem_shared>>
      tpu.enqueue_indirect_dma source(%arg16 : memref<128x16xf32, #tpu.memory_space<vmem>>) target(%dma_start3A_83 : memref<10240x16xf32, #tpu.memory_space<vmem_shared>>) offsets(%dma_start3A_80 : memref<128xi32, #tpu.memory_space<vmem>>) semaphore(%arg22 : memref<!tpu.dma_semaphore, #tpu.memory_space<semaphore_mem>>) {add = true}
      %dma_wait3A_84 = arith.constant 0 : i32
      %dma_wait3A_85 = arith.constant 0 : i32
      %dma_wait3A_86 = tpu.memref_slice %arg11[%dma_wait3A_84, %dma_wait3A_85] : memref<8x128xi32, #tpu.memory_space<vmem>> -> memref<1x128xi32, #tpu.memory_space<vmem>>
      %dma_wait3A_87 = tpu.memref_squeeze %dma_wait3A_86 : memref<1x128xi32, #tpu.memory_space<vmem>> -> memref<128xi32, #tpu.memory_space<vmem>>
      %dma_wait3A_88 = arith.constant 0 : i32
      %dma_wait3A_89 = arith.constant 0 : i32
      %dma_wait3A_90 = tpu.memref_slice %arg18[%dma_wait3A_88, %dma_wait3A_89] : memref<10240x64xf32, #tpu.memory_space<vmem_shared>> -> memref<10240x64xf32, #tpu.memory_space<vmem_shared>>
      tpu.wait_indirect_dma semaphore(%arg21 : memref<!tpu.dma_semaphore, #tpu.memory_space<semaphore_mem>>) src(%arg12 : memref<128x64xf32, #tpu.memory_space<vmem>>) dst(%dma_wait3A_90 : memref<10240x64xf32, #tpu.memory_space<vmem_shared>>)
      %dma_wait3A_91 = arith.constant 0 : i32
      %dma_wait3A_92 = arith.constant 0 : i32
      %dma_wait3A_93 = tpu.memref_slice %arg11[%dma_wait3A_91, %dma_wait3A_92] : memref<8x128xi32, #tpu.memory_space<vmem>> -> memref<1x128xi32, #tpu.memory_space<vmem>>
      %dma_wait3A_94 = tpu.memref_squeeze %dma_wait3A_93 : memref<1x128xi32, #tpu.memory_space<vmem>> -> memref<128xi32, #tpu.memory_space<vmem>>
      %dma_wait3A_95 = arith.constant 0 : i32
      %dma_wait3A_96 = arith.constant 0 : i32
      %dma_wait3A_97 = tpu.memref_slice %arg19[%dma_wait3A_95, %dma_wait3A_96] : memref<10240x16xf32, #tpu.memory_space<vmem_shared>> -> memref<10240x16xf32, #tpu.memory_space<vmem_shared>>
      tpu.wait_indirect_dma semaphore(%arg22 : memref<!tpu.dma_semaphore, #tpu.memory_space<semaphore_mem>>) src(%arg16 : memref<128x16xf32, #tpu.memory_space<vmem>>) dst(%dma_wait3A_97 : memref<10240x16xf32, #tpu.memory_space<vmem_shared>>)
      %dma_start3A_98 = arith.constant 512 : i32
      %dma_start3A_99 = tpu.memref_slice %arg10[%dma_start3A_98] : memref<1024xi32, #tpu.memory_space<vmem>> -> memref<128xi32, #tpu.memory_space<vmem>>
      %dma_start3A_100 = arith.constant 0 : i32
      %dma_start3A_101 = arith.constant 0 : i32
      %dma_start3A_102 = tpu.memref_slice %arg17[%dma_start3A_100, %dma_start3A_101] : memref<10240x64xf32, #tpu.memory_space<vmem_shared>> -> memref<10240x64xf32, #tpu.memory_space<vmem_shared>>
      tpu.enqueue_indirect_dma source(%dma_start3A_102 : memref<10240x64xf32, #tpu.memory_space<vmem_shared>>) target(%arg12 : memref<128x64xf32, #tpu.memory_space<vmem>>) offsets(%dma_start3A_99 : memref<128xi32, #tpu.memory_space<vmem>>) semaphore(%arg20 : memref<!tpu.dma_semaphore, #tpu.memory_space<semaphore_mem>>)
      %dma_wait3A_103 = arith.constant 128 : i32
      %dma_wait3A_104 = tpu.memref_slice %arg10[%dma_wait3A_103] : memref<1024xi32, #tpu.memory_space<vmem>> -> memref<128xi32, #tpu.memory_space<vmem>>
      %dma_wait3A_105 = arith.constant 0 : i32
      %dma_wait3A_106 = arith.constant 0 : i32
      %dma_wait3A_107 = tpu.memref_slice %arg17[%dma_wait3A_105, %dma_wait3A_106] : memref<10240x64xf32, #tpu.memory_space<vmem_shared>> -> memref<10240x64xf32, #tpu.memory_space<vmem_shared>>
      tpu.wait_indirect_dma semaphore(%arg20 : memref<!tpu.dma_semaphore, #tpu.memory_space<semaphore_mem>>) src(%dma_wait3A_107 : memref<10240x64xf32, #tpu.memory_space<vmem_shared>>) dst(%arg13 : memref<128x64xf32, #tpu.memory_space<vmem>>)
      %dma_start3A_108 = arith.constant 1 : i32
      %dma_start3A_109 = arith.constant 0 : i32
      %dma_start3A_110 = tpu.memref_slice %arg11[%dma_start3A_108, %dma_start3A_109] : memref<8x128xi32, #tpu.memory_space<vmem>> -> memref<1x128xi32, #tpu.memory_space<vmem>>
      %dma_start3A_111 = tpu.memref_squeeze %dma_start3A_110 : memref<1x128xi32, #tpu.memory_space<vmem>> -> memref<128xi32, #tpu.memory_space<vmem>>
      %dma_start3A_112 = arith.constant 0 : i32
      %dma_start3A_113 = arith.constant 0 : i32
      %dma_start3A_114 = tpu.memref_slice %arg18[%dma_start3A_112, %dma_start3A_113] : memref<10240x64xf32, #tpu.memory_space<vmem_shared>> -> memref<10240x64xf32, #tpu.memory_space<vmem_shared>>
      tpu.enqueue_indirect_dma source(%arg13 : memref<128x64xf32, #tpu.memory_space<vmem>>) target(%dma_start3A_114 : memref<10240x64xf32, #tpu.memory_space<vmem_shared>>) offsets(%dma_start3A_111 : memref<128xi32, #tpu.memory_space<vmem>>) semaphore(%arg21 : memref<!tpu.dma_semaphore, #tpu.memory_space<semaphore_mem>>) {add = true}
      %dma_start3A_115 = arith.constant 1 : i32
      %dma_start3A_116 = arith.constant 0 : i32
      %dma_start3A_117 = tpu.memref_slice %arg11[%dma_start3A_115, %dma_start3A_116] : memref<8x128xi32, #tpu.memory_space<vmem>> -> memref<1x128xi32, #tpu.memory_space<vmem>>
      %dma_start3A_118 = tpu.memref_squeeze %dma_start3A_117 : memref<1x128xi32, #tpu.memory_space<vmem>> -> memref<128xi32, #tpu.memory_space<vmem>>
      %dma_start3A_119 = arith.constant 0 : i32
      %dma_start3A_120 = arith.constant 0 : i32
      %dma_start3A_121 = tpu.memref_slice %arg19[%dma_start3A_119, %dma_start3A_120] : memref<10240x16xf32, #tpu.memory_space<vmem_shared>> -> memref<10240x16xf32, #tpu.memory_space<vmem_shared>>
      tpu.enqueue_indirect_dma source(%arg16 : memref<128x16xf32, #tpu.memory_space<vmem>>) target(%dma_start3A_121 : memref<10240x16xf32, #tpu.memory_space<vmem_shared>>) offsets(%dma_start3A_118 : memref<128xi32, #tpu.memory_space<vmem>>) semaphore(%arg22 : memref<!tpu.dma_semaphore, #tpu.memory_space<semaphore_mem>>) {add = true}
      %dma_wait3A_122 = arith.constant 1 : i32
      %dma_wait3A_123 = arith.constant 0 : i32
      %dma_wait3A_124 = tpu.memref_slice %arg11[%dma_wait3A_122, %dma_wait3A_123] : memref<8x128xi32, #tpu.memory_space<vmem>> -> memref<1x128xi32, #tpu.memory_space<vmem>>
      %dma_wait3A_125 = tpu.memref_squeeze %dma_wait3A_124 : memref<1x128xi32, #tpu.memory_space<vmem>> -> memref<128xi32, #tpu.memory_space<vmem>>
      %dma_wait3A_126 = arith.constant 0 : i32
      %dma_wait3A_127 = arith.constant 0 : i32
      %dma_wait3A_128 = tpu.memref_slice %arg18[%dma_wait3A_126, %dma_wait3A_127] : memref<10240x64xf32, #tpu.memory_space<vmem_shared>> -> memref<10240x64xf32, #tpu.memory_space<vmem_shared>>
      tpu.wait_indirect_dma semaphore(%arg21 : memref<!tpu.dma_semaphore, #tpu.memory_space<semaphore_mem>>) src(%arg13 : memref<128x64xf32, #tpu.memory_space<vmem>>) dst(%dma_wait3A_128 : memref<10240x64xf32, #tpu.memory_space<vmem_shared>>)
      %dma_wait3A_129 = arith.constant 1 : i32
      %dma_wait3A_130 = arith.constant 0 : i32
      %dma_wait3A_131 = tpu.memref_slice %arg11[%dma_wait3A_129, %dma_wait3A_130] : memref<8x128xi32, #tpu.memory_space<vmem>> -> memref<1x128xi32, #tpu.memory_space<vmem>>
      %dma_wait3A_132 = tpu.memref_squeeze %dma_wait3A_131 : memref<1x128xi32, #tpu.memory_space<vmem>> -> memref<128xi32, #tpu.memory_space<vmem>>
      %dma_wait3A_133 = arith.constant 0 : i32
      %dma_wait3A_134 = arith.constant 0 : i32
      %dma_wait3A_135 = tpu.memref_slice %arg19[%dma_wait3A_133, %dma_wait3A_134] : memref<10240x16xf32, #tpu.memory_space<vmem_shared>> -> memref<10240x16xf32, #tpu.memory_space<vmem_shared>>
      tpu.wait_indirect_dma semaphore(%arg22 : memref<!tpu.dma_semaphore, #tpu.memory_space<semaphore_mem>>) src(%arg16 : memref<128x16xf32, #tpu.memory_space<vmem>>) dst(%dma_wait3A_135 : memref<10240x16xf32, #tpu.memory_space<vmem_shared>>)
      %dma_start3A_136 = arith.constant 640 : i32
      %dma_start3A_137 = tpu.memref_slice %arg10[%dma_start3A_136] : memref<1024xi32, #tpu.memory_space<vmem>> -> memref<128xi32, #tpu.memory_space<vmem>>
      %dma_start3A_138 = arith.constant 0 : i32
      %dma_start3A_139 = arith.constant 0 : i32
      %dma_start3A_140 = tpu.memref_slice %arg17[%dma_start3A_138, %dma_start3A_139] : memref<10240x64xf32, #tpu.memory_space<vmem_shared>> -> memref<10240x64xf32, #tpu.memory_space<vmem_shared>>
      tpu.enqueue_indirect_dma source(%dma_start3A_140 : memref<10240x64xf32, #tpu.memory_space<vmem_shared>>) target(%arg13 : memref<128x64xf32, #tpu.memory_space<vmem>>) offsets(%dma_start3A_137 : memref<128xi32, #tpu.memory_space<vmem>>) semaphore(%arg20 : memref<!tpu.dma_semaphore, #tpu.memory_space<semaphore_mem>>)
      %dma_wait3A_141 = arith.constant 256 : i32
      %dma_wait3A_142 = tpu.memref_slice %arg10[%dma_wait3A_141] : memref<1024xi32, #tpu.memory_space<vmem>> -> memref<128xi32, #tpu.memory_space<vmem>>
      %dma_wait3A_143 = arith.constant 0 : i32
      %dma_wait3A_144 = arith.constant 0 : i32
      %dma_wait3A_145 = tpu.memref_slice %arg17[%dma_wait3A_143, %dma_wait3A_144] : memref<10240x64xf32, #tpu.memory_space<vmem_shared>> -> memref<10240x64xf32, #tpu.memory_space<vmem_shared>>
      tpu.wait_indirect_dma semaphore(%arg20 : memref<!tpu.dma_semaphore, #tpu.memory_space<semaphore_mem>>) src(%dma_wait3A_145 : memref<10240x64xf32, #tpu.memory_space<vmem_shared>>) dst(%arg14 : memref<128x64xf32, #tpu.memory_space<vmem>>)
      %dma_start3A_146 = arith.constant 2 : i32
      %dma_start3A_147 = arith.constant 0 : i32
      %dma_start3A_148 = tpu.memref_slice %arg11[%dma_start3A_146, %dma_start3A_147] : memref<8x128xi32, #tpu.memory_space<vmem>> -> memref<1x128xi32, #tpu.memory_space<vmem>>
      %dma_start3A_149 = tpu.memref_squeeze %dma_start3A_148 : memref<1x128xi32, #tpu.memory_space<vmem>> -> memref<128xi32, #tpu.memory_space<vmem>>
      %dma_start3A_150 = arith.constant 0 : i32
      %dma_start3A_151 = arith.constant 0 : i32
      %dma_start3A_152 = tpu.memref_slice %arg18[%dma_start3A_150, %dma_start3A_151] : memref<10240x64xf32, #tpu.memory_space<vmem_shared>> -> memref<10240x64xf32, #tpu.memory_space<vmem_shared>>
      tpu.enqueue_indirect_dma source(%arg14 : memref<128x64xf32, #tpu.memory_space<vmem>>) target(%dma_start3A_152 : memref<10240x64xf32, #tpu.memory_space<vmem_shared>>) offsets(%dma_start3A_149 : memref<128xi32, #tpu.memory_space<vmem>>) semaphore(%arg21 : memref<!tpu.dma_semaphore, #tpu.memory_space<semaphore_mem>>) {add = true}
      %dma_start3A_153 = arith.constant 2 : i32
      %dma_start3A_154 = arith.constant 0 : i32
      %dma_start3A_155 = tpu.memref_slice %arg11[%dma_start3A_153, %dma_start3A_154] : memref<8x128xi32, #tpu.memory_space<vmem>> -> memref<1x128xi32, #tpu.memory_space<vmem>>
      %dma_start3A_156 = tpu.memref_squeeze %dma_start3A_155 : memref<1x128xi32, #tpu.memory_space<vmem>> -> memref<128xi32, #tpu.memory_space<vmem>>
      %dma_start3A_157 = arith.constant 0 : i32
      %dma_start3A_158 = arith.constant 0 : i32
      %dma_start3A_159 = tpu.memref_slice %arg19[%dma_start3A_157, %dma_start3A_158] : memref<10240x16xf32, #tpu.memory_space<vmem_shared>> -> memref<10240x16xf32, #tpu.memory_space<vmem_shared>>
      tpu.enqueue_indirect_dma source(%arg16 : memref<128x16xf32, #tpu.memory_space<vmem>>) target(%dma_start3A_159 : memref<10240x16xf32, #tpu.memory_space<vmem_shared>>) offsets(%dma_start3A_156 : memref<128xi32, #tpu.memory_space<vmem>>) semaphore(%arg22 : memref<!tpu.dma_semaphore, #tpu.memory_space<semaphore_mem>>) {add = true}
      %dma_wait3A_160 = arith.constant 2 : i32
      %dma_wait3A_161 = arith.constant 0 : i32
      %dma_wait3A_162 = tpu.memref_slice %arg11[%dma_wait3A_160, %dma_wait3A_161] : memref<8x128xi32, #tpu.memory_space<vmem>> -> memref<1x128xi32, #tpu.memory_space<vmem>>
      %dma_wait3A_163 = tpu.memref_squeeze %dma_wait3A_162 : memref<1x128xi32, #tpu.memory_space<vmem>> -> memref<128xi32, #tpu.memory_space<vmem>>
      %dma_wait3A_164 = arith.constant 0 : i32
      %dma_wait3A_165 = arith.constant 0 : i32
      %dma_wait3A_166 = tpu.memref_slice %arg18[%dma_wait3A_164, %dma_wait3A_165] : memref<10240x64xf32, #tpu.memory_space<vmem_shared>> -> memref<10240x64xf32, #tpu.memory_space<vmem_shared>>
      tpu.wait_indirect_dma semaphore(%arg21 : memref<!tpu.dma_semaphore, #tpu.memory_space<semaphore_mem>>) src(%arg14 : memref<128x64xf32, #tpu.memory_space<vmem>>) dst(%dma_wait3A_166 : memref<10240x64xf32, #tpu.memory_space<vmem_shared>>)
      %dma_wait3A_167 = arith.constant 2 : i32
      %dma_wait3A_168 = arith.constant 0 : i32
      %dma_wait3A_169 = tpu.memref_slice %arg11[%dma_wait3A_167, %dma_wait3A_168] : memref<8x128xi32, #tpu.memory_space<vmem>> -> memref<1x128xi32, #tpu.memory_space<vmem>>
      %dma_wait3A_170 = tpu.memref_squeeze %dma_wait3A_169 : memref<1x128xi32, #tpu.memory_space<vmem>> -> memref<128xi32, #tpu.memory_space<vmem>>
      %dma_wait3A_171 = arith.constant 0 : i32
      %dma_wait3A_172 = arith.constant 0 : i32
      %dma_wait3A_173 = tpu.memref_slice %arg19[%dma_wait3A_171, %dma_wait3A_172] : memref<10240x16xf32, #tpu.memory_space<vmem_shared>> -> memref<10240x16xf32, #tpu.memory_space<vmem_shared>>
      tpu.wait_indirect_dma semaphore(%arg22 : memref<!tpu.dma_semaphore, #tpu.memory_space<semaphore_mem>>) src(%arg16 : memref<128x16xf32, #tpu.memory_space<vmem>>) dst(%dma_wait3A_173 : memref<10240x16xf32, #tpu.memory_space<vmem_shared>>)
      %dma_start3A_174 = arith.constant 768 : i32
      %dma_start3A_175 = tpu.memref_slice %arg10[%dma_start3A_174] : memref<1024xi32, #tpu.memory_space<vmem>> -> memref<128xi32, #tpu.memory_space<vmem>>
      %dma_start3A_176 = arith.constant 0 : i32
      %dma_start3A_177 = arith.constant 0 : i32
      %dma_start3A_178 = tpu.memref_slice %arg17[%dma_start3A_176, %dma_start3A_177] : memref<10240x64xf32, #tpu.memory_space<vmem_shared>> -> memref<10240x64xf32, #tpu.memory_space<vmem_shared>>
      tpu.enqueue_indirect_dma source(%dma_start3A_178 : memref<10240x64xf32, #tpu.memory_space<vmem_shared>>) target(%arg14 : memref<128x64xf32, #tpu.memory_space<vmem>>) offsets(%dma_start3A_175 : memref<128xi32, #tpu.memory_space<vmem>>) semaphore(%arg20 : memref<!tpu.dma_semaphore, #tpu.memory_space<semaphore_mem>>)
      %dma_wait3A_179 = arith.constant 384 : i32
      %dma_wait3A_180 = tpu.memref_slice %arg10[%dma_wait3A_179] : memref<1024xi32, #tpu.memory_space<vmem>> -> memref<128xi32, #tpu.memory_space<vmem>>
      %dma_wait3A_181 = arith.constant 0 : i32
      %dma_wait3A_182 = arith.constant 0 : i32
      %dma_wait3A_183 = tpu.memref_slice %arg17[%dma_wait3A_181, %dma_wait3A_182] : memref<10240x64xf32, #tpu.memory_space<vmem_shared>> -> memref<10240x64xf32, #tpu.memory_space<vmem_shared>>
      tpu.wait_indirect_dma semaphore(%arg20 : memref<!tpu.dma_semaphore, #tpu.memory_space<semaphore_mem>>) src(%dma_wait3A_183 : memref<10240x64xf32, #tpu.memory_space<vmem_shared>>) dst(%arg15 : memref<128x64xf32, #tpu.memory_space<vmem>>)
      %dma_start3A_184 = arith.constant 3 : i32
      %dma_start3A_185 = arith.constant 0 : i32
      %dma_start3A_186 = tpu.memref_slice %arg11[%dma_start3A_184, %dma_start3A_185] : memref<8x128xi32, #tpu.memory_space<vmem>> -> memref<1x128xi32, #tpu.memory_space<vmem>>
      %dma_start3A_187 = tpu.memref_squeeze %dma_start3A_186 : memref<1x128xi32, #tpu.memory_space<vmem>> -> memref<128xi32, #tpu.memory_space<vmem>>
      %dma_start3A_188 = arith.constant 0 : i32
      %dma_start3A_189 = arith.constant 0 : i32
      %dma_start3A_190 = tpu.memref_slice %arg18[%dma_start3A_188, %dma_start3A_189] : memref<10240x64xf32, #tpu.memory_space<vmem_shared>> -> memref<10240x64xf32, #tpu.memory_space<vmem_shared>>
      tpu.enqueue_indirect_dma source(%arg15 : memref<128x64xf32, #tpu.memory_space<vmem>>) target(%dma_start3A_190 : memref<10240x64xf32, #tpu.memory_space<vmem_shared>>) offsets(%dma_start3A_187 : memref<128xi32, #tpu.memory_space<vmem>>) semaphore(%arg21 : memref<!tpu.dma_semaphore, #tpu.memory_space<semaphore_mem>>) {add = true}
      %dma_start3A_191 = arith.constant 3 : i32
      %dma_start3A_192 = arith.constant 0 : i32
      %dma_start3A_193 = tpu.memref_slice %arg11[%dma_start3A_191, %dma_start3A_192] : memref<8x128xi32, #tpu.memory_space<vmem>> -> memref<1x128xi32, #tpu.memory_space<vmem>>
      %dma_start3A_194 = tpu.memref_squeeze %dma_start3A_193 : memref<1x128xi32, #tpu.memory_space<vmem>> -> memref<128xi32, #tpu.memory_space<vmem>>
      %dma_start3A_195 = arith.constant 0 : i32
      %dma_start3A_196 = arith.constant 0 : i32
      %dma_start3A_197 = tpu.memref_slice %arg19[%dma_start3A_195, %dma_start3A_196] : memref<10240x16xf32, #tpu.memory_space<vmem_shared>> -> memref<10240x16xf32, #tpu.memory_space<vmem_shared>>
      tpu.enqueue_indirect_dma source(%arg16 : memref<128x16xf32, #tpu.memory_space<vmem>>) target(%dma_start3A_197 : memref<10240x16xf32, #tpu.memory_space<vmem_shared>>) offsets(%dma_start3A_194 : memref<128xi32, #tpu.memory_space<vmem>>) semaphore(%arg22 : memref<!tpu.dma_semaphore, #tpu.memory_space<semaphore_mem>>) {add = true}
      %dma_wait3A_198 = arith.constant 3 : i32
      %dma_wait3A_199 = arith.constant 0 : i32
      %dma_wait3A_200 = tpu.memref_slice %arg11[%dma_wait3A_198, %dma_wait3A_199] : memref<8x128xi32, #tpu.memory_space<vmem>> -> memref<1x128xi32, #tpu.memory_space<vmem>>
      %dma_wait3A_201 = tpu.memref_squeeze %dma_wait3A_200 : memref<1x128xi32, #tpu.memory_space<vmem>> -> memref<128xi32, #tpu.memory_space<vmem>>
      %dma_wait3A_202 = arith.constant 0 : i32
      %dma_wait3A_203 = arith.constant 0 : i32
      %dma_wait3A_204 = tpu.memref_slice %arg18[%dma_wait3A_202, %dma_wait3A_203] : memref<10240x64xf32, #tpu.memory_space<vmem_shared>> -> memref<10240x64xf32, #tpu.memory_space<vmem_shared>>
      tpu.wait_indirect_dma semaphore(%arg21 : memref<!tpu.dma_semaphore, #tpu.memory_space<semaphore_mem>>) src(%arg15 : memref<128x64xf32, #tpu.memory_space<vmem>>) dst(%dma_wait3A_204 : memref<10240x64xf32, #tpu.memory_space<vmem_shared>>)
      %dma_wait3A_205 = arith.constant 3 : i32
      %dma_wait3A_206 = arith.constant 0 : i32
      %dma_wait3A_207 = tpu.memref_slice %arg11[%dma_wait3A_205, %dma_wait3A_206] : memref<8x128xi32, #tpu.memory_space<vmem>> -> memref<1x128xi32, #tpu.memory_space<vmem>>
      %dma_wait3A_208 = tpu.memref_squeeze %dma_wait3A_207 : memref<1x128xi32, #tpu.memory_space<vmem>> -> memref<128xi32, #tpu.memory_space<vmem>>
      %dma_wait3A_209 = arith.constant 0 : i32
      %dma_wait3A_210 = arith.constant 0 : i32
      %dma_wait3A_211 = tpu.memref_slice %arg19[%dma_wait3A_209, %dma_wait3A_210] : memref<10240x16xf32, #tpu.memory_space<vmem_shared>> -> memref<10240x16xf32, #tpu.memory_space<vmem_shared>>
      tpu.wait_indirect_dma semaphore(%arg22 : memref<!tpu.dma_semaphore, #tpu.memory_space<semaphore_mem>>) src(%arg16 : memref<128x16xf32, #tpu.memory_space<vmem>>) dst(%dma_wait3A_211 : memref<10240x16xf32, #tpu.memory_space<vmem_shared>>)
      %dma_start3A_212 = arith.constant 896 : i32
      %dma_start3A_213 = tpu.memref_slice %arg10[%dma_start3A_212] : memref<1024xi32, #tpu.memory_space<vmem>> -> memref<128xi32, #tpu.memory_space<vmem>>
      %dma_start3A_214 = arith.constant 0 : i32
      %dma_start3A_215 = arith.constant 0 : i32
      %dma_start3A_216 = tpu.memref_slice %arg17[%dma_start3A_214, %dma_start3A_215] : memref<10240x64xf32, #tpu.memory_space<vmem_shared>> -> memref<10240x64xf32, #tpu.memory_space<vmem_shared>>
      tpu.enqueue_indirect_dma source(%dma_start3A_216 : memref<10240x64xf32, #tpu.memory_space<vmem_shared>>) target(%arg15 : memref<128x64xf32, #tpu.memory_space<vmem>>) offsets(%dma_start3A_213 : memref<128xi32, #tpu.memory_space<vmem>>) semaphore(%arg20 : memref<!tpu.dma_semaphore, #tpu.memory_space<semaphore_mem>>)
      %dma_wait3A_217 = arith.constant 512 : i32
      %dma_wait3A_218 = tpu.memref_slice %arg10[%dma_wait3A_217] : memref<1024xi32, #tpu.memory_space<vmem>> -> memref<128xi32, #tpu.memory_space<vmem>>
      %dma_wait3A_219 = arith.constant 0 : i32
      %dma_wait3A_220 = arith.constant 0 : i32
      %dma_wait3A_221 = tpu.memref_slice %arg17[%dma_wait3A_219, %dma_wait3A_220] : memref<10240x64xf32, #tpu.memory_space<vmem_shared>> -> memref<10240x64xf32, #tpu.memory_space<vmem_shared>>
      tpu.wait_indirect_dma semaphore(%arg20 : memref<!tpu.dma_semaphore, #tpu.memory_space<semaphore_mem>>) src(%dma_wait3A_221 : memref<10240x64xf32, #tpu.memory_space<vmem_shared>>) dst(%arg12 : memref<128x64xf32, #tpu.memory_space<vmem>>)
      %dma_start3A_222 = arith.constant 4 : i32
      %dma_start3A_223 = arith.constant 0 : i32
      %dma_start3A_224 = tpu.memref_slice %arg11[%dma_start3A_222, %dma_start3A_223] : memref<8x128xi32, #tpu.memory_space<vmem>> -> memref<1x128xi32, #tpu.memory_space<vmem>>
      %dma_start3A_225 = tpu.memref_squeeze %dma_start3A_224 : memref<1x128xi32, #tpu.memory_space<vmem>> -> memref<128xi32, #tpu.memory_space<vmem>>
      %dma_start3A_226 = arith.constant 0 : i32
      %dma_start3A_227 = arith.constant 0 : i32
      %dma_start3A_228 = tpu.memref_slice %arg18[%dma_start3A_226, %dma_start3A_227] : memref<10240x64xf32, #tpu.memory_space<vmem_shared>> -> memref<10240x64xf32, #tpu.memory_space<vmem_shared>>
      tpu.enqueue_indirect_dma source(%arg12 : memref<128x64xf32, #tpu.memory_space<vmem>>) target(%dma_start3A_228 : memref<10240x64xf32, #tpu.memory_space<vmem_shared>>) offsets(%dma_start3A_225 : memref<128xi32, #tpu.memory_space<vmem>>) semaphore(%arg21 : memref<!tpu.dma_semaphore, #tpu.memory_space<semaphore_mem>>) {add = true}
      %dma_start3A_229 = arith.constant 4 : i32
      %dma_start3A_230 = arith.constant 0 : i32
      %dma_start3A_231 = tpu.memref_slice %arg11[%dma_start3A_229, %dma_start3A_230] : memref<8x128xi32, #tpu.memory_space<vmem>> -> memref<1x128xi32, #tpu.memory_space<vmem>>
      %dma_start3A_232 = tpu.memref_squeeze %dma_start3A_231 : memref<1x128xi32, #tpu.memory_space<vmem>> -> memref<128xi32, #tpu.memory_space<vmem>>
      %dma_start3A_233 = arith.constant 0 : i32
      %dma_start3A_234 = arith.constant 0 : i32
      %dma_start3A_235 = tpu.memref_slice %arg19[%dma_start3A_233, %dma_start3A_234] : memref<10240x16xf32, #tpu.memory_space<vmem_shared>> -> memref<10240x16xf32, #tpu.memory_space<vmem_shared>>
      tpu.enqueue_indirect_dma source(%arg16 : memref<128x16xf32, #tpu.memory_space<vmem>>) target(%dma_start3A_235 : memref<10240x16xf32, #tpu.memory_space<vmem_shared>>) offsets(%dma_start3A_232 : memref<128xi32, #tpu.memory_space<vmem>>) semaphore(%arg22 : memref<!tpu.dma_semaphore, #tpu.memory_space<semaphore_mem>>) {add = true}
      %dma_wait3A_236 = arith.constant 640 : i32
      %dma_wait3A_237 = tpu.memref_slice %arg10[%dma_wait3A_236] : memref<1024xi32, #tpu.memory_space<vmem>> -> memref<128xi32, #tpu.memory_space<vmem>>
      %dma_wait3A_238 = arith.constant 0 : i32
      %dma_wait3A_239 = arith.constant 0 : i32
      %dma_wait3A_240 = tpu.memref_slice %arg17[%dma_wait3A_238, %dma_wait3A_239] : memref<10240x64xf32, #tpu.memory_space<vmem_shared>> -> memref<10240x64xf32, #tpu.memory_space<vmem_shared>>
      tpu.wait_indirect_dma semaphore(%arg20 : memref<!tpu.dma_semaphore, #tpu.memory_space<semaphore_mem>>) src(%dma_wait3A_240 : memref<10240x64xf32, #tpu.memory_space<vmem_shared>>) dst(%arg13 : memref<128x64xf32, #tpu.memory_space<vmem>>)
      %dma_start3A_241 = arith.constant 5 : i32
      %dma_start3A_242 = arith.constant 0 : i32
      %dma_start3A_243 = tpu.memref_slice %arg11[%dma_start3A_241, %dma_start3A_242] : memref<8x128xi32, #tpu.memory_space<vmem>> -> memref<1x128xi32, #tpu.memory_space<vmem>>
      %dma_start3A_244 = tpu.memref_squeeze %dma_start3A_243 : memref<1x128xi32, #tpu.memory_space<vmem>> -> memref<128xi32, #tpu.memory_space<vmem>>
      %dma_start3A_245 = arith.constant 0 : i32
      %dma_start3A_246 = arith.constant 0 : i32
      %dma_start3A_247 = tpu.memref_slice %arg18[%dma_start3A_245, %dma_start3A_246] : memref<10240x64xf32, #tpu.memory_space<vmem_shared>> -> memref<10240x64xf32, #tpu.memory_space<vmem_shared>>
      tpu.enqueue_indirect_dma source(%arg13 : memref<128x64xf32, #tpu.memory_space<vmem>>) target(%dma_start3A_247 : memref<10240x64xf32, #tpu.memory_space<vmem_shared>>) offsets(%dma_start3A_244 : memref<128xi32, #tpu.memory_space<vmem>>) semaphore(%arg21 : memref<!tpu.dma_semaphore, #tpu.memory_space<semaphore_mem>>) {add = true}
      %dma_start3A_248 = arith.constant 5 : i32
      %dma_start3A_249 = arith.constant 0 : i32
      %dma_start3A_250 = tpu.memref_slice %arg11[%dma_start3A_248, %dma_start3A_249] : memref<8x128xi32, #tpu.memory_space<vmem>> -> memref<1x128xi32, #tpu.memory_space<vmem>>
      %dma_start3A_251 = tpu.memref_squeeze %dma_start3A_250 : memref<1x128xi32, #tpu.memory_space<vmem>> -> memref<128xi32, #tpu.memory_space<vmem>>
      %dma_start3A_252 = arith.constant 0 : i32
      %dma_start3A_253 = arith.constant 0 : i32
      %dma_start3A_254 = tpu.memref_slice %arg19[%dma_start3A_252, %dma_start3A_253] : memref<10240x16xf32, #tpu.memory_space<vmem_shared>> -> memref<10240x16xf32, #tpu.memory_space<vmem_shared>>
      tpu.enqueue_indirect_dma source(%arg16 : memref<128x16xf32, #tpu.memory_space<vmem>>) target(%dma_start3A_254 : memref<10240x16xf32, #tpu.memory_space<vmem_shared>>) offsets(%dma_start3A_251 : memref<128xi32, #tpu.memory_space<vmem>>) semaphore(%arg22 : memref<!tpu.dma_semaphore, #tpu.memory_space<semaphore_mem>>) {add = true}
      %dma_wait3A_255 = arith.constant 768 : i32
      %dma_wait3A_256 = tpu.memref_slice %arg10[%dma_wait3A_255] : memref<1024xi32, #tpu.memory_space<vmem>> -> memref<128xi32, #tpu.memory_space<vmem>>
      %dma_wait3A_257 = arith.constant 0 : i32
      %dma_wait3A_258 = arith.constant 0 : i32
      %dma_wait3A_259 = tpu.memref_slice %arg17[%dma_wait3A_257, %dma_wait3A_258] : memref<10240x64xf32, #tpu.memory_space<vmem_shared>> -> memref<10240x64xf32, #tpu.memory_space<vmem_shared>>
      tpu.wait_indirect_dma semaphore(%arg20 : memref<!tpu.dma_semaphore, #tpu.memory_space<semaphore_mem>>) src(%dma_wait3A_259 : memref<10240x64xf32, #tpu.memory_space<vmem_shared>>) dst(%arg14 : memref<128x64xf32, #tpu.memory_space<vmem>>)
      %dma_start3A_260 = arith.constant 6 : i32
      %dma_start3A_261 = arith.constant 0 : i32
      %dma_start3A_262 = tpu.memref_slice %arg11[%dma_start3A_260, %dma_start3A_261] : memref<8x128xi32, #tpu.memory_space<vmem>> -> memref<1x128xi32, #tpu.memory_space<vmem>>
      %dma_start3A_263 = tpu.memref_squeeze %dma_start3A_262 : memref<1x128xi32, #tpu.memory_space<vmem>> -> memref<128xi32, #tpu.memory_space<vmem>>
      %dma_start3A_264 = arith.constant 0 : i32
      %dma_start3A_265 = arith.constant 0 : i32
      %dma_start3A_266 = tpu.memref_slice %arg18[%dma_start3A_264, %dma_start3A_265] : memref<10240x64xf32, #tpu.memory_space<vmem_shared>> -> memref<10240x64xf32, #tpu.memory_space<vmem_shared>>
      tpu.enqueue_indirect_dma source(%arg14 : memref<128x64xf32, #tpu.memory_space<vmem>>) target(%dma_start3A_266 : memref<10240x64xf32, #tpu.memory_space<vmem_shared>>) offsets(%dma_start3A_263 : memref<128xi32, #tpu.memory_space<vmem>>) semaphore(%arg21 : memref<!tpu.dma_semaphore, #tpu.memory_space<semaphore_mem>>) {add = true}
      %dma_start3A_267 = arith.constant 6 : i32
      %dma_start3A_268 = arith.constant 0 : i32
      %dma_start3A_269 = tpu.memref_slice %arg11[%dma_start3A_267, %dma_start3A_268] : memref<8x128xi32, #tpu.memory_space<vmem>> -> memref<1x128xi32, #tpu.memory_space<vmem>>
      %dma_start3A_270 = tpu.memref_squeeze %dma_start3A_269 : memref<1x128xi32, #tpu.memory_space<vmem>> -> memref<128xi32, #tpu.memory_space<vmem>>
      %dma_start3A_271 = arith.constant 0 : i32
      %dma_start3A_272 = arith.constant 0 : i32
      %dma_start3A_273 = tpu.memref_slice %arg19[%dma_start3A_271, %dma_start3A_272] : memref<10240x16xf32, #tpu.memory_space<vmem_shared>> -> memref<10240x16xf32, #tpu.memory_space<vmem_shared>>
      tpu.enqueue_indirect_dma source(%arg16 : memref<128x16xf32, #tpu.memory_space<vmem>>) target(%dma_start3A_273 : memref<10240x16xf32, #tpu.memory_space<vmem_shared>>) offsets(%dma_start3A_270 : memref<128xi32, #tpu.memory_space<vmem>>) semaphore(%arg22 : memref<!tpu.dma_semaphore, #tpu.memory_space<semaphore_mem>>) {add = true}
      %dma_wait3A_274 = arith.constant 896 : i32
      %dma_wait3A_275 = tpu.memref_slice %arg10[%dma_wait3A_274] : memref<1024xi32, #tpu.memory_space<vmem>> -> memref<128xi32, #tpu.memory_space<vmem>>
      %dma_wait3A_276 = arith.constant 0 : i32
      %dma_wait3A_277 = arith.constant 0 : i32
      %dma_wait3A_278 = tpu.memref_slice %arg17[%dma_wait3A_276, %dma_wait3A_277] : memref<10240x64xf32, #tpu.memory_space<vmem_shared>> -> memref<10240x64xf32, #tpu.memory_space<vmem_shared>>
      tpu.wait_indirect_dma semaphore(%arg20 : memref<!tpu.dma_semaphore, #tpu.memory_space<semaphore_mem>>) src(%dma_wait3A_278 : memref<10240x64xf32, #tpu.memory_space<vmem_shared>>) dst(%arg15 : memref<128x64xf32, #tpu.memory_space<vmem>>)
      %dma_start3A_279 = arith.constant 7 : i32
      %dma_start3A_280 = arith.constant 0 : i32
      %dma_start3A_281 = tpu.memref_slice %arg11[%dma_start3A_279, %dma_start3A_280] : memref<8x128xi32, #tpu.memory_space<vmem>> -> memref<1x128xi32, #tpu.memory_space<vmem>>
      %dma_start3A_282 = tpu.memref_squeeze %dma_start3A_281 : memref<1x128xi32, #tpu.memory_space<vmem>> -> memref<128xi32, #tpu.memory_space<vmem>>
      %dma_start3A_283 = arith.constant 0 : i32
      %dma_start3A_284 = arith.constant 0 : i32
      %dma_start3A_285 = tpu.memref_slice %arg18[%dma_start3A_283, %dma_start3A_284] : memref<10240x64xf32, #tpu.memory_space<vmem_shared>> -> memref<10240x64xf32, #tpu.memory_space<vmem_shared>>
      tpu.enqueue_indirect_dma source(%arg15 : memref<128x64xf32, #tpu.memory_space<vmem>>) target(%dma_start3A_285 : memref<10240x64xf32, #tpu.memory_space<vmem_shared>>) offsets(%dma_start3A_282 : memref<128xi32, #tpu.memory_space<vmem>>) semaphore(%arg21 : memref<!tpu.dma_semaphore, #tpu.memory_space<semaphore_mem>>) {add = true}
      %dma_start3A_286 = arith.constant 7 : i32
      %dma_start3A_287 = arith.constant 0 : i32
      %dma_start3A_288 = tpu.memref_slice %arg11[%dma_start3A_286, %dma_start3A_287] : memref<8x128xi32, #tpu.memory_space<vmem>> -> memref<1x128xi32, #tpu.memory_space<vmem>>
      %dma_start3A_289 = tpu.memref_squeeze %dma_start3A_288 : memref<1x128xi32, #tpu.memory_space<vmem>> -> memref<128xi32, #tpu.memory_space<vmem>>
      %dma_start3A_290 = arith.constant 0 : i32
      %dma_start3A_291 = arith.constant 0 : i32
      %dma_start3A_292 = tpu.memref_slice %arg19[%dma_start3A_290, %dma_start3A_291] : memref<10240x16xf32, #tpu.memory_space<vmem_shared>> -> memref<10240x16xf32, #tpu.memory_space<vmem_shared>>
      tpu.enqueue_indirect_dma source(%arg16 : memref<128x16xf32, #tpu.memory_space<vmem>>) target(%dma_start3A_292 : memref<10240x16xf32, #tpu.memory_space<vmem_shared>>) offsets(%dma_start3A_289 : memref<128xi32, #tpu.memory_space<vmem>>) semaphore(%arg22 : memref<!tpu.dma_semaphore, #tpu.memory_space<semaphore_mem>>) {add = true}
      %dma_wait3A_293 = arith.constant 4 : i32
      %dma_wait3A_294 = arith.constant 0 : i32
      %dma_wait3A_295 = tpu.memref_slice %arg11[%dma_wait3A_293, %dma_wait3A_294] : memref<8x128xi32, #tpu.memory_space<vmem>> -> memref<1x128xi32, #tpu.memory_space<vmem>>
      %dma_wait3A_296 = tpu.memref_squeeze %dma_wait3A_295 : memref<1x128xi32, #tpu.memory_space<vmem>> -> memref<128xi32, #tpu.memory_space<vmem>>
      %dma_wait3A_297 = arith.constant 0 : i32
      %dma_wait3A_298 = arith.constant 0 : i32
      %dma_wait3A_299 = tpu.memref_slice %arg18[%dma_wait3A_297, %dma_wait3A_298] : memref<10240x64xf32, #tpu.memory_space<vmem_shared>> -> memref<10240x64xf32, #tpu.memory_space<vmem_shared>>
      tpu.wait_indirect_dma semaphore(%arg21 : memref<!tpu.dma_semaphore, #tpu.memory_space<semaphore_mem>>) src(%arg12 : memref<128x64xf32, #tpu.memory_space<vmem>>) dst(%dma_wait3A_299 : memref<10240x64xf32, #tpu.memory_space<vmem_shared>>)
      %dma_wait3A_300 = arith.constant 4 : i32
      %dma_wait3A_301 = arith.constant 0 : i32
      %dma_wait3A_302 = tpu.memref_slice %arg11[%dma_wait3A_300, %dma_wait3A_301] : memref<8x128xi32, #tpu.memory_space<vmem>> -> memref<1x128xi32, #tpu.memory_space<vmem>>
      %dma_wait3A_303 = tpu.memref_squeeze %dma_wait3A_302 : memref<1x128xi32, #tpu.memory_space<vmem>> -> memref<128xi32, #tpu.memory_space<vmem>>
      %dma_wait3A_304 = arith.constant 0 : i32
      %dma_wait3A_305 = arith.constant 0 : i32
      %dma_wait3A_306 = tpu.memref_slice %arg19[%dma_wait3A_304, %dma_wait3A_305] : memref<10240x16xf32, #tpu.memory_space<vmem_shared>> -> memref<10240x16xf32, #tpu.memory_space<vmem_shared>>
      tpu.wait_indirect_dma semaphore(%arg22 : memref<!tpu.dma_semaphore, #tpu.memory_space<semaphore_mem>>) src(%arg16 : memref<128x16xf32, #tpu.memory_space<vmem>>) dst(%dma_wait3A_306 : memref<10240x16xf32, #tpu.memory_space<vmem_shared>>)
      %dma_wait3A_307 = arith.constant 5 : i32
      %dma_wait3A_308 = arith.constant 0 : i32
      %dma_wait3A_309 = tpu.memref_slice %arg11[%dma_wait3A_307, %dma_wait3A_308] : memref<8x128xi32, #tpu.memory_space<vmem>> -> memref<1x128xi32, #tpu.memory_space<vmem>>
      %dma_wait3A_310 = tpu.memref_squeeze %dma_wait3A_309 : memref<1x128xi32, #tpu.memory_space<vmem>> -> memref<128xi32, #tpu.memory_space<vmem>>
      %dma_wait3A_311 = arith.constant 0 : i32
      %dma_wait3A_312 = arith.constant 0 : i32
      %dma_wait3A_313 = tpu.memref_slice %arg18[%dma_wait3A_311, %dma_wait3A_312] : memref<10240x64xf32, #tpu.memory_space<vmem_shared>> -> memref<10240x64xf32, #tpu.memory_space<vmem_shared>>
      tpu.wait_indirect_dma semaphore(%arg21 : memref<!tpu.dma_semaphore, #tpu.memory_space<semaphore_mem>>) src(%arg13 : memref<128x64xf32, #tpu.memory_space<vmem>>) dst(%dma_wait3A_313 : memref<10240x64xf32, #tpu.memory_space<vmem_shared>>)
      %dma_wait3A_314 = arith.constant 5 : i32
      %dma_wait3A_315 = arith.constant 0 : i32
      %dma_wait3A_316 = tpu.memref_slice %arg11[%dma_wait3A_314, %dma_wait3A_315] : memref<8x128xi32, #tpu.memory_space<vmem>> -> memref<1x128xi32, #tpu.memory_space<vmem>>
      %dma_wait3A_317 = tpu.memref_squeeze %dma_wait3A_316 : memref<1x128xi32, #tpu.memory_space<vmem>> -> memref<128xi32, #tpu.memory_space<vmem>>
      %dma_wait3A_318 = arith.constant 0 : i32
      %dma_wait3A_319 = arith.constant 0 : i32
      %dma_wait3A_320 = tpu.memref_slice %arg19[%dma_wait3A_318, %dma_wait3A_319] : memref<10240x16xf32, #tpu.memory_space<vmem_shared>> -> memref<10240x16xf32, #tpu.memory_space<vmem_shared>>
      tpu.wait_indirect_dma semaphore(%arg22 : memref<!tpu.dma_semaphore, #tpu.memory_space<semaphore_mem>>) src(%arg16 : memref<128x16xf32, #tpu.memory_space<vmem>>) dst(%dma_wait3A_320 : memref<10240x16xf32, #tpu.memory_space<vmem_shared>>)
      %dma_wait3A_321 = arith.constant 6 : i32
      %dma_wait3A_322 = arith.constant 0 : i32
      %dma_wait3A_323 = tpu.memref_slice %arg11[%dma_wait3A_321, %dma_wait3A_322] : memref<8x128xi32, #tpu.memory_space<vmem>> -> memref<1x128xi32, #tpu.memory_space<vmem>>
      %dma_wait3A_324 = tpu.memref_squeeze %dma_wait3A_323 : memref<1x128xi32, #tpu.memory_space<vmem>> -> memref<128xi32, #tpu.memory_space<vmem>>
      %dma_wait3A_325 = arith.constant 0 : i32
      %dma_wait3A_326 = arith.constant 0 : i32
      %dma_wait3A_327 = tpu.memref_slice %arg18[%dma_wait3A_325, %dma_wait3A_326] : memref<10240x64xf32, #tpu.memory_space<vmem_shared>> -> memref<10240x64xf32, #tpu.memory_space<vmem_shared>>
      tpu.wait_indirect_dma semaphore(%arg21 : memref<!tpu.dma_semaphore, #tpu.memory_space<semaphore_mem>>) src(%arg14 : memref<128x64xf32, #tpu.memory_space<vmem>>) dst(%dma_wait3A_327 : memref<10240x64xf32, #tpu.memory_space<vmem_shared>>)
      %dma_wait3A_328 = arith.constant 6 : i32
      %dma_wait3A_329 = arith.constant 0 : i32
      %dma_wait3A_330 = tpu.memref_slice %arg11[%dma_wait3A_328, %dma_wait3A_329] : memref<8x128xi32, #tpu.memory_space<vmem>> -> memref<1x128xi32, #tpu.memory_space<vmem>>
      %dma_wait3A_331 = tpu.memref_squeeze %dma_wait3A_330 : memref<1x128xi32, #tpu.memory_space<vmem>> -> memref<128xi32, #tpu.memory_space<vmem>>
      %dma_wait3A_332 = arith.constant 0 : i32
      %dma_wait3A_333 = arith.constant 0 : i32
      %dma_wait3A_334 = tpu.memref_slice %arg19[%dma_wait3A_332, %dma_wait3A_333] : memref<10240x16xf32, #tpu.memory_space<vmem_shared>> -> memref<10240x16xf32, #tpu.memory_space<vmem_shared>>
      tpu.wait_indirect_dma semaphore(%arg22 : memref<!tpu.dma_semaphore, #tpu.memory_space<semaphore_mem>>) src(%arg16 : memref<128x16xf32, #tpu.memory_space<vmem>>) dst(%dma_wait3A_334 : memref<10240x16xf32, #tpu.memory_space<vmem_shared>>)
      %dma_wait3A_335 = arith.constant 7 : i32
      %dma_wait3A_336 = arith.constant 0 : i32
      %dma_wait3A_337 = tpu.memref_slice %arg11[%dma_wait3A_335, %dma_wait3A_336] : memref<8x128xi32, #tpu.memory_space<vmem>> -> memref<1x128xi32, #tpu.memory_space<vmem>>
      %dma_wait3A_338 = tpu.memref_squeeze %dma_wait3A_337 : memref<1x128xi32, #tpu.memory_space<vmem>> -> memref<128xi32, #tpu.memory_space<vmem>>
      %dma_wait3A_339 = arith.constant 0 : i32
      %dma_wait3A_340 = arith.constant 0 : i32
      %dma_wait3A_341 = tpu.memref_slice %arg18[%dma_wait3A_339, %dma_wait3A_340] : memref<10240x64xf32, #tpu.memory_space<vmem_shared>> -> memref<10240x64xf32, #tpu.memory_space<vmem_shared>>
      tpu.wait_indirect_dma semaphore(%arg21 : memref<!tpu.dma_semaphore, #tpu.memory_space<semaphore_mem>>) src(%arg15 : memref<128x64xf32, #tpu.memory_space<vmem>>) dst(%dma_wait3A_341 : memref<10240x64xf32, #tpu.memory_space<vmem_shared>>)
      %dma_wait3A_342 = arith.constant 7 : i32
      %dma_wait3A_343 = arith.constant 0 : i32
      %dma_wait3A_344 = tpu.memref_slice %arg11[%dma_wait3A_342, %dma_wait3A_343] : memref<8x128xi32, #tpu.memory_space<vmem>> -> memref<1x128xi32, #tpu.memory_space<vmem>>
      %dma_wait3A_345 = tpu.memref_squeeze %dma_wait3A_344 : memref<1x128xi32, #tpu.memory_space<vmem>> -> memref<128xi32, #tpu.memory_space<vmem>>
      %dma_wait3A_346 = arith.constant 0 : i32
      %dma_wait3A_347 = arith.constant 0 : i32
      %dma_wait3A_348 = tpu.memref_slice %arg19[%dma_wait3A_346, %dma_wait3A_347] : memref<10240x16xf32, #tpu.memory_space<vmem_shared>> -> memref<10240x16xf32, #tpu.memory_space<vmem_shared>>
      tpu.wait_indirect_dma semaphore(%arg22 : memref<!tpu.dma_semaphore, #tpu.memory_space<semaphore_mem>>) src(%arg16 : memref<128x16xf32, #tpu.memory_space<vmem>>) dst(%dma_wait3A_348 : memref<10240x16xf32, #tpu.memory_space<vmem_shared>>)
    }
    %scan3A_30 = arith.constant 20 : i32
    %barrier3A_31 = arith.constant 0 : index
    tpu.barrier barrier_id(%barrier3A_31)
    %scan3A_32 = arith.constant 0 : i32
    %scan3A_33 = arith.constant 0 : i32
    %scan3A_34 = arith.constant 5 : i32
    %scan3A_35 = arith.addi %scan3A_33, %scan3A_34 : i32
    %scan3A_36 = arith.constant 1 : i32
    scf.for %scan3A_38 = %scan3A_33 to %scan3A_35 step %scan3A_36  : i32 {
      %mul3A_39 = arith.constant 128 : i32
      %mul3A_40 = arith.muli %scan3A_38, %mul3A_39 : i32
      %add3A_41 = arith.addi %mul3A_0, %mul3A_40 : i32
      "tpu.region"() ({
        %run_scoped3A = tpu.sem_alloc : memref<!tpu.dma_semaphore, #tpu.memory_space<semaphore_mem>>
        %dma_start3A = arith.constant 0 : i32
        %dma_start3A_42 = tpu.memref_slice %arg18[%add3A_41, %dma_start3A] : memref<10240x64xf32, #tpu.memory_space<vmem_shared>> -> memref<128x64xf32, #tpu.memory_space<vmem_shared>>
        %dma_start3A_43 = arith.constant 0 : i32
        %dma_start3A_44 = tpu.memref_slice %arg18[%add3A_41, %dma_start3A_43] : memref<10240x64xf32, #tpu.memory_space<vmem_shared>> -> memref<128x64xf32, #tpu.memory_space<vmem_shared>>
        tpu.enqueue_dma source(%dma_start3A_44 : memref<128x64xf32, #tpu.memory_space<vmem_shared>>) target(%arg12 : memref<128x64xf32, #tpu.memory_space<vmem>>) target_semaphore(%run_scoped3A : memref<!tpu.dma_semaphore, #tpu.memory_space<semaphore_mem>>)
        %dma_wait3A = arith.constant 0 : i32
        %dma_wait3A_45 = tpu.memref_slice %arg18[%add3A_41, %dma_wait3A] : memref<10240x64xf32, #tpu.memory_space<vmem_shared>> -> memref<128x64xf32, #tpu.memory_space<vmem_shared>>
        %dma_wait3A_46 = arith.constant 0 : i32
        %dma_wait3A_47 = tpu.memref_slice %arg18[%add3A_41, %dma_wait3A_46] : memref<10240x64xf32, #tpu.memory_space<vmem_shared>> -> memref<128x64xf32, #tpu.memory_space<vmem_shared>>
        tpu.wait_dma2 semaphore(%run_scoped3A : memref<!tpu.dma_semaphore, #tpu.memory_space<semaphore_mem>>) src(%dma_wait3A_47 : memref<128x64xf32, #tpu.memory_space<vmem_shared>>) dst(%arg12 : memref<128x64xf32, #tpu.memory_space<vmem>>)
        tpu.yield
      }) : () -> ()
      "tpu.region"() ({
        %run_scoped3A = tpu.sem_alloc : memref<!tpu.dma_semaphore, #tpu.memory_space<semaphore_mem>>
        %dma_start3A = arith.constant 0 : i32
        %dma_start3A_42 = tpu.memref_slice %arg8[%arg0, %add3A_41, %dma_start3A] : memref<2x10240x64xf32, #tpu.memory_space<hbm>> -> memref<1x128x64xf32, #tpu.memory_space<hbm>>
        %dma_start3A_43 = tpu.memref_squeeze %dma_start3A_42 : memref<1x128x64xf32, #tpu.memory_space<hbm>> -> memref<128x64xf32, #tpu.memory_space<hbm>>
        %dma_start3A_44 = arith.constant 0 : i32
        %dma_start3A_45 = tpu.memref_slice %arg8[%arg0, %add3A_41, %dma_start3A_44] : memref<2x10240x64xf32, #tpu.memory_space<hbm>> -> memref<1x128x64xf32, #tpu.memory_space<hbm>>
        %dma_start3A_46 = tpu.memref_squeeze %dma_start3A_45 : memref<1x128x64xf32, #tpu.memory_space<hbm>> -> memref<128x64xf32, #tpu.memory_space<hbm>>
        tpu.enqueue_dma source(%arg12 : memref<128x64xf32, #tpu.memory_space<vmem>>) target(%dma_start3A_46 : memref<128x64xf32, #tpu.memory_space<hbm>>) target_semaphore(%run_scoped3A : memref<!tpu.dma_semaphore, #tpu.memory_space<semaphore_mem>>)
        %dma_wait3A = arith.constant 0 : i32
        %dma_wait3A_47 = tpu.memref_slice %arg8[%arg0, %add3A_41, %dma_wait3A] : memref<2x10240x64xf32, #tpu.memory_space<hbm>> -> memref<1x128x64xf32, #tpu.memory_space<hbm>>
        %dma_wait3A_48 = tpu.memref_squeeze %dma_wait3A_47 : memref<1x128x64xf32, #tpu.memory_space<hbm>> -> memref<128x64xf32, #tpu.memory_space<hbm>>
        %dma_wait3A_49 = arith.constant 0 : i32
        %dma_wait3A_50 = tpu.memref_slice %arg8[%arg0, %add3A_41, %dma_wait3A_49] : memref<2x10240x64xf32, #tpu.memory_space<hbm>> -> memref<1x128x64xf32, #tpu.memory_space<hbm>>
        %dma_wait3A_51 = tpu.memref_squeeze %dma_wait3A_50 : memref<1x128x64xf32, #tpu.memory_space<hbm>> -> memref<128x64xf32, #tpu.memory_space<hbm>>
        tpu.wait_dma2 semaphore(%run_scoped3A : memref<!tpu.dma_semaphore, #tpu.memory_space<semaphore_mem>>) src(%arg12 : memref<128x64xf32, #tpu.memory_space<vmem>>) dst(%dma_wait3A_51 : memref<128x64xf32, #tpu.memory_space<hbm>>)
        tpu.yield
      }) : () -> ()
      "tpu.region"() ({
        %run_scoped3A = tpu.sem_alloc : memref<!tpu.dma_semaphore, #tpu.memory_space<semaphore_mem>>
        %dma_start3A = arith.constant 0 : i32
        %dma_start3A_42 = tpu.memref_slice %arg19[%add3A_41, %dma_start3A] : memref<10240x16xf32, #tpu.memory_space<vmem_shared>> -> memref<128x16xf32, #tpu.memory_space<vmem_shared>>
        %dma_start3A_43 = arith.constant 0 : i32
        %dma_start3A_44 = tpu.memref_slice %arg19[%add3A_41, %dma_start3A_43] : memref<10240x16xf32, #tpu.memory_space<vmem_shared>> -> memref<128x16xf32, #tpu.memory_space<vmem_shared>>
        tpu.enqueue_dma source(%dma_start3A_44 : memref<128x16xf32, #tpu.memory_space<vmem_shared>>) target(%arg16 : memref<128x16xf32, #tpu.memory_space<vmem>>) target_semaphore(%run_scoped3A : memref<!tpu.dma_semaphore, #tpu.memory_space<semaphore_mem>>)
        %dma_wait3A = arith.constant 0 : i32
        %dma_wait3A_45 = tpu.memref_slice %arg19[%add3A_41, %dma_wait3A] : memref<10240x16xf32, #tpu.memory_space<vmem_shared>> -> memref<128x16xf32, #tpu.memory_space<vmem_shared>>
        %dma_wait3A_46 = arith.constant 0 : i32
        %dma_wait3A_47 = tpu.memref_slice %arg19[%add3A_41, %dma_wait3A_46] : memref<10240x16xf32, #tpu.memory_space<vmem_shared>> -> memref<128x16xf32, #tpu.memory_space<vmem_shared>>
        tpu.wait_dma2 semaphore(%run_scoped3A : memref<!tpu.dma_semaphore, #tpu.memory_space<semaphore_mem>>) src(%dma_wait3A_47 : memref<128x16xf32, #tpu.memory_space<vmem_shared>>) dst(%arg16 : memref<128x16xf32, #tpu.memory_space<vmem>>)
        tpu.yield
      }) : () -> ()
      "tpu.region"() ({
        %run_scoped3A = tpu.sem_alloc : memref<!tpu.dma_semaphore, #tpu.memory_space<semaphore_mem>>
        %dma_start3A = arith.constant 0 : i32
        %dma_start3A_42 = tpu.memref_slice %arg9[%arg0, %add3A_41, %dma_start3A] : memref<2x10240x16xf32, #tpu.memory_space<hbm>> -> memref<1x128x16xf32, #tpu.memory_space<hbm>>
        %dma_start3A_43 = tpu.memref_squeeze %dma_start3A_42 : memref<1x128x16xf32, #tpu.memory_space<hbm>> -> memref<128x16xf32, #tpu.memory_space<hbm>>
        %dma_start3A_44 = arith.constant 0 : i32
        %dma_start3A_45 = tpu.memref_slice %arg9[%arg0, %add3A_41, %dma_start3A_44] : memref<2x10240x16xf32, #tpu.memory_space<hbm>> -> memref<1x128x16xf32, #tpu.memory_space<hbm>>
        %dma_start3A_46 = tpu.memref_squeeze %dma_start3A_45 : memref<1x128x16xf32, #tpu.memory_space<hbm>> -> memref<128x16xf32, #tpu.memory_space<hbm>>
        tpu.enqueue_dma source(%arg16 : memref<128x16xf32, #tpu.memory_space<vmem>>) target(%dma_start3A_46 : memref<128x16xf32, #tpu.memory_space<hbm>>) target_semaphore(%run_scoped3A : memref<!tpu.dma_semaphore, #tpu.memory_space<semaphore_mem>>)
        %dma_wait3A = arith.constant 0 : i32
        %dma_wait3A_47 = tpu.memref_slice %arg9[%arg0, %add3A_41, %dma_wait3A] : memref<2x10240x16xf32, #tpu.memory_space<hbm>> -> memref<1x128x16xf32, #tpu.memory_space<hbm>>
        %dma_wait3A_48 = tpu.memref_squeeze %dma_wait3A_47 : memref<1x128x16xf32, #tpu.memory_space<hbm>> -> memref<128x16xf32, #tpu.memory_space<hbm>>
        %dma_wait3A_49 = arith.constant 0 : i32
        %dma_wait3A_50 = tpu.memref_slice %arg9[%arg0, %add3A_41, %dma_wait3A_49] : memref<2x10240x16xf32, #tpu.memory_space<hbm>> -> memref<1x128x16xf32, #tpu.memory_space<hbm>>
        %dma_wait3A_51 = tpu.memref_squeeze %dma_wait3A_50 : memref<1x128x16xf32, #tpu.memory_space<hbm>> -> memref<128x16xf32, #tpu.memory_space<hbm>>
        tpu.wait_dma2 semaphore(%run_scoped3A : memref<!tpu.dma_semaphore, #tpu.memory_space<semaphore_mem>>) src(%arg16 : memref<128x16xf32, #tpu.memory_space<vmem>>) dst(%dma_wait3A_51 : memref<128x16xf32, #tpu.memory_space<hbm>>)
        tpu.yield
      }) : () -> ()
    }
    %scan3A_37 = arith.constant 5 : i32
    return
  }
}

module attributes {stable_mosaic.version = 14 : i64} {
  func.func @_tc_body(%arg0: i32, %arg1: memref<1000x128xf32, #tpu.memory_space<vmem>>, %arg2: memref<2x1000x64xf32, #tpu.memory_space<vmem>>, %arg3: memref<2x1000x64xf32, #tpu.memory_space<vmem>>, %arg4: memref<2x1000x16xf32, #tpu.memory_space<vmem>>, %arg5: memref<128x128xf32, #tpu.memory_space<vmem>>, %arg6: memref<128x128xf32, #tpu.memory_space<vmem>>, %arg7: memref<128x128xf32, #tpu.memory_space<vmem>>, %arg8: memref<1x128xf32, #tpu.memory_space<vmem>>, %arg9: memref<1000x128xf32, #tpu.memory_space<vmem>>) attributes {dimension_semantics = [#tpu.dimension_semantics<arbitrary>], iteration_bounds = array<i64: 10>, scalar_prefetch = 0 : i64, scratch_operands = 0 : i64, tpu.core_type = #tpu.core_type<tc>, window_params = [{transform_indices = @transform_0, window_bounds = array<i64: 1000, 128>}, {transform_indices = @transform_1, window_bounds = array<i64: 2, 1000, 64>}, {transform_indices = @transform_2, window_bounds = array<i64: 2, 1000, 64>}, {transform_indices = @transform_3, window_bounds = array<i64: 2, 1000, 16>}, {pipeline_mode = #tpu.pipeline_mode<synchronous>, transform_indices = @transform_4, window_bounds = array<i64: 128, 128>}, {pipeline_mode = #tpu.pipeline_mode<synchronous>, transform_indices = @transform_5, window_bounds = array<i64: 128, 128>}, {pipeline_mode = #tpu.pipeline_mode<synchronous>, transform_indices = @transform_6, window_bounds = array<i64: 128, 128>}, {pipeline_mode = #tpu.pipeline_mode<synchronous>, transform_indices = @transform_7, window_bounds = array<i64: 1, 128>}, {transform_indices = @transform_8, window_bounds = array<i64: 1000, 128>}]} {
    %get3A = arith.constant 0 : index
    %get3A_0 = arith.constant 0 : index
    %get3A_1 = vector.load %arg1[%get3A, %get3A_0] : memref<1000x128xf32, #tpu.memory_space<vmem>>, vector<1000x128xf32>
    %get3A_2 = arith.constant 0 : index
    %get3A_3 = arith.constant 0 : index
    %get3A_4 = arith.constant 0 : index
    %get3A_5 = vector.load %arg4[%get3A_2, %get3A_3, %get3A_4] : memref<2x1000x16xf32, #tpu.memory_space<vmem>>, vector<1x1000x1xf32>
    %get3A_6 = vector.shape_cast %get3A_5 : vector<1x1000x1xf32> to vector<1000x1xf32>
    %max3A = arith.constant 1.000000e+00 : f32
    %max3A_7 = vector.broadcast %max3A : f32 to vector<1000x1xf32>
    %max3A_8 = arith.maximumf %get3A_6, %max3A_7 : vector<1000x1xf32>
    %div3A = arith.constant 5.000000e-01 : f32
    %div3A_9 = vector.broadcast %div3A : f32 to vector<1000x1xf32>
    %div3A_10 = arith.divf %div3A_9, %max3A_8 : vector<1000x1xf32>
    %get3A_11 = arith.constant 1 : index
    %get3A_12 = arith.constant 0 : index
    %get3A_13 = arith.constant 0 : index
    %get3A_14 = vector.load %arg4[%get3A_11, %get3A_12, %get3A_13] : memref<2x1000x16xf32, #tpu.memory_space<vmem>>, vector<1x1000x1xf32>
    %get3A_15 = vector.shape_cast %get3A_14 : vector<1x1000x1xf32> to vector<1000x1xf32>
    %max3A_16 = arith.constant 1.000000e+00 : f32
    %max3A_17 = vector.broadcast %max3A_16 : f32 to vector<1000x1xf32>
    %max3A_18 = arith.maximumf %get3A_15, %max3A_17 : vector<1000x1xf32>
    %div3A_19 = arith.constant 5.000000e-01 : f32
    %div3A_20 = vector.broadcast %div3A_19 : f32 to vector<1000x1xf32>
    %div3A_21 = arith.divf %div3A_20, %max3A_18 : vector<1000x1xf32>
    %get3A_22 = arith.constant 0 : index
    %get3A_23 = arith.constant 0 : index
    %get3A_24 = vector.load %arg5[%get3A_22, %get3A_23] : memref<128x128xf32, #tpu.memory_space<vmem>>, vector<128x128xf32>
    %dot_general3A = arith.constant dense<0.000000e+00> : vector<1000x128xf32>
    %dot_general3A_25 = tpu.matmul %get3A_1, %get3A_24, %dot_general3A {dimension_numbers = #tpu.dot_dimension_numbers<[1], [0], [0], [1], [0, 0, 1, 1], [], []>, transpose_lhs_hint = false} : vector<1000x128xf32>, vector<128x128xf32>, vector<1000x128xf32> -> vector<1000x128xf32>
    %get3A_26 = arith.constant 0 : index
    %get3A_27 = arith.constant 0 : index
    %get3A_28 = arith.constant 0 : index
    %get3A_29 = vector.load %arg2[%get3A_26, %get3A_27, %get3A_28] : memref<2x1000x64xf32, #tpu.memory_space<vmem>>, vector<1x1000x64xf32>
    %get3A_30 = vector.shape_cast %get3A_29 : vector<1x1000x64xf32> to vector<1000x64xf32>
    %get3A_31 = arith.constant 0 : index
    %get3A_32 = arith.constant 0 : index
    %get3A_33 = vector.load %arg6[%get3A_31, %get3A_32] : memref<128x128xf32, #tpu.memory_space<vmem>>, vector<64x128xf32>
    %dot_general3A_34 = arith.constant dense<0.000000e+00> : vector<1000x128xf32>
    %dot_general3A_35 = tpu.matmul %get3A_30, %get3A_33, %dot_general3A_34 {dimension_numbers = #tpu.dot_dimension_numbers<[1], [0], [0], [1], [0, 0, 1, 1], [], []>, transpose_lhs_hint = false} : vector<1000x64xf32>, vector<64x128xf32>, vector<1000x128xf32> -> vector<1000x128xf32>
    %get3A_36 = arith.constant 0 : index
    %get3A_37 = arith.constant 0 : index
    %get3A_38 = arith.constant 0 : index
    %get3A_39 = vector.load %arg3[%get3A_36, %get3A_37, %get3A_38] : memref<2x1000x64xf32, #tpu.memory_space<vmem>>, vector<1x1000x64xf32>
    %get3A_40 = vector.shape_cast %get3A_39 : vector<1x1000x64xf32> to vector<1000x64xf32>
    %get3A_41 = arith.constant 64 : index
    %get3A_42 = arith.constant 0 : index
    %get3A_43 = vector.load %arg6[%get3A_41, %get3A_42] : memref<128x128xf32, #tpu.memory_space<vmem>>, vector<64x128xf32>
    %dot_general3A_44 = arith.constant dense<0.000000e+00> : vector<1000x128xf32>
    %dot_general3A_45 = tpu.matmul %get3A_40, %get3A_43, %dot_general3A_44 {dimension_numbers = #tpu.dot_dimension_numbers<[1], [0], [0], [1], [0, 0, 1, 1], [], []>, transpose_lhs_hint = false} : vector<1000x64xf32>, vector<64x128xf32>, vector<1000x128xf32> -> vector<1000x128xf32>
    %add3A = arith.addf %dot_general3A_35, %dot_general3A_45 : vector<1000x128xf32>
    %get3A_46 = arith.constant 1 : index
    %get3A_47 = arith.constant 0 : index
    %get3A_48 = arith.constant 0 : index
    %get3A_49 = vector.load %arg2[%get3A_46, %get3A_47, %get3A_48] : memref<2x1000x64xf32, #tpu.memory_space<vmem>>, vector<1x1000x64xf32>
    %get3A_50 = vector.shape_cast %get3A_49 : vector<1x1000x64xf32> to vector<1000x64xf32>
    %get3A_51 = arith.constant 0 : index
    %get3A_52 = arith.constant 0 : index
    %get3A_53 = vector.load %arg7[%get3A_51, %get3A_52] : memref<128x128xf32, #tpu.memory_space<vmem>>, vector<64x128xf32>
    %dot_general3A_54 = arith.constant dense<0.000000e+00> : vector<1000x128xf32>
    %dot_general3A_55 = tpu.matmul %get3A_50, %get3A_53, %dot_general3A_54 {dimension_numbers = #tpu.dot_dimension_numbers<[1], [0], [0], [1], [0, 0, 1, 1], [], []>, transpose_lhs_hint = false} : vector<1000x64xf32>, vector<64x128xf32>, vector<1000x128xf32> -> vector<1000x128xf32>
    %get3A_56 = arith.constant 1 : index
    %get3A_57 = arith.constant 0 : index
    %get3A_58 = arith.constant 0 : index
    %get3A_59 = vector.load %arg3[%get3A_56, %get3A_57, %get3A_58] : memref<2x1000x64xf32, #tpu.memory_space<vmem>>, vector<1x1000x64xf32>
    %get3A_60 = vector.shape_cast %get3A_59 : vector<1x1000x64xf32> to vector<1000x64xf32>
    %get3A_61 = arith.constant 64 : index
    %get3A_62 = arith.constant 0 : index
    %get3A_63 = vector.load %arg7[%get3A_61, %get3A_62] : memref<128x128xf32, #tpu.memory_space<vmem>>, vector<64x128xf32>
    %dot_general3A_64 = arith.constant dense<0.000000e+00> : vector<1000x128xf32>
    %dot_general3A_65 = tpu.matmul %get3A_60, %get3A_63, %dot_general3A_64 {dimension_numbers = #tpu.dot_dimension_numbers<[1], [0], [0], [1], [0, 0, 1, 1], [], []>, transpose_lhs_hint = false} : vector<1000x64xf32>, vector<64x128xf32>, vector<1000x128xf32> -> vector<1000x128xf32>
    %add3A_66 = arith.addf %dot_general3A_55, %dot_general3A_65 : vector<1000x128xf32>
    %mul3A = vector.broadcast %div3A_10 : vector<1000x1xf32> to vector<1000x128xf32>
    %mul3A_67 = arith.mulf %mul3A, %add3A : vector<1000x128xf32>
    %add3A_68 = arith.addf %dot_general3A_25, %mul3A_67 : vector<1000x128xf32>
    %mul3A_69 = vector.broadcast %div3A_21 : vector<1000x1xf32> to vector<1000x128xf32>
    %mul3A_70 = arith.mulf %mul3A_69, %add3A_66 : vector<1000x128xf32>
    %add3A_71 = arith.addf %add3A_68, %mul3A_70 : vector<1000x128xf32>
    %get3A_72 = arith.constant 0 : index
    %get3A_73 = arith.constant 0 : index
    %get3A_74 = vector.load %arg8[%get3A_72, %get3A_73] : memref<1x128xf32, #tpu.memory_space<vmem>>, vector<1x128xf32>
    %add3A_75 = vector.broadcast %get3A_74 : vector<1x128xf32> to vector<1000x128xf32>
    %add3A_76 = arith.addf %add3A_71, %add3A_75 : vector<1000x128xf32>
    %swap3A = arith.constant 0 : index
    %swap3A_77 = arith.constant 0 : index
    %swap3A_78 = vector.load %arg9[%swap3A, %swap3A_77] : memref<1000x128xf32, #tpu.memory_space<vmem>>, vector<1000x128xf32>
    tpu.vector_store %arg9[%swap3A, %swap3A_77], %add3A_76 {strides = array<i32>} : memref<1000x128xf32, #tpu.memory_space<vmem>>, vector<1000x128xf32>,
    return
  }
  func.func @transform_0(%arg0: i32) -> (i32, i32) {
    %c0_i32 = arith.constant 0 : i32
    %c0_i32_0 = arith.constant 0 : i32
    return %arg0, %c0_i32 : i32, i32
  }
  func.func @transform_1(%arg0: i32) -> (i32, i32, i32) {
    %c0_i32 = arith.constant 0 : i32
    %c0_i32_0 = arith.constant 0 : i32
    %c0_i32_1 = arith.constant 0 : i32
    return %c0_i32, %arg0, %c0_i32_0 : i32, i32, i32
  }
  func.func @transform_2(%arg0: i32) -> (i32, i32, i32) {
    %c0_i32 = arith.constant 0 : i32
    %c0_i32_0 = arith.constant 0 : i32
    %c0_i32_1 = arith.constant 0 : i32
    return %c0_i32, %arg0, %c0_i32_0 : i32, i32, i32
  }
  func.func @transform_3(%arg0: i32) -> (i32, i32, i32) {
    %c0_i32 = arith.constant 0 : i32
    %c0_i32_0 = arith.constant 0 : i32
    %c0_i32_1 = arith.constant 0 : i32
    return %c0_i32, %arg0, %c0_i32_0 : i32, i32, i32
  }
  func.func @transform_4(%arg0: i32) -> (i32, i32) {
    %c0_i32 = arith.constant 0 : i32
    %c0_i32_0 = arith.constant 0 : i32
    %c0_i32_1 = arith.constant 0 : i32
    return %c0_i32, %c0_i32_0 : i32, i32
  }
  func.func @transform_5(%arg0: i32) -> (i32, i32) {
    %c0_i32 = arith.constant 0 : i32
    %c0_i32_0 = arith.constant 0 : i32
    %c0_i32_1 = arith.constant 0 : i32
    return %c0_i32, %c0_i32_0 : i32, i32
  }
  func.func @transform_6(%arg0: i32) -> (i32, i32) {
    %c0_i32 = arith.constant 0 : i32
    %c0_i32_0 = arith.constant 0 : i32
    %c0_i32_1 = arith.constant 0 : i32
    return %c0_i32, %c0_i32_0 : i32, i32
  }
  func.func @transform_7(%arg0: i32) -> (i32, i32) {
    %c0_i32 = arith.constant 0 : i32
    %c0_i32_0 = arith.constant 0 : i32
    %c0_i32_1 = arith.constant 0 : i32
    return %c0_i32, %c0_i32_0 : i32, i32
  }
  func.func @transform_8(%arg0: i32) -> (i32, i32) {
    %c0_i32 = arith.constant 0 : i32
    %c0_i32_0 = arith.constant 0 : i32
    return %arg0, %c0_i32 : i32, i32
  }
}

</mosaic_0001>

<sc_bundles>
// kernel: kernel.5.cloned.1.call-start
scs
__scs_entry_jumppad:
0x0: {  	(pc) =	sbr.rel $0x88, $3  }
0x1: {  	(tag) =	ssettag $0x0;
	lr =	simm.s32 $0x1  }
0x2: {  	[smem:$0x3F99] =	sst lr;
	_ =	strace $0xD0000000  }
0x3: {  	_ = 	snop  }
0x4: {  	_ = 	snop  }
0x5: {  	_ = 	snop  }
0x6: {  	_ = 	snop  }
0x7: {  	_ = 	snop  }
__scs_overlays_trampoline_lowered:
0x8: {  	[smem:$0x3FA8] =	sst s0  }
0x9: {  	[smem:$0x3FA9] =	sst s1  }
0xa: {  	[smem:$0x3FAA] =	sst s2  }
0xb: {  	[smem:$0x3FAB] =	sst s3  }
0xc: {  	[smem:$0x3FAC] =	sst s4  }
0xd: {  	[smem:$0x3FAD] =	sst s5  }
0xe: {  	[smem:$0x3FAE] =	sst s6  }
0xf: {  	[smem:$0x3FAF] =	sst s7  }
0x10: {  	[smem:$0x3FB0] =	sst s8  }
0x11: {  	[smem:$0x3FB1] =	sst s9;
	s0 =	simm.s32 @!p0 $0x0  }
0x12: {  	s1 =	sld [smem:$0x3F97];
	s0 =	simm.s32 @p0 $0x1  }
0x13: {  	[smem:$0x3FB2] =	sst s0;
	s0 =	simm.s32 @!p1 $0x0  }
0x14: {  	s2 =	sld [smem:$0x3F96];
	s0 =	simm.s32 @p1 $0x1  }
0x15: {  	[smem:$0x3FB3] =	sst s0;
	s0 =	simm.s32 @!p2 $0x0  }
0x16: {  	s3 =	sld [smem:$0x3FDB];
	s0 =	simm.s32 @p2 $0x1  }
0x17: {  	s4 =	simm.s32 $0x1BF5;
	[smem:$0x3FB5] =	sst s0  }
0x18: {  	s0 =	sld [smem:$0x3F98];
	_ =	swait.ge [sflag:s4], $0x0  }
0x19: {  	s7 =	sld [smem:$0x3F99]  }
0x1a: {  	s8 =	sadd.s32 $0xFFFFE003, lr  }
0x1b: {  	s9 =	sadd.s32 $0xFFFFFEF7, lr;
	s5 =	simm.s32 $0xFFFFFFFF;
	p2 =	slt.u32 s8, $0xFFFFF086  }
0x1c: {  	p1 =	slt.u32 s9, $0xF7A;
	s5 =	simm.s32 @!p2 $0x0  }
0x1d: {  	s5 =	simm.s32 @p1 $0x1;
	p0 =	seq.s32 s7, s2  }
0x1e: {  	s7 =	smul.u32 @!p0 $0xF7A, s2;
	p2 =	seq.s32 @!p0 s5, $0x0  }
0x1f: {  	s9 =	smul.u32 $0xF7A, s1;
	s8 =	simm.s32 @!p0 $0x1BF5;
	p2 =	por !p2, p0  }
0x20: {  	[sflag:s8] =	ssyncset.s32 @!p0 $0xFFFFF086;
	s6 =	sadd.s32 @!p0 s3, s7;
	s7 =	simm.s32 @!p0 $0x108  }
0x21: {  	s3 =	sadd.s32 s3, s9;
	s6 =	sadd.s32 @!p0 $0x88, s6;
	s7 =	simm.s32 @p2 $0x1082  }
0x22: {  	[simem:s7], [sflag:s8] =	dma.local @!p0 [hbm:s6], $0xF7A  }
0x23: {  	s9 =	sor.u32 $0xD0000000, s2;
	s6 =	simm.s32 $0x108;
	_ =	swait.ge @!p0 [sflag:s8], $0x0  }
0x24: {  	s3 =	sadd.s32 $0x88, s3;
	s6 =	simm.s32 @!p1 $0x1082;
	[sflag:s4] =	ssyncset.s32 $0xFFFFF086  }
0x25: {  	[simem:s6], [sflag:s4] =	dma.local [hbm:s3], $0xF7A  }
0x26: {  	[smem:$0x3F99] =	sst s1;
	(tag) =	ssettag s2;
	_ =	strace s9  }
0x27: {  	s1 =	sld [smem:$0x3FA9]  }
0x28: {  	s2 =	sld [smem:$0x3FAA]  }
0x29: {  	s4 =	sld [smem:$0x3FAC]  }
0x2a: {  	p0 =	seq.s32 s5, $0x0;
	s5 =	sld [smem:$0x3FAD]  }
0x2b: {  	s6 =	sld [smem:$0x3FAE]  }
0x2c: {  	s7 =	sld [smem:$0x3FAF]  }
0x2d: {  	s3 =	simm.s32 $0x108;
	s8 =	sld [smem:$0x3FB0]  }
0x2e: {  	s3 =	simm.s32 @!p0 $0x1082;
	s9 =	sld [smem:$0x3FB1]  }
0x2f: {  	lr =	sadd.s32 s0, s3;
	s0 =	sld [smem:$0x3FA8]  }
0x30: {  	s3 =	sld [smem:$0x3FAB]  }
0x31: {  	[smem:$0x3FB4] =	sst s10  }
0x32: {  	s10 =	sld [smem:$0x3FB2];
	_ =	sdelay $0x3  }
0x33: {  	p0 =	seq.s32 s10, $0x1;
	s10 =	sld [smem:$0x3FB4];
	_ =	sdelay $0x3  }
0x34: {  	[smem:$0x3FB4] =	sst s10  }
0x35: {  	s10 =	sld [smem:$0x3FB3];
	_ =	sdelay $0x3  }
0x36: {  	p1 =	seq.s32 s10, $0x1;
	s10 =	sld [smem:$0x3FB4];
	_ =	sdelay $0x3  }
0x37: {  	[smem:$0x3FB4] =	sst s10  }
0x38: {  	s10 =	sld [smem:$0x3FB5]  }
0x39: {  	_ = 	snop;
	(pc) =	sbr.ind lr, $3  }
0x3a: {  	_ = 	snop  }
0x3b: {  	_ = 	snop  }
0x3c: {  	p2 =	seq.s32 s10, $0x1;
	s10 =	sld [smem:$0x3FB4]  }
0x3d: {  	_ =	shalt  }
0x3e: {  	_ =	shalt  }
0x3f: {  	_ =	shalt  }
0x40: {  	_ =	shalt  }
0x41: {  	_ =	shalt  }
0x42: {  	_ =	shalt  }
0x43: {  	_ =	shalt  }
0x44: {  	_ =	shalt  }
0x45: {  	_ =	shalt  }
0x46: {  	_ =	shalt  }
0x47: {  	_ =	shalt  }
0x48: {  	_ =	shalt  }
0x49: {  	_ =	shalt  }
0x4a: {  	_ =	shalt  }
0x4b: {  	_ =	shalt  }
0x4c: {  	_ =	shalt  }
0x4d: {  	_ =	shalt  }
0x4e: {  	_ =	shalt  }
0x4f: {  	_ =	shalt  }
0x50: {  	_ =	shalt  }
0x51: {  	_ =	shalt  }
0x52: {  	_ =	shalt  }
0x53: {  	_ =	shalt  }
0x54: {  	_ =	shalt  }
0x55: {  	_ =	shalt  }
0x56: {  	_ =	shalt  }
0x57: {  	_ =	shalt  }
0x58: {  	_ =	shalt  }
0x59: {  	_ =	shalt  }
0x5a: {  	_ =	shalt  }
0x5b: {  	_ =	shalt  }
0x5c: {  	_ =	shalt  }
0x5d: {  	_ =	shalt  }
0x5e: {  	_ =	shalt  }
0x5f: {  	_ =	shalt  }
0x60: {  	_ =	shalt  }
0x61: {  	_ =	shalt  }
0x62: {  	_ =	shalt  }
0x63: {  	_ =	shalt  }
0x64: {  	_ =	shalt  }
0x65: {  	_ =	shalt  }
0x66: {  	_ =	shalt  }
0x67: {  	_ =	shalt  }
0x68: {  	_ =	shalt  }
0x69: {  	_ =	shalt  }
0x6a: {  	_ =	shalt  }
0x6b: {  	_ =	shalt  }
0x6c: {  	_ =	shalt  }
0x6d: {  	_ =	shalt  }
0x6e: {  	_ =	shalt  }
0x6f: {  	_ =	shalt  }
0x70: {  	_ =	shalt  }
0x71: {  	_ =	shalt  }
0x72: {  	_ =	shalt  }
0x73: {  	_ =	shalt  }
0x74: {  	_ =	shalt  }
0x75: {  	_ =	shalt  }
0x76: {  	_ =	shalt  }
0x77: {  	_ =	shalt  }
0x78: {  	_ =	shalt  }
0x79: {  	_ =	shalt  }
0x7a: {  	_ =	shalt  }
0x7b: {  	_ =	shalt  }
0x7c: {  	_ =	shalt  }
0x7d: {  	_ =	shalt  }
0x7e: {  	_ =	shalt  }
0x7f: {  	_ =	shalt  }
0x80: {  	_ =	shalt  }
0x81: {  	_ =	shalt  }
0x82: {  	_ =	shalt  }
0x83: {  	_ =	shalt  }
0x84: {  	_ =	shalt  }
0x85: {  	_ =	shalt  }
0x86: {  	_ =	shalt  }
0x87: {  	_ =	shalt  }
.Lfunc_end0:
.L_simem_size_0:
called_computation_lowered:
.L_overlay_start_0:
0x88: {  	s2 =	sld [smem:$0x3FD9]  }
0x89: {  	s3 =	sld [smem:$0x3FFE];
	_ =	sdelay $0x1  }
0x8a: {  	s1 =	srdreg.scid  }
0x8b: {  	s0 =	sand.u32 $0x1, s1  }
0x8c: {  	s17 =	sshll.u32 s0, $0xA;
	s2 =	sadd.s32 s3, s2  }
0x8d: {  	s2 =	sadd.s32 s2, s17  }
0x8e: {  	[smem:$0x3FC0] =	sst s2  }
0x8f: {  	_ = 	snop  }
0x90: {  	s18 =	sld [smem:$0x3FD0];
	(tm) =	ssettm $0x1  }
0x91: {  	s19 =	sld [smem:$0x3FFB];
	_ =	sdelay $0x3  }
0x92: {  	_ =	strace s19  }
0x93: {  	s2 =	sld [smem:$0x3FFC];
	_ =	sdelay $0x3  }
0x94: {  	_ =	strace s2  }
0x95: {  	s2 =	sld [smem:$0x3FFD];
	_ =	sdelay $0x3  }
0x96: {  	_ =	strace s2  }
0x97: {  	_ =	strace $0x8FFFFFFF  }
0x98: {  	s20 =	sld [smem:$0x3FDB];
	_ =	sdelay $0x1  }
0x99: {  	s4 =	simm.s32 $_scs_section_size  }
0x9a: {  	s5 =	simm.s32 $_size__tile_overlayer_lowered;
	s6 =	simm.s32 $_tile_overlayer_lowered  }
0x9b: {  	s7 =	simm.s32 $0x1BFF;
	s21 =	sshll.u32 s6, $0x1;
	s4 =	sadd.s32 s4, s20  }
0x9c: {  	s22 =	simm.s32 $0x0;
	s5 =	sshll.u32 s5, $0x1;
	s6 =	sadd.s32 s21, s4  }
0x9d: {  	[timem:s22], [sflag:s7] =	dma.local [hbm:s6], s5  }
0x9e: {  	_ =	swait.ge [sflag:s7], s5  }
0x9f: {  	s5 =	ssub.s32 $0x0, s5;
	[sflag:s7] =	ssyncset.done $0x0  }
0xa0: {  	[sflag:s7] =	ssyncadd.s32 s5;
	_ =	sdelay $0x1  }
0xa1: {  	s23 =	simm.s32 $0x1B8B  }
0xa2: {  	_ =	swait.ge [sflag:s23], $0x1  }
0xa3: {  	[sflag:s23] =	ssyncset.done $0x0  }
0xa4: {  	[sflag:s23] =	ssyncadd.s32 $0xFFFFFFFF  }
0xa5: {  	s5 =	sld [smem:$0x0]  }
0xa6: {  	s6 =	sand.u32 $0xFFFFFFFE, s1  }
0xa7: {  	p0 =	sne.s32 s1, s6  }
0xa8: {  	s6 =	sshll.u32 @p0 s6, $0xE  }
0xa9: {  	s6 =	sadd.s32 @p0 $0x11B8D, s6;
	s7 =	sshll.u32 @p0 s5, $0x11  }
0xaa: {  	s6 =	sor.u32 @p0 s7, s6  }
0xab: {  	[sflag:s6] =	ssyncadd.remote.s32 @p0 $0x1;
	_ =	sdelay $0x1  }
0xac: {  	s6 =	simm.s32 @p0 $0x1B8D  }
0xad: {  	_ =	swait.eq @p0 [sflag:s6], $0x1  }
0xae: {  	[sflag:s6] =	ssyncadd.s32 @p0 $0xFFFFFFFF  }
0xaf: {  	s7 =	sshll.u32 @!p0 s1, $0xE  }
0xb0: {  	s7 =	sor.u32 @!p0 $0x4000, s7;
	s6 =	simm.s32 @!p0 $0x1B8D  }
0xb1: {  	s5 =	sshll.u32 @!p0 s5, $0x11;
	s7 =	sadd.s32 @!p0 $0x11B8D, s7;
	_ =	swait.eq @!p0 [sflag:s6], $0x1  }
0xb2: {  	s5 =	sor.u32 @!p0 s5, s7;
	[sflag:s6] =	ssyncadd.s32 @!p0 $0xFFFFFFFF  }
0xb3: {  	s25 =	simm.s32 $0x1B8E;
	s24 =	sld [smem:$0x3FFE];
	[sflag:s5] =	ssyncadd.remote.s32 @!p0 $0x1  }
0xb4: {  	s26 =	simm.s32 $execute0_lowered;
	[smem:$0x3FD2] =	sst s25  }
0xb5: {  	s6 =	sshll.u32 s26, $0x1;
	_ =	strace $0x80000049;
	[dreg:$0x1] =	wrdreg $0xFFFFFFFF  }
0xb6: {  	s28 =	simm.s32 $_size_execute0_lowered;
	s4 =	sadd.s32 s4, s6;
	[dreg:$0x0] =	wrdreg $0x0  }
0xb7: {  	s6 =	sshll.u32 s28, $0x1;
	[dreg:$0x2] =	wrdreg s4  }
0xb8: {  	[dreg:$0x3] =	wrdreg s6  }
0xb9: {  	[dreg:$0x4] =	wrdreg $0xC0  }
0xba: {  	_ =	task [dreg:s22], $0x5FFFF  }
0xbb: {  	[dreg:$0x1] =	wrdreg $0xFFFFFFFF  }
0xbc: {  	[dreg:$0x0] =	wrdreg $0x60  }
0xbd: {  	[dreg:$0x2] =	wrdreg s24  }
0xbe: {  	[dreg:$0x3] =	wrdreg s18  }
0xbf: {  	[dreg:$0x4] =	wrdreg $0x130000  }
0xc0: {  	[dreg:$0x5] =	wrdreg $0x1D0000  }
0xc1: {  	[dreg:$0x6] =	wrdreg $0x90000  }
0xc2: {  	[dreg:$0x7] =	wrdreg $0x9  }
0xc3: {  	_ =	task.clear_ibuf [dreg:s22], $0x8FFFF;
	_ =	strace $0x90000049  }
0xc4: {  	s29 =	simm.s32 $0x9;
	_ =	strace $0x8000004B  }
0xc5: {  	_ =	swait.ge [sflag:s29], $0x1  }
0xc6: {  	[sflag:s29] =	ssyncadd.s32 $0xFFFFFFFF  }
0xc7: {  	_ =	strace $0x9000004B  }
0xc8: {  	_ =	sfence  }
0xc9: {  	s30 =	sld [smem:$0x0];
	_ =	sdelay $0x2  }
0xca: {  	s31 =	sshll.u32 s1, $0xD;
	s1 =	sshrl.u32 s1, $0x2  }
0xcb: {  	s4 =	sand.u32 $0x4000, s31;
	s1 =	sadd.s32 s1, s30  }
0xcc: {  	s0 =	sor.u32 s4, s0;
	s1 =	sshll.u32 s1, $0x11  }
0xcd: {  	s0 =	sor.u32 s1, s0  }
0xce: {  	s0 =	sadd.s32 $0x8F2B, s0  }
0xcf: {  	[sflag:s0] =	ssyncadd.remote.s32 $0x1  }
0xd0: {  	_ =	sfence.sel $0xFFFF  }
0xd1: {  	[dreg:$0x0] =	wrdreg $0xFFFFFFFF;
	(pc) =	sbr.abs _section_cstart, $3  }
0xd2: {  	[dreg:$0x1] =	wrdreg $0xFFFFFFFF  }
0xd3: {  	_ =	task.clear_ibuf [dreg:s22], $0x2FFFF;
	_ =	strace $0x9FFFFFFF  }
0xd4: {  	(tm) =	ssettm $0x7FFFFFFF  }
0xd5: {  	_ =	shalt  }
tec
execute0_lowered:
.L_overlay_start_1:
0x0: {  	(tag) =	ssettag $0x1  }
0x1: {  	s0 =	rddreg [dreg:$0x0]  }
0x2: {  	s1 =	srdreg.scid;
	s24 =	stileid.u32  }
0x3: {  	s11 =	rddreg [dreg:$0x1];
	s7 =	smul.u32 $0x5000, s24  }
0x4: {  	s2 =	rddreg [dreg:$0x3];
	s8 =	smul.u32 $0x280, s24  }
0x5: {  	s3 =	rddreg [dreg:$0x4];
	s13 =	smul.u32 $0xA00, s24  }
0x6: {  	s4 =	simm.s32 $0x0;
	s5 =	sand.u32 $0x1, s1;
	s10 =	smul.u32 $0xA000, s24  }
0x7: {  	s29 =	simm.s32 $0x480;
	s1 =	rddreg [dreg:$0x2];
	s6 =	smul.u32 $0x50000, s5  }
0x8: {  	s28 =	simm.s32 $0x780;
	[smem:$0x7FF] =	sst s4;
	s12 =	smul.u32 $0xA000, s5  }
0x9: {  	s16 =	sadd.s32 $0x65400, s0;
	s21 =	ssub.s32 $0x2, s5;
	s15 =	smul.u32 $0xA0000, s5  }
0xa: {  	s17 =	smul.u32 $0x28000, s5;
	s22 =	sshrl.u32 s21, $0x1;
	s18 =	sadd.s32 $0x80, s8  }
0xb: {  	s19 =	sadd.s32 $0x100, s8;
	s20 =	sadd.s32 $0x180, s8;
	s14 =	sadd.s32 s7, s6  }
0xc: {  	s9 =	ssub.s32 s21, s22;
	s6 =	sshll.u32 s18, $0x6;
	s7 =	sshll.u32 s19, $0x6  }
0xd: {  	s5 =	sshll.u32 s20, $0x6;
	s21 =	sadd.s32 s15, s10;
	s22 =	sadd.s32 $0x200, s8  }
0xe: {  	s11 =	sadd.s32 s12, s11;
	s21 =	sshrl.u32 s21, $0x3;
	s23 =	sadd.s32 s15, s6  }
0xf: {  	s8 =	sshll.u32 s22, $0x6;
	s25 =	sadd.s32 s15, s7;
	s26 =	sadd.s32 s15, s5  }
0x10: {  	s11 =	sadd.s32 s13, s11;
	s13 =	sshll.u32 s18, $0x4;
	s9 =	smax.u32 s9, $0x1  }
0x11: {  	s21 =	sadd.s32 s16, s21;
	s23 =	sshrl.u32 s23, $0x3;
	s31 =	sshrl.u32 s25, $0x3  }
0x12: {  	s12 =	sshrl.u32 s26, $0x3;
	s25 =	sshrl.u32 s14, $0x3;
	s18 =	sadd.s32 s17, s13  }
0x13: {  	s30 =	sadd.s32 s8, s1;
	[dreg:$0x9] =	wrdreg s21;
	s21 =	sadd.s32 s16, s23  }
0x14: {  	s12 =	sadd.s32 s16, s12;
	s23 =	sadd.s32 s15, s8;
	[dreg:$0xa] =	wrdreg s21  }
0x15: {  	s15 =	smul.u32 $0x2800, s24;
	s21 =	sadd.s32 s16, s31;
	[dreg:$0xc] =	wrdreg s12  }
0x16: {  	s12 =	sshrl.u32 s23, $0x3;
	s31 =	sadd.s32 $0x8D400, s0;
	[dreg:$0xb] =	wrdreg s21  }
0x17: {  	s12 =	sadd.s32 s16, s12;
	s26 =	sadd.s32 s17, s15;
	s21 =	sshrl.u32 s18, $0x3  }
0x18: {  	s18 =	sshll.u32 s20, $0x4;
	[dreg:$0xd] =	wrdreg s12;
	s14 =	sshrl.u32 s26, $0x3  }
0x19: {  	s12 =	sadd.s32 s25, s0;
	_ =	strace $0x8000004A;
	[dreg:$0x6] =	wrdreg s11  }
0x1a: {  	s23 =	sadd.s32 s17, s18;
	s14 =	sadd.s32 s31, s14;
	[dreg:$0x17] =	wrdreg s9  }
0x1b: {  	s26 =	sadd.s32 $0x15200, s12;
	s9 =	sadd.s32 s6, s1;
	[smem:$0x7FC] =	sst s30  }
0x1c: {  	s12 =	sshrl.u32 s8, $0x2;
	s8 =	simm.s32 $0x600;
	[dreg:$0xe] =	wrdreg s14  }
0x1d: {  	s14 =	sadd.s32 s31, s21;
	s21 =	sshrl.u32 s23, $0x3;
	[dreg:$0x7] =	wrdreg s26  }
0x1e: {  	s23 =	sadd.s32 s10, s1;
	s10 =	sshrl.u32 s10, $0x2;
	[dreg:$0x1a] =	wrdreg s9  }
0x1f: {  	s26 =	sshrl.u32 s6, $0x2;
	[dreg:$0xf] =	wrdreg s14;
	s14 =	sshll.u32 s19, $0x4  }
0x20: {  	s19 =	sshll.u32 s22, $0x4;
	s25 =	sadd.s32 s31, s21;
	[dreg:$0x16] =	wrdreg s23  }
0x21: {  	s21 =	sadd.s32 $0x29200, s0;
	s22 =	sadd.s32 s17, s14;
	[dreg:$0x11] =	wrdreg s25  }
0x22: {  	s17 =	sadd.s32 s17, s19;
	[dreg:$0x14] =	wrdreg s21;
	s25 =	sadd.s32 s10, s2  }
0x23: {  	s10 =	sadd.s32 s7, s1;
	s21 =	sadd.s32 s14, s2;
	[dreg:$0x19] =	wrdreg s25  }
0x24: {  	s23 =	sadd.s32 s19, s2;
	s14 =	simm.s32 $0x8800;
	[smem:$0x7F7] =	sst s21  }
0x25: {  	s20 =	sshrl.u32 s22, $0x3;
	s17 =	sshrl.u32 s17, $0x3;
	[smem:$0x7F9] =	sst s23  }
0x26: {  	s25 =	sshll.u32 s24, $0xD;
	s21 =	simm.s32 $0x1;
	s23 =	simm.s32 $0x680  }
0x27: {  	[dreg:$0x1c] =	wrdreg s10;
	s20 =	sadd.s32 s31, s20;
	s16 =	sadd.s32 s31, s17  }
0x28: {  	s31 =	sshll.u32 s24, $0xA;
	s17 =	smul.u32 $0x28000, s24;
	[dreg:$0x10] =	wrdreg s20  }
0x29: {  	[dreg:$0x12] =	wrdreg s16;
	s16 =	simm.s32 $0x100;
	s11 =	sadd.s32 s31, s0  }
0x2a: {  	s20 =	sadd.s32 $0x29600, s0;
	s0 =	sadd.s32 $0x29400, s0;
	[dreg:$0x8] =	wrdreg s16  }
0x2b: {  	s31 =	sshrl.u32 s7, $0x2;
	s7 =	sshrl.u32 s5, $0x2;
	[dreg:$0x13] =	wrdreg s20  }
0x2c: {  	[dreg:$0x15] =	wrdreg s0;
	s22 =	sshrl.u32 s17, $0x2;
	s6 =	sadd.s32 s31, s2  }
0x2d: {  	s16 =	sadd.s32 s12, s2;
	s17 =	sadd.s32 s15, s2;
	[dreg:$0x1d] =	wrdreg s6  }
0x2e: {  	s20 =	sadd.s32 s13, s2;
	s31 =	sadd.s32 $0x51A00, s11;
	[smem:$0x7F4] =	sst s16  }
0x2f: {  	s12 =	simm.s32 $0x800;
	s13 =	simm.s32 $0x4;
	[smem:$0x7F5] =	sst s17  }
0x30: {  	s15 =	simm.s32 $0x400;
	s11 =	simm.s32 $0x0;
	[smem:$0x7F6] =	sst s20  }
0x31: {  	s0 =	sadd.s32 s22, s1;
	s22 =	sadd.s32 s18, s2;
	[smem:$0x7FA] =	sst s31  }
0x32: {  	s6 =	sshll.u32 s24, $0x7;
	s16 =	simm.s32 $0x80;
	[dreg:$0x18] =	wrdreg s0  }
0x33: {  	s17 =	simm.s32 $0x2800;
	s18 =	simm.s32 $0x4800;
	[smem:$0x7F8] =	sst s22  }
0x34: {  	s20 =	simm.s32 $0x6800;
	s0 =	sadd.s32 s26, s2;
	[smem:$0x7FD] =	sst s6  }
0x35: {  	s24 =	simm.s32 $0x3;
	s26 =	sadd.s32 s5, s1;
	[dreg:$0x1b] =	wrdreg s0  }
0x36: {  	s22 =	simm.s32 $0x2;
	s0 =	sadd.s32 s7, s2;
	[dreg:$0x1e] =	wrdreg s26  }
0x37: {  	s5 =	simm.s32 $0x580;
	[dreg:$0x1f] =	wrdreg s0;
	s0 =	sadd.s32 s25, s3  }
0x38: {  	s7 =	simm.s32 $0x500;
	s25 =	simm.s32 $0x700;
	[smem:$0x7FB] =	sst s0  }
.LBB2_1:
0x39: {  	[smem:$0x7F3] =	sst s11  }
0x3a: {  	s0 =	rddreg [dreg:$0x13]  }
0x3b: {  	[tilespmem:s12], [sflag:$0x4] =	stream.linear.gather [hbm4b:s0+s4], $0x2000, $0x38;
	[tilespmem:$0x1F800] =	vst v63  }
0x3c: {  	_ =	swait.ge [sflag:s13], $0x2000  }
0x3d: {  	[sflag:s13] =	ssyncset.done $0x0  }
0x3e: {  	s11 =	rddreg [dreg:$0x14];
	[sflag:s13] =	ssyncadd.s32 $0xFFFFE000  }
0x3f: {  	[tilespmem:s14], [sflag:$0x4] =	stream.linear.gather [hbm4b:s11+s4], $0x800, $0x38;
	[tilespmem:$0x1F800] =	vst v63  }
0x40: {  	_ =	swait.ge [sflag:s13], $0x800  }
0x41: {  	[sflag:s13] =	ssyncset.done $0x0  }
0x42: {  	s19 =	rddreg [dreg:$0x18];
	[sflag:s13] =	ssyncadd.s32 $0xFFFFF800  }
0x43: {  	[spmem:s19] =	stream.linear.scatter [tilespmem:s12], [sflag:$0x4], $0x2000, $0x38;
	[tilespmem:$0x1F800] =	vst v63  }
0x44: {  	_ =	swait.ge [sflag:s13], $0x2000  }
0x45: {  	[sflag:s13] =	ssyncset.done $0x0  }
0x46: {  	s31 =	rddreg [dreg:$0x19];
	[sflag:s13] =	ssyncadd.s32 $0xFFFFE000  }
0x47: {  	[spmem:s31] =	stream.linear.scatter [tilespmem:s14], [sflag:$0x4], $0x800, $0x38;
	[tilespmem:$0x1F800] =	vst v63  }
0x48: {  	_ =	swait.ge [sflag:s13], $0x800  }
0x49: {  	[sflag:s13] =	ssyncset.done $0x0  }
0x4a: {  	[sflag:s13] =	ssyncadd.s32 $0xFFFFF800  }
0x4b: {  	[spmem:s9] =	stream.linear.scatter [tilespmem:s12], [sflag:$0x4], $0x2000, $0x38;
	[tilespmem:$0x1F800] =	vst v63  }
0x4c: {  	_ =	swait.ge [sflag:s13], $0x2000  }
0x4d: {  	[sflag:s13] =	ssyncset.done $0x0  }
0x4e: {  	s9 =	rddreg [dreg:$0x1b];
	[sflag:s13] =	ssyncadd.s32 $0xFFFFE000  }
0x4f: {  	[spmem:s9] =	stream.linear.scatter [tilespmem:s14], [sflag:$0x4], $0x800, $0x38;
	[tilespmem:$0x1F800] =	vst v63  }
0x50: {  	_ =	swait.ge [sflag:s13], $0x800  }
0x51: {  	[sflag:s13] =	ssyncset.done $0x0  }
0x52: {  	[sflag:s13] =	ssyncadd.s32 $0xFFFFF800  }
0x53: {  	[spmem:s10] =	stream.linear.scatter [tilespmem:s12], [sflag:$0x4], $0x2000, $0x38;
	[tilespmem:$0x1F800] =	vst v63  }
0x54: {  	_ =	swait.ge [sflag:s13], $0x2000  }
0x55: {  	[sflag:s13] =	ssyncset.done $0x0  }
0x56: {  	s11 =	rddreg [dreg:$0x1d];
	[sflag:s13] =	ssyncadd.s32 $0xFFFFE000  }
0x57: {  	[spmem:s11] =	stream.linear.scatter [tilespmem:s14], [sflag:$0x4], $0x800, $0x38;
	[tilespmem:$0x1F800] =	vst v63  }
0x58: {  	_ =	swait.ge [sflag:s13], $0x800  }
0x59: {  	[sflag:s13] =	ssyncset.done $0x0  }
0x5a: {  	[sflag:s13] =	ssyncadd.s32 $0xFFFFF800  }
0x5b: {  	[spmem:s26] =	stream.linear.scatter [tilespmem:s12], [sflag:$0x4], $0x2000, $0x38;
	[tilespmem:$0x1F800] =	vst v63  }
0x5c: {  	_ =	swait.ge [sflag:s13], $0x2000  }
0x5d: {  	[sflag:s13] =	ssyncset.done $0x0  }
0x5e: {  	s19 =	rddreg [dreg:$0x1f];
	[sflag:s13] =	ssyncadd.s32 $0xFFFFE000  }
0x5f: {  	[spmem:s19] =	stream.linear.scatter [tilespmem:s14], [sflag:$0x4], $0x800, $0x38;
	[tilespmem:$0x1F800] =	vst v63  }
0x60: {  	_ =	swait.ge [sflag:s13], $0x800  }
0x61: {  	[sflag:s13] =	ssyncset.done $0x0  }
0x62: {  	[sflag:s13] =	ssyncadd.s32 $0xFFFFF800  }
0x63: {  	[spmem:s30] =	stream.linear.scatter [tilespmem:s12], [sflag:$0x4], $0x2000, $0x38;
	[tilespmem:$0x1F800] =	vst v63  }
0x64: {  	_ =	swait.ge [sflag:s13], $0x2000  }
0x65: {  	s26 =	sld [smem:$0x7F4]  }
0x66: {  	[sflag:s13] =	ssyncset.done $0x0  }
0x67: {  	[sflag:s13] =	ssyncadd.s32 $0xFFFFE000  }
0x68: {  	[spmem:s26] =	stream.linear.scatter [tilespmem:s14], [sflag:$0x4], $0x800, $0x38;
	[tilespmem:$0x1F800] =	vst v63  }
0x69: {  	_ =	swait.ge [sflag:s13], $0x800  }
0x6a: {  	s9 =	sadd.s32 $0x0, s6;
	[sflag:s13] =	ssyncset.done $0x0  }
0x6b: {  	p0 =	sgt.u32 s9, $0x2690;
	s31 =	rddreg [dreg:$0x15];
	[sflag:s13] =	ssyncadd.s32 $0xFFFFF800  }
0x6c: {  	[tilespmem:s14], [sflag:$0x4] =	stream.linear.gather [hbm4b:s31+s4], $0x800, $0x38;
	[tilespmem:$0x1F800] =	vst v63  }
0x6d: {  	p1 =	sgt.u32 @p0 s9, $0x270F;
	_ =	swait.ge [sflag:s13], $0x800  }
0x6e: {  	p1 =	por p1, !p0;
	s0 =	sld [smem:$0x7FA]  }
0x6f: {  	s9 =	simm.s32 @!p1 $0x0;
	[sflag:s13] =	ssyncset.done $0x0  }
0x70: {  	s10 =	simm.s32 @!p1 $0x2800;
	s19 =	simm.s32 @!p1 $0x5;
	[sflag:s13] =	ssyncadd.s32 $0xFFFFF800  }
0x71: {  	[tilespmem:s10], [sflag:$0x5] =	stream.linear.gather @!p1 [hbm4b:s0+s9], $0x400, $0x38;
	[tilespmem:$0x1F800] =	vst v63  }
0x72: {  	_ =	swait.ge @!p1 [sflag:s19], $0x400  }
0x73: {  	s26 =	sld [smem:$0x7FB]  }
0x74: {  	[sflag:s19] =	ssyncset.done @!p1 $0x0  }
0x75: {  	s9 =	simm.s32 @!p1 $0x4;
	[sflag:s19] =	ssyncadd.s32 @!p1 $0xFFFFFC00  }
0x76: {  	[spmem:s26] =	stream.linear.scatter @!p1 [tilespmem:s10], [sflag:$0x4], $0x400, $0x38;
	[tilespmem:$0x1F800] =	vst v63  }
0x77: {  	p0 =	por p0, p0;
	_ =	swait.ge @!p1 [sflag:s9], $0x400  }
0x78: {  	s19 =	simm.s32 @!p0 $0x5;
	[sflag:s9] =	ssyncset.done @!p1 $0x0  }
0x79: {  	s10 =	simm.s32 @!p0 $0x0;
	[sflag:s9] =	ssyncadd.s32 @!p1 $0xFFFFFC00;
	s9 =	simm.s32 @!p0 $0x2800  }
0x7a: {  	[tilespmem:s9], [sflag:$0x5] =	stream.linear.gather @!p0 [hbm4b:s0+s10], $0x2000, $0x38;
	[tilespmem:$0x1F800] =	vst v63  }
0x7b: {  	_ =	swait.ge @!p0 [sflag:s19], $0x2000  }
0x7c: {  	s10 =	sadd.s32 $0x800, s6;
	[sflag:s19] =	ssyncset.done @!p0 $0x0  }
0x7d: {  	p2 =	sgt.u32 s10, $0x2690;
	[sflag:s19] =	ssyncadd.s32 @!p0 $0xFFFFE000  }
0x7e: {  	[spmem:s26] =	stream.linear.scatter @!p0 [tilespmem:s9], [sflag:$0x5], $0x2000, $0x38;
	[tilespmem:$0x1F800] =	vst v63  }
0x7f: {  	s30 =	simm.s32 $0x1000;
	p3 =	sgt.u32 @p2 s10, $0x270F;
	_ =	swait.ge @!p0 [sflag:s19], $0x2000  }
0x80: {  	s10 =	sadd.s32 $0x4000, s0;
	s9 =	sadd.s32 $0x20000, s26;
	[sflag:s19] =	ssyncset.done @!p0 $0x0  }
.LBB2_2:
0x81: {  	p3 =	por p3, !p2;
	[sflag:s19] =	ssyncadd.s32 @!p0 $0xFFFFE000  }
0x82: {  	s26 =	smov.u32 s30;
	s30 =	sadd.s32 $0x800, s30;
	p0 =	por p2, p2  }
0x83: {  	s19 =	simm.s32 @!p3 $0x0;
	s31 =	simm.s32 @!p3 $0x2800;
	s0 =	simm.s32 @!p3 $0x5  }
0x84: {  	[tilespmem:s31], [sflag:$0x5] =	stream.linear.gather @!p3 [hbm4b:s10+s19], $0x400, $0x38;
	[tilespmem:$0x1F800] =	vst v63  }
0x85: {  	p1 =	sne.s32 s30, $0x2800;
	_ =	swait.ge @!p3 [sflag:s0], $0x400  }
0x86: {  	[sflag:s0] =	ssyncset.done @!p3 $0x0  }
0x87: {  	[sflag:s0] =	ssyncadd.s32 @!p3 $0xFFFFFC00;
	s0 =	simm.s32 @!p3 $0x4  }
0x88: {  	[spmem:s9] =	stream.linear.scatter @!p3 [tilespmem:s31], [sflag:$0x4], $0x400, $0x38;
	[tilespmem:$0x1F800] =	vst v63  }
0x89: {  	_ =	swait.ge @!p3 [sflag:s0], $0x400  }
0x8a: {  	s19 =	simm.s32 @!p0 $0x5;
	[sflag:s0] =	ssyncset.done @!p3 $0x0  }
0x8b: {  	s31 =	simm.s32 @!p0 $0x2800;
	[sflag:s0] =	ssyncadd.s32 @!p3 $0xFFFFFC00;
	s0 =	simm.s32 @!p0 $0x0  }
0x8c: {  	[tilespmem:s31], [sflag:$0x5] =	stream.linear.gather @!p0 [hbm4b:s10+s0], $0x2000, $0x38;
	[tilespmem:$0x1F800] =	vst v63  }
0x8d: {  	_ =	swait.ge @!p0 [sflag:s19], $0x2000  }
.Ltmp0:
0x8e: {  	[sflag:s19] =	ssyncset.done @!p0 $0x0;
	(pc) =	sbr.rel @p1 .LBB2_2-.Ltmp0, $4  }
0x8f: {  	s0 =	sadd.s32 s26, s6;
	[sflag:s19] =	ssyncadd.s32 @!p0 $0xFFFFE000  }
0x90: {  	[spmem:s9] =	stream.linear.scatter @!p0 [tilespmem:s31], [sflag:$0x5], $0x2000, $0x38;
	[tilespmem:$0x1F800] =	vst v63  }
0x91: {  	p2 =	sgt.u32 s0, $0x2690;
	s9 =	sadd.s32 $0x20000, s9;
	_ =	swait.ge @!p0 [sflag:s19], $0x2000  }
0x92: {  	s10 =	sadd.s32 $0x4000, s10;
	p3 =	sgt.u32 @p2 s0, $0x270F;
	[sflag:s19] =	ssyncset.done @!p0 $0x0  }
0x93: {  	p1 =	por p3, !p2  }
0x94: {  	[sflag:s19] =	ssyncadd.s32 @!p0 $0xFFFFE000;
	s0 =	simm.s32 @!p1 $0x0;
	s19 =	simm.s32 @!p1 $0x2800  }
0x95: {  	[tilespmem:s19], [sflag:$0x5] =	stream.linear.gather @!p1 [hbm4b:s10+s0], $0x400, $0x38;
	[tilespmem:$0x1F800] =	vst v63  }
0x96: {  	s0 =	simm.s32 @!p1 $0x5  }
0x97: {  	_ =	swait.ge @!p1 [sflag:s0], $0x400  }
0x98: {  	[sflag:s0] =	ssyncset.done @!p1 $0x0  }
0x99: {  	[sflag:s0] =	ssyncadd.s32 @!p1 $0xFFFFFC00;
	s0 =	simm.s32 @!p1 $0x4  }
0x9a: {  	[spmem:s9] =	stream.linear.scatter @!p1 [tilespmem:s19], [sflag:$0x4], $0x400, $0x38;
	[tilespmem:$0x1F800] =	vst v63  }
0x9b: {  	_ =	swait.ge @!p1 [sflag:s0], $0x400  }
0x9c: {  	p0 =	por p2, p2;
	[sflag:s0] =	ssyncset.done @!p1 $0x0  }
0x9d: {  	s19 =	simm.s32 @!p0 $0x2800;
	[sflag:s0] =	ssyncadd.s32 @!p1 $0xFFFFFC00;
	s0 =	simm.s32 @!p0 $0x0  }
0x9e: {  	[tilespmem:s19], [sflag:$0x5] =	stream.linear.gather @!p0 [hbm4b:s10+s0], $0x2000, $0x38;
	[tilespmem:$0x1F800] =	vst v63  }
0x9f: {  	s0 =	simm.s32 @!p0 $0x5  }
0xa0: {  	_ =	swait.ge @!p0 [sflag:s0], $0x2000  }
0xa1: {  	[sflag:s0] =	ssyncset.done @!p0 $0x0  }
0xa2: {  	[sflag:s0] =	ssyncadd.s32 @!p0 $0xFFFFE000  }
0xa3: {  	[spmem:s9] =	stream.linear.scatter @!p0 [tilespmem:s19], [sflag:$0x5], $0x2000, $0x38;
	[tilespmem:$0x1F800] =	vst v63  }
0xa4: {  	_ =	swait.ge @!p0 [sflag:s0], $0x2000  }
0xa5: {  	[sflag:s0] =	ssyncset.done @!p0 $0x0  }
0xa6: {  	[sflag:s0] =	ssyncadd.s32 @!p0 $0xFFFFE000  }
0xa7: {  	[bflag:$0x0] =	sbarrier.arrive $0xFFFF  }
0xa8: {  	s11 =	rddreg [dreg:$0x7]  }
0xa9: {  	s0 =	sadd.s32 $0x0, s11  }
0xaa: {  	[tilespmem:s4], [sflag:$0x4] =	stream.linear.gather [hbm4b:s0+s4], $0x400, $0x38;
	[tilespmem:$0x1F800] =	vst v63  }
0xab: {  	_ =	swait.ge [sflag:s13], $0x400  }
0xac: {  	s19 =	rddreg [dreg:$0x6];
	[sflag:s13] =	ssyncset.done $0x0  }
0xad: {  	[sflag:s13] =	ssyncadd.s32 $0xFFFFFC00;
	s0 =	sadd.s32 $0x0, s19  }
0xae: {  	[tilespmem:s15], [sflag:$0x4] =	stream.linear.gather [hbm4b:s0+s4], $0x400, $0x38;
	[tilespmem:$0x1F800] =	vst v63  }
0xaf: {  	_ =	swait.ge [sflag:s13], $0x400  }
0xb0: {  	[sflag:s13] =	ssyncset.done $0x0  }
0xb1: {  	[sflag:s13] =	ssyncadd.s32 $0xFFFFFC00  }
0xb2: {  	[tilespmem:s12], [sflag:$0x1] =	stream.indirect.gather [spmem:s3], $0x40, s4, s16, $0xb8;
	[tilespmem:$0x1F800] =	vst v63  }
0xb3: {  	_ = 	snop  }
0xb4: {  	[tilespmem:s17], [sflag:$0x1] =	stream.indirect.gather [spmem:s3], $0x40, s16, s16, $0xb8;
	[tilespmem:$0x1F800] =	vst v63  }
0xb5: {  	s26 =	rddreg [dreg:$0x8]  }
0xb6: {  	[tilespmem:s18], [sflag:$0x1] =	stream.indirect.gather [spmem:s3], $0x40, s26, s16, $0xb8;
	[tilespmem:$0x1F800] =	vst v63  }
0xb7: {  	s26 =	simm.s32 $0x180  }
0xb8: {  	[tilespmem:s20], [sflag:$0x1] =	stream.indirect.gather [spmem:s3], $0x40, s26, s16, $0xb8;
	[tilespmem:$0x1F800] =	vst v63  }
0xb9: {  	_ =	swait.ge [sflag:s21], $0x2000  }
0xba: {  	[sflag:s21] =	ssyncset.done $0x0  }
0xbb: {  	[sflag:s21] =	ssyncadd.s32 $0xFFFFE000  }
0xbc: {  	[spmem:s1] =	stream.indirect.scatter.add.f32 [tilespmem:s12], [sflag:$0x2], $0x40, s15, s16, $0xb8;
	[tilespmem:$0x1F800] =	vst v63  }
0xbd: {  	_ = 	snop  }
0xbe: {  	[spmem:s2] =	stream.indirect.scatter.add.f32 [tilespmem:s14], [sflag:$0x3], $0x10, s15, s16, $0xb8;
	[tilespmem:$0x1F800] =	vst v63  }
0xbf: {  	_ =	swait.ge [sflag:s22], $0x2000  }
0xc0: {  	[sflag:s22] =	ssyncset.done $0x0  }
0xc1: {  	[sflag:s22] =	ssyncadd.s32 $0xFFFFE000  }
0xc2: {  	_ =	swait.ge [sflag:s24], $0x800  }
0xc3: {  	[sflag:s24] =	ssyncset.done $0x0  }
0xc4: {  	s30 =	simm.s32 $0x200;
	[sflag:s24] =	ssyncadd.s32 $0xFFFFF800  }
0xc5: {  	[tilespmem:s12], [sflag:$0x1] =	stream.indirect.gather [spmem:s3], $0x40, s30, s16, $0xb8;
	[tilespmem:$0x1F800] =	vst v63  }
0xc6: {  	_ =	swait.ge [sflag:s21], $0x2000  }
0xc7: {  	[sflag:s21] =	ssyncset.done $0x0  }
0xc8: {  	[sflag:s21] =	ssyncadd.s32 $0xFFFFE000  }
0xc9: {  	[spmem:s1] =	stream.indirect.scatter.add.f32 [tilespmem:s17], [sflag:$0x2], $0x40, s29, s16, $0xb8;
	[tilespmem:$0x1F800] =	vst v63  }
0xca: {  	_ = 	snop  }
0xcb: {  	[spmem:s2] =	stream.indirect.scatter.add.f32 [tilespmem:s14], [sflag:$0x3], $0x10, s29, s16, $0xb8;
	[tilespmem:$0x1F800] =	vst v63  }
0xcc: {  	_ =	swait.ge [sflag:s22], $0x2000  }
0xcd: {  	[sflag:s22] =	ssyncset.done $0x0  }
0xce: {  	[sflag:s22] =	ssyncadd.s32 $0xFFFFE000  }
0xcf: {  	_ =	swait.ge [sflag:s24], $0x800  }
0xd0: {  	[sflag:s24] =	ssyncset.done $0x0  }
0xd1: {  	s31 =	simm.s32 $0x280;
	[sflag:s24] =	ssyncadd.s32 $0xFFFFF800  }
0xd2: {  	[tilespmem:s17], [sflag:$0x1] =	stream.indirect.gather [spmem:s3], $0x40, s31, s16, $0xb8;
	[tilespmem:$0x1F800] =	vst v63  }
0xd3: {  	_ =	swait.ge [sflag:s21], $0x2000  }
0xd4: {  	[sflag:s21] =	ssyncset.done $0x0  }
0xd5: {  	[sflag:s21] =	ssyncadd.s32 $0xFFFFE000  }
0xd6: {  	[spmem:s1] =	stream.indirect.scatter.add.f32 [tilespmem:s18], [sflag:$0x2], $0x40, s7, s16, $0xb8;
	[tilespmem:$0x1F800] =	vst v63  }
0xd7: {  	_ = 	snop  }
0xd8: {  	[spmem:s2] =	stream.indirect.scatter.add.f32 [tilespmem:s14], [sflag:$0x3], $0x10, s7, s16, $0xb8;
	[tilespmem:$0x1F800] =	vst v63  }
0xd9: {  	_ =	swait.ge [sflag:s22], $0x2000  }
0xda: {  	[sflag:s22] =	ssyncset.done $0x0  }
0xdb: {  	[sflag:s22] =	ssyncadd.s32 $0xFFFFE000  }
0xdc: {  	_ =	swait.ge [sflag:s24], $0x800  }
0xdd: {  	[sflag:s24] =	ssyncset.done $0x0  }
0xde: {  	s6 =	simm.s32 $0x300;
	[sflag:s24] =	ssyncadd.s32 $0xFFFFF800  }
0xdf: {  	[tilespmem:s18], [sflag:$0x1] =	stream.indirect.gather [spmem:s3], $0x40, s6, s16, $0xb8;
	[tilespmem:$0x1F800] =	vst v63  }
0xe0: {  	_ =	swait.ge [sflag:s21], $0x2000  }
0xe1: {  	[sflag:s21] =	ssyncset.done $0x0  }
0xe2: {  	[sflag:s21] =	ssyncadd.s32 $0xFFFFE000  }
0xe3: {  	[spmem:s1] =	stream.indirect.scatter.add.f32 [tilespmem:s20], [sflag:$0x2], $0x40, s5, s16, $0xb8;
	[tilespmem:$0x1F800] =	vst v63  }
0xe4: {  	_ = 	snop  }
0xe5: {  	[spmem:s2] =	stream.indirect.scatter.add.f32 [tilespmem:s14], [sflag:$0x3], $0x10, s5, s16, $0xb8;
	[tilespmem:$0x1F800] =	vst v63  }
0xe6: {  	_ =	swait.ge [sflag:s22], $0x2000  }
0xe7: {  	[sflag:s22] =	ssyncset.done $0x0  }
0xe8: {  	[sflag:s22] =	ssyncadd.s32 $0xFFFFE000  }
0xe9: {  	_ =	swait.ge [sflag:s24], $0x800  }
0xea: {  	[sflag:s24] =	ssyncset.done $0x0  }
0xeb: {  	s11 =	simm.s32 $0x380;
	[sflag:s24] =	ssyncadd.s32 $0xFFFFF800  }
0xec: {  	[tilespmem:s20], [sflag:$0x1] =	stream.indirect.gather [spmem:s3], $0x40, s11, s16, $0xb8;
	[tilespmem:$0x1F800] =	vst v63  }
0xed: {  	_ =	swait.ge [sflag:s21], $0x2000  }
0xee: {  	[sflag:s21] =	ssyncset.done $0x0  }
0xef: {  	[sflag:s21] =	ssyncadd.s32 $0xFFFFE000  }
0xf0: {  	[spmem:s1] =	stream.indirect.scatter.add.f32 [tilespmem:s12], [sflag:$0x2], $0x40, s8, s16, $0xb8;
	[tilespmem:$0x1F800] =	vst v63  }
0xf1: {  	_ = 	snop  }
0xf2: {  	[spmem:s2] =	stream.indirect.scatter.add.f32 [tilespmem:s14], [sflag:$0x3], $0x10, s8, s16, $0xb8;
	[tilespmem:$0x1F800] =	vst v63  }
0xf3: {  	_ =	swait.ge [sflag:s21], $0x2000  }
0xf4: {  	[sflag:s21] =	ssyncset.done $0x0  }
0xf5: {  	[sflag:s21] =	ssyncadd.s32 $0xFFFFE000  }
0xf6: {  	[spmem:s1] =	stream.indirect.scatter.add.f32 [tilespmem:s17], [sflag:$0x2], $0x40, s23, s16, $0xb8;
	[tilespmem:$0x1F800] =	vst v63  }
0xf7: {  	_ = 	snop  }
0xf8: {  	[spmem:s2] =	stream.indirect.scatter.add.f32 [tilespmem:s14], [sflag:$0x3], $0x10, s23, s16, $0xb8;
	[tilespmem:$0x1F800] =	vst v63  }
0xf9: {  	_ =	swait.ge [sflag:s21], $0x2000  }
0xfa: {  	[sflag:s21] =	ssyncset.done $0x0  }
0xfb: {  	[sflag:s21] =	ssyncadd.s32 $0xFFFFE000  }
0xfc: {  	[spmem:s1] =	stream.indirect.scatter.add.f32 [tilespmem:s18], [sflag:$0x2], $0x40, s25, s16, $0xb8;
	[tilespmem:$0x1F800] =	vst v63  }
0xfd: {  	_ = 	snop  }
0xfe: {  	[spmem:s2] =	stream.indirect.scatter.add.f32 [tilespmem:s14], [sflag:$0x3], $0x10, s25, s16, $0xb8;
	[tilespmem:$0x1F800] =	vst v63  }
0xff: {  	_ =	swait.ge [sflag:s21], $0x2000  }
0x100: {  	[sflag:s21] =	ssyncset.done $0x0  }
0x101: {  	[sflag:s21] =	ssyncadd.s32 $0xFFFFE000  }
0x102: {  	[spmem:s1] =	stream.indirect.scatter.add.f32 [tilespmem:s20], [sflag:$0x2], $0x40, s28, s16, $0xb8;
	[tilespmem:$0x1F800] =	vst v63  }
0x103: {  	_ = 	snop  }
0x104: {  	[spmem:s2] =	stream.indirect.scatter.add.f32 [tilespmem:s14], [sflag:$0x3], $0x10, s28, s16, $0xb8;
	[tilespmem:$0x1F800] =	vst v63  }
0x105: {  	_ =	swait.ge [sflag:s22], $0x2000  }
0x106: {  	[sflag:s22] =	ssyncset.done $0x0  }
0x107: {  	[sflag:s22] =	ssyncadd.s32 $0xFFFFE000  }
0x108: {  	_ =	swait.ge [sflag:s24], $0x800  }
0x109: {  	[sflag:s24] =	ssyncset.done $0x0  }
0x10a: {  	[sflag:s24] =	ssyncadd.s32 $0xFFFFF800  }
0x10b: {  	_ =	swait.ge [sflag:s22], $0x2000  }
0x10c: {  	[sflag:s22] =	ssyncset.done $0x0  }
0x10d: {  	[sflag:s22] =	ssyncadd.s32 $0xFFFFE000  }
0x10e: {  	_ =	swait.ge [sflag:s24], $0x800  }
0x10f: {  	[sflag:s24] =	ssyncset.done $0x0  }
0x110: {  	[sflag:s24] =	ssyncadd.s32 $0xFFFFF800  }
0x111: {  	_ =	swait.ge [sflag:s22], $0x2000  }
0x112: {  	[sflag:s22] =	ssyncset.done $0x0  }
0x113: {  	[sflag:s22] =	ssyncadd.s32 $0xFFFFE000  }
0x114: {  	_ =	swait.ge [sflag:s24], $0x800  }
0x115: {  	[sflag:s24] =	ssyncset.done $0x0  }
0x116: {  	[sflag:s24] =	ssyncadd.s32 $0xFFFFF800  }
0x117: {  	_ =	swait.ge [sflag:s22], $0x2000  }
0x118: {  	[sflag:s22] =	ssyncset.done $0x0  }
0x119: {  	[sflag:s22] =	ssyncadd.s32 $0xFFFFE000  }
0x11a: {  	s10 =	simm.s32 $0x100;
	_ =	swait.ge [sflag:s24], $0x800  }
0x11b: {  	s9 =	simm.s32 $0x80;
	s19 =	rddreg [dreg:$0x7];
	[sflag:s24] =	ssyncset.done $0x0  }
.LBB2_4:
0x11c: {  	[sflag:s24] =	ssyncadd.s32 $0xFFFFF800;
	s19 =	sadd.s32 s9, s19  }
0x11d: {  	[tilespmem:s4], [sflag:$0x4] =	stream.linear.gather [hbm4b:s19+s4], $0x400, $0x38;
	[tilespmem:$0x1F800] =	vst v63  }
0x11e: {  	_ =	swait.ge [sflag:s13], $0x400  }
0x11f: {  	s19 =	rddreg [dreg:$0x6];
	[sflag:s13] =	ssyncset.done $0x0  }
0x120: {  	[sflag:s13] =	ssyncadd.s32 $0xFFFFFC00;
	s19 =	sadd.s32 s9, s19  }
0x121: {  	[tilespmem:s15], [sflag:$0x4] =	stream.linear.gather [hbm4b:s19+s4], $0x400, $0x38;
	[tilespmem:$0x1F800] =	vst v63  }
0x122: {  	_ =	swait.ge [sflag:s13], $0x400  }
0x123: {  	[sflag:s13] =	ssyncset.done $0x0  }
0x124: {  	[sflag:s13] =	ssyncadd.s32 $0xFFFFFC00  }
0x125: {  	[tilespmem:s12], [sflag:$0x1] =	stream.indirect.gather [spmem:s3], $0x40, s4, s16, $0xb8;
	[tilespmem:$0x1F800] =	vst v63  }
0x126: {  	_ = 	snop  }
0x127: {  	[tilespmem:s17], [sflag:$0x1] =	stream.indirect.gather [spmem:s3], $0x40, s16, s16, $0xb8;
	[tilespmem:$0x1F800] =	vst v63  }
0x128: {  	s19 =	rddreg [dreg:$0x8]  }
0x129: {  	[tilespmem:s18], [sflag:$0x1] =	stream.indirect.gather [spmem:s3], $0x40, s19, s16, $0xb8;
	[tilespmem:$0x1F800] =	vst v63  }
0x12a: {  	_ = 	snop  }
0x12b: {  	[tilespmem:s20], [sflag:$0x1] =	stream.indirect.gather [spmem:s3], $0x40, s26, s16, $0xb8;
	[tilespmem:$0x1F800] =	vst v63  }
0x12c: {  	_ =	swait.ge [sflag:s21], $0x2000  }
0x12d: {  	[sflag:s21] =	ssyncset.done $0x0  }
0x12e: {  	[sflag:s21] =	ssyncadd.s32 $0xFFFFE000  }
0x12f: {  	[spmem:s1] =	stream.indirect.scatter.add.f32 [tilespmem:s12], [sflag:$0x2], $0x40, s15, s16, $0xb8;
	[tilespmem:$0x1F800] =	vst v63  }
0x130: {  	_ = 	snop  }
0x131: {  	[spmem:s2] =	stream.indirect.scatter.add.f32 [tilespmem:s14], [sflag:$0x3], $0x10, s15, s16, $0xb8;
	[tilespmem:$0x1F800] =	vst v63  }
0x132: {  	_ =	swait.ge [sflag:s22], $0x2000  }
0x133: {  	[sflag:s22] =	ssyncset.done $0x0  }
0x134: {  	[sflag:s22] =	ssyncadd.s32 $0xFFFFE000  }
0x135: {  	_ =	swait.ge [sflag:s24], $0x800  }
0x136: {  	[sflag:s24] =	ssyncset.done $0x0  }
0x137: {  	[sflag:s24] =	ssyncadd.s32 $0xFFFFF800  }
0x138: {  	[tilespmem:s12], [sflag:$0x1] =	stream.indirect.gather [spmem:s3], $0x40, s30, s16, $0xb8;
	[tilespmem:$0x1F800] =	vst v63  }
0x139: {  	_ =	swait.ge [sflag:s21], $0x2000  }
0x13a: {  	[sflag:s21] =	ssyncset.done $0x0  }
0x13b: {  	[sflag:s21] =	ssyncadd.s32 $0xFFFFE000  }
0x13c: {  	[spmem:s1] =	stream.indirect.scatter.add.f32 [tilespmem:s17], [sflag:$0x2], $0x40, s29, s16, $0xb8;
	[tilespmem:$0x1F800] =	vst v63  }
0x13d: {  	_ = 	snop  }
0x13e: {  	[spmem:s2] =	stream.indirect.scatter.add.f32 [tilespmem:s14], [sflag:$0x3], $0x10, s29, s16, $0xb8;
	[tilespmem:$0x1F800] =	vst v63  }
0x13f: {  	_ =	swait.ge [sflag:s22], $0x2000  }
0x140: {  	[sflag:s22] =	ssyncset.done $0x0  }
0x141: {  	[sflag:s22] =	ssyncadd.s32 $0xFFFFE000  }
0x142: {  	_ =	swait.ge [sflag:s24], $0x800  }
0x143: {  	[sflag:s24] =	ssyncset.done $0x0  }
0x144: {  	[sflag:s24] =	ssyncadd.s32 $0xFFFFF800  }
0x145: {  	[tilespmem:s17], [sflag:$0x1] =	stream.indirect.gather [spmem:s3], $0x40, s31, s16, $0xb8;
	[tilespmem:$0x1F800] =	vst v63  }
0x146: {  	_ =	swait.ge [sflag:s21], $0x2000  }
0x147: {  	[sflag:s21] =	ssyncset.done $0x0  }
0x148: {  	[sflag:s21] =	ssyncadd.s32 $0xFFFFE000  }
0x149: {  	[spmem:s1] =	stream.indirect.scatter.add.f32 [tilespmem:s18], [sflag:$0x2], $0x40, s7, s16, $0xb8;
	[tilespmem:$0x1F800] =	vst v63  }
0x14a: {  	_ = 	snop  }
0x14b: {  	[spmem:s2] =	stream.indirect.scatter.add.f32 [tilespmem:s14], [sflag:$0x3], $0x10, s7, s16, $0xb8;
	[tilespmem:$0x1F800] =	vst v63  }
0x14c: {  	_ =	swait.ge [sflag:s22], $0x2000  }
0x14d: {  	[sflag:s22] =	ssyncset.done $0x0  }
0x14e: {  	[sflag:s22] =	ssyncadd.s32 $0xFFFFE000  }
0x14f: {  	_ =	swait.ge [sflag:s24], $0x800  }
0x150: {  	[sflag:s24] =	ssyncset.done $0x0  }
0x151: {  	[sflag:s24] =	ssyncadd.s32 $0xFFFFF800  }
0x152: {  	[tilespmem:s18], [sflag:$0x1] =	stream.indirect.gather [spmem:s3], $0x40, s6, s16, $0xb8;
	[tilespmem:$0x1F800] =	vst v63  }
0x153: {  	_ =	swait.ge [sflag:s21], $0x2000  }
0x154: {  	[sflag:s21] =	ssyncset.done $0x0  }
0x155: {  	[sflag:s21] =	ssyncadd.s32 $0xFFFFE000  }
0x156: {  	[spmem:s1] =	stream.indirect.scatter.add.f32 [tilespmem:s20], [sflag:$0x2], $0x40, s5, s16, $0xb8;
	[tilespmem:$0x1F800] =	vst v63  }
0x157: {  	_ = 	snop  }
0x158: {  	[spmem:s2] =	stream.indirect.scatter.add.f32 [tilespmem:s14], [sflag:$0x3], $0x10, s5, s16, $0xb8;
	[tilespmem:$0x1F800] =	vst v63  }
0x159: {  	_ =	swait.ge [sflag:s22], $0x2000  }
0x15a: {  	[sflag:s22] =	ssyncset.done $0x0  }
0x15b: {  	[sflag:s22] =	ssyncadd.s32 $0xFFFFE000  }
0x15c: {  	_ =	swait.ge [sflag:s24], $0x800  }
0x15d: {  	[sflag:s24] =	ssyncset.done $0x0  }
0x15e: {  	[sflag:s24] =	ssyncadd.s32 $0xFFFFF800  }
0x15f: {  	[tilespmem:s20], [sflag:$0x1] =	stream.indirect.gather [spmem:s3], $0x40, s11, s16, $0xb8;
	[tilespmem:$0x1F800] =	vst v63  }
0x160: {  	_ =	swait.ge [sflag:s21], $0x2000  }
0x161: {  	[sflag:s21] =	ssyncset.done $0x0  }
0x162: {  	[sflag:s21] =	ssyncadd.s32 $0xFFFFE000  }
0x163: {  	[spmem:s1] =	stream.indirect.scatter.add.f32 [tilespmem:s12], [sflag:$0x2], $0x40, s8, s16, $0xb8;
	[tilespmem:$0x1F800] =	vst v63  }
0x164: {  	_ = 	snop  }
0x165: {  	[spmem:s2] =	stream.indirect.scatter.add.f32 [tilespmem:s14], [sflag:$0x3], $0x10, s8, s16, $0xb8;
	[tilespmem:$0x1F800] =	vst v63  }
0x166: {  	_ =	swait.ge [sflag:s21], $0x2000  }
0x167: {  	[sflag:s21] =	ssyncset.done $0x0  }
0x168: {  	[sflag:s21] =	ssyncadd.s32 $0xFFFFE000  }
0x169: {  	[spmem:s1] =	stream.indirect.scatter.add.f32 [tilespmem:s17], [sflag:$0x2], $0x40, s23, s16, $0xb8;
	[tilespmem:$0x1F800] =	vst v63  }
0x16a: {  	_ = 	snop  }
0x16b: {  	[spmem:s2] =	stream.indirect.scatter.add.f32 [tilespmem:s14], [sflag:$0x3], $0x10, s23, s16, $0xb8;
	[tilespmem:$0x1F800] =	vst v63  }
0x16c: {  	_ =	swait.ge [sflag:s21], $0x2000  }
0x16d: {  	[sflag:s21] =	ssyncset.done $0x0  }
0x16e: {  	[sflag:s21] =	ssyncadd.s32 $0xFFFFE000  }
0x16f: {  	[spmem:s1] =	stream.indirect.scatter.add.f32 [tilespmem:s18], [sflag:$0x2], $0x40, s25, s16, $0xb8;
	[tilespmem:$0x1F800] =	vst v63  }
0x170: {  	_ = 	snop  }
0x171: {  	[spmem:s2] =	stream.indirect.scatter.add.f32 [tilespmem:s14], [sflag:$0x3], $0x10, s25, s16, $0xb8;
	[tilespmem:$0x1F800] =	vst v63  }
0x172: {  	_ =	swait.ge [sflag:s21], $0x2000  }
0x173: {  	[sflag:s21] =	ssyncset.done $0x0  }
0x174: {  	[sflag:s21] =	ssyncadd.s32 $0xFFFFE000  }
0x175: {  	[spmem:s1] =	stream.indirect.scatter.add.f32 [tilespmem:s20], [sflag:$0x2], $0x40, s28, s16, $0xb8;
	[tilespmem:$0x1F800] =	vst v63  }
0x176: {  	_ = 	snop  }
0x177: {  	[spmem:s2] =	stream.indirect.scatter.add.f32 [tilespmem:s14], [sflag:$0x3], $0x10, s28, s16, $0xb8;
	[tilespmem:$0x1F800] =	vst v63  }
0x178: {  	_ =	swait.ge [sflag:s22], $0x2000  }
0x179: {  	[sflag:s22] =	ssyncset.done $0x0  }
0x17a: {  	[sflag:s22] =	ssyncadd.s32 $0xFFFFE000  }
0x17b: {  	_ =	swait.ge [sflag:s24], $0x800  }
0x17c: {  	[sflag:s24] =	ssyncset.done $0x0  }
0x17d: {  	[sflag:s24] =	ssyncadd.s32 $0xFFFFF800  }
0x17e: {  	_ =	swait.ge [sflag:s22], $0x2000  }
0x17f: {  	[sflag:s22] =	ssyncset.done $0x0  }
0x180: {  	[sflag:s22] =	ssyncadd.s32 $0xFFFFE000  }
0x181: {  	_ =	swait.ge [sflag:s24], $0x800  }
0x182: {  	[sflag:s24] =	ssyncset.done $0x0  }
0x183: {  	[sflag:s24] =	ssyncadd.s32 $0xFFFFF800  }
0x184: {  	_ =	swait.ge [sflag:s22], $0x2000  }
0x185: {  	[sflag:s22] =	ssyncset.done $0x0  }
0x186: {  	[sflag:s22] =	ssyncadd.s32 $0xFFFFE000  }
0x187: {  	_ =	swait.ge [sflag:s24], $0x800  }
0x188: {  	[sflag:s24] =	ssyncset.done $0x0  }
0x189: {  	p0 =	sne.s32 s10, $0x980;
	[sflag:s24] =	ssyncadd.s32 $0xFFFFF800  }
.Ltmp1:
0x18a: {  	_ =	swait.ge [sflag:s22], $0x2000;
	(pc) =	sbr.rel @p0 .LBB2_4-.Ltmp1, $4  }
0x18b: {  	[sflag:s22] =	ssyncset.done $0x0  }
0x18c: {  	[sflag:s22] =	ssyncadd.s32 $0xFFFFE000  }
0x18d: {  	s0 =	smov.u32 s10;
	s10 =	sadd.s32 $0x80, s10;
	_ =	swait.ge [sflag:s24], $0x800  }
0x18e: {  	s9 =	smov.u32 s0;
	s19 =	rddreg [dreg:$0x7];
	[sflag:s24] =	ssyncset.done $0x0  }
0x18f: {  	[sflag:s24] =	ssyncadd.s32 $0xFFFFF800;
	s0 =	sadd.s32 s9, s19  }
0x190: {  	[tilespmem:s4], [sflag:$0x4] =	stream.linear.gather [hbm4b:s0+s4], $0x400, $0x38;
	[tilespmem:$0x1F800] =	vst v63  }
0x191: {  	_ =	swait.ge [sflag:s13], $0x400  }
0x192: {  	s19 =	rddreg [dreg:$0x6];
	[sflag:s13] =	ssyncset.done $0x0  }
0x193: {  	s0 =	sadd.s32 s9, s19;
	[sflag:s13] =	ssyncadd.s32 $0xFFFFFC00  }
0x194: {  	[tilespmem:s15], [sflag:$0x4] =	stream.linear.gather [hbm4b:s0+s4], $0x400, $0x38;
	[tilespmem:$0x1F800] =	vst v63  }
0x195: {  	_ =	swait.ge [sflag:s13], $0x400  }
0x196: {  	[sflag:s13] =	ssyncset.done $0x0  }
0x197: {  	[sflag:s13] =	ssyncadd.s32 $0xFFFFFC00  }
0x198: {  	[tilespmem:s12], [sflag:$0x1] =	stream.indirect.gather [spmem:s3], $0x40, s4, s16, $0xb8;
	[tilespmem:$0x1F800] =	vst v63  }
0x199: {  	_ = 	snop  }
0x19a: {  	[tilespmem:s17], [sflag:$0x1] =	stream.indirect.gather [spmem:s3], $0x40, s16, s16, $0xb8;
	[tilespmem:$0x1F800] =	vst v63  }
0x19b: {  	s10 =	rddreg [dreg:$0x8]  }
0x19c: {  	[tilespmem:s18], [sflag:$0x1] =	stream.indirect.gather [spmem:s3], $0x40, s10, s16, $0xb8;
	[tilespmem:$0x1F800] =	vst v63  }
0x19d: {  	_ = 	snop  }
0x19e: {  	[tilespmem:s20], [sflag:$0x1] =	stream.indirect.gather [spmem:s3], $0x40, s26, s16, $0xb8;
	[tilespmem:$0x1F800] =	vst v63  }
0x19f: {  	_ =	swait.ge [sflag:s21], $0x2000  }
0x1a0: {  	[sflag:s21] =	ssyncset.done $0x0  }
0x1a1: {  	[sflag:s21] =	ssyncadd.s32 $0xFFFFE000  }
0x1a2: {  	[spmem:s1] =	stream.indirect.scatter.add.f32 [tilespmem:s12], [sflag:$0x2], $0x40, s15, s16, $0xb8;
	[tilespmem:$0x1F800] =	vst v63  }
0x1a3: {  	_ = 	snop  }
0x1a4: {  	[spmem:s2] =	stream.indirect.scatter.add.f32 [tilespmem:s14], [sflag:$0x3], $0x10, s15, s16, $0xb8;
	[tilespmem:$0x1F800] =	vst v63  }
0x1a5: {  	_ =	swait.ge [sflag:s22], $0x2000  }
0x1a6: {  	[sflag:s22] =	ssyncset.done $0x0  }
0x1a7: {  	[sflag:s22] =	ssyncadd.s32 $0xFFFFE000  }
0x1a8: {  	_ =	swait.ge [sflag:s24], $0x800  }
0x1a9: {  	[sflag:s24] =	ssyncset.done $0x0  }
0x1aa: {  	[sflag:s24] =	ssyncadd.s32 $0xFFFFF800  }
0x1ab: {  	[tilespmem:s12], [sflag:$0x1] =	stream.indirect.gather [spmem:s3], $0x40, s30, s16, $0xb8;
	[tilespmem:$0x1F800] =	vst v63  }
0x1ac: {  	_ =	swait.ge [sflag:s21], $0x2000  }
0x1ad: {  	[sflag:s21] =	ssyncset.done $0x0  }
0x1ae: {  	[sflag:s21] =	ssyncadd.s32 $0xFFFFE000  }
0x1af: {  	[spmem:s1] =	stream.indirect.scatter.add.f32 [tilespmem:s17], [sflag:$0x2], $0x40, s29, s16, $0xb8;
	[tilespmem:$0x1F800] =	vst v63  }
0x1b0: {  	_ = 	snop  }
0x1b1: {  	[spmem:s2] =	stream.indirect.scatter.add.f32 [tilespmem:s14], [sflag:$0x3], $0x10, s29, s16, $0xb8;
	[tilespmem:$0x1F800] =	vst v63  }
0x1b2: {  	_ =	swait.ge [sflag:s22], $0x2000  }
0x1b3: {  	[sflag:s22] =	ssyncset.done $0x0  }
0x1b4: {  	[sflag:s22] =	ssyncadd.s32 $0xFFFFE000  }
0x1b5: {  	_ =	swait.ge [sflag:s24], $0x800  }
0x1b6: {  	[sflag:s24] =	ssyncset.done $0x0  }
0x1b7: {  	[sflag:s24] =	ssyncadd.s32 $0xFFFFF800  }
0x1b8: {  	[tilespmem:s17], [sflag:$0x1] =	stream.indirect.gather [spmem:s3], $0x40, s31, s16, $0xb8;
	[tilespmem:$0x1F800] =	vst v63  }
0x1b9: {  	_ =	swait.ge [sflag:s21], $0x2000  }
0x1ba: {  	[sflag:s21] =	ssyncset.done $0x0  }
0x1bb: {  	[sflag:s21] =	ssyncadd.s32 $0xFFFFE000  }
0x1bc: {  	[spmem:s1] =	stream.indirect.scatter.add.f32 [tilespmem:s18], [sflag:$0x2], $0x40, s7, s16, $0xb8;
	[tilespmem:$0x1F800] =	vst v63  }
0x1bd: {  	_ = 	snop  }
0x1be: {  	[spmem:s2] =	stream.indirect.scatter.add.f32 [tilespmem:s14], [sflag:$0x3], $0x10, s7, s16, $0xb8;
	[tilespmem:$0x1F800] =	vst v63  }
0x1bf: {  	_ =	swait.ge [sflag:s22], $0x2000  }
0x1c0: {  	[sflag:s22] =	ssyncset.done $0x0  }
0x1c1: {  	[sflag:s22] =	ssyncadd.s32 $0xFFFFE000  }
0x1c2: {  	_ =	swait.ge [sflag:s24], $0x800  }
0x1c3: {  	[sflag:s24] =	ssyncset.done $0x0  }
0x1c4: {  	[sflag:s24] =	ssyncadd.s32 $0xFFFFF800  }
0x1c5: {  	[tilespmem:s18], [sflag:$0x1] =	stream.indirect.gather [spmem:s3], $0x40, s6, s16, $0xb8;
	[tilespmem:$0x1F800] =	vst v63  }
0x1c6: {  	_ =	swait.ge [sflag:s21], $0x2000  }
0x1c7: {  	[sflag:s21] =	ssyncset.done $0x0  }
0x1c8: {  	[sflag:s21] =	ssyncadd.s32 $0xFFFFE000  }
0x1c9: {  	[spmem:s1] =	stream.indirect.scatter.add.f32 [tilespmem:s20], [sflag:$0x2], $0x40, s5, s16, $0xb8;
	[tilespmem:$0x1F800] =	vst v63  }
0x1ca: {  	_ = 	snop  }
0x1cb: {  	[spmem:s2] =	stream.indirect.scatter.add.f32 [tilespmem:s14], [sflag:$0x3], $0x10, s5, s16, $0xb8;
	[tilespmem:$0x1F800] =	vst v63  }
0x1cc: {  	_ =	swait.ge [sflag:s22], $0x2000  }
0x1cd: {  	[sflag:s22] =	ssyncset.done $0x0  }
0x1ce: {  	[sflag:s22] =	ssyncadd.s32 $0xFFFFE000  }
0x1cf: {  	_ =	swait.ge [sflag:s24], $0x800  }
0x1d0: {  	[sflag:s24] =	ssyncset.done $0x0  }
0x1d1: {  	[sflag:s24] =	ssyncadd.s32 $0xFFFFF800  }
0x1d2: {  	[tilespmem:s20], [sflag:$0x1] =	stream.indirect.gather [spmem:s3], $0x40, s11, s16, $0xb8;
	[tilespmem:$0x1F800] =	vst v63  }
0x1d3: {  	_ =	swait.ge [sflag:s21], $0x2000  }
0x1d4: {  	[sflag:s21] =	ssyncset.done $0x0  }
0x1d5: {  	[sflag:s21] =	ssyncadd.s32 $0xFFFFE000  }
0x1d6: {  	[spmem:s1] =	stream.indirect.scatter.add.f32 [tilespmem:s12], [sflag:$0x2], $0x40, s8, s16, $0xb8;
	[tilespmem:$0x1F800] =	vst v63  }
0x1d7: {  	_ = 	snop  }
0x1d8: {  	[spmem:s2] =	stream.indirect.scatter.add.f32 [tilespmem:s14], [sflag:$0x3], $0x10, s8, s16, $0xb8;
	[tilespmem:$0x1F800] =	vst v63  }
0x1d9: {  	_ =	swait.ge [sflag:s21], $0x2000  }
0x1da: {  	[sflag:s21] =	ssyncset.done $0x0  }
0x1db: {  	[sflag:s21] =	ssyncadd.s32 $0xFFFFE000  }
0x1dc: {  	[spmem:s1] =	stream.indirect.scatter.add.f32 [tilespmem:s17], [sflag:$0x2], $0x40, s23, s16, $0xb8;
	[tilespmem:$0x1F800] =	vst v63  }
0x1dd: {  	_ = 	snop  }
0x1de: {  	[spmem:s2] =	stream.indirect.scatter.add.f32 [tilespmem:s14], [sflag:$0x3], $0x10, s23, s16, $0xb8;
	[tilespmem:$0x1F800] =	vst v63  }
0x1df: {  	_ =	swait.ge [sflag:s21], $0x2000  }
0x1e0: {  	[sflag:s21] =	ssyncset.done $0x0  }
0x1e1: {  	[sflag:s21] =	ssyncadd.s32 $0xFFFFE000  }
0x1e2: {  	[spmem:s1] =	stream.indirect.scatter.add.f32 [tilespmem:s18], [sflag:$0x2], $0x40, s25, s16, $0xb8;
	[tilespmem:$0x1F800] =	vst v63  }
0x1e3: {  	_ = 	snop  }
0x1e4: {  	[spmem:s2] =	stream.indirect.scatter.add.f32 [tilespmem:s14], [sflag:$0x3], $0x10, s25, s16, $0xb8;
	[tilespmem:$0x1F800] =	vst v63  }
0x1e5: {  	_ =	swait.ge [sflag:s21], $0x2000  }
0x1e6: {  	[sflag:s21] =	ssyncset.done $0x0  }
0x1e7: {  	[sflag:s21] =	ssyncadd.s32 $0xFFFFE000  }
0x1e8: {  	[spmem:s1] =	stream.indirect.scatter.add.f32 [tilespmem:s20], [sflag:$0x2], $0x40, s28, s16, $0xb8;
	[tilespmem:$0x1F800] =	vst v63  }
0x1e9: {  	_ = 	snop  }
0x1ea: {  	[spmem:s2] =	stream.indirect.scatter.add.f32 [tilespmem:s14], [sflag:$0x3], $0x10, s28, s16, $0xb8;
	[tilespmem:$0x1F800] =	vst v63  }
0x1eb: {  	_ =	swait.ge [sflag:s22], $0x2000  }
0x1ec: {  	[sflag:s22] =	ssyncset.done $0x0  }
0x1ed: {  	[sflag:s22] =	ssyncadd.s32 $0xFFFFE000  }
0x1ee: {  	_ =	swait.ge [sflag:s24], $0x800  }
0x1ef: {  	[sflag:s24] =	ssyncset.done $0x0  }
0x1f0: {  	[sflag:s24] =	ssyncadd.s32 $0xFFFFF800  }
0x1f1: {  	_ =	swait.ge [sflag:s22], $0x2000  }
0x1f2: {  	[sflag:s22] =	ssyncset.done $0x0  }
0x1f3: {  	[sflag:s22] =	ssyncadd.s32 $0xFFFFE000  }
0x1f4: {  	_ =	swait.ge [sflag:s24], $0x800  }
0x1f5: {  	[sflag:s24] =	ssyncset.done $0x0  }
0x1f6: {  	[sflag:s24] =	ssyncadd.s32 $0xFFFFF800  }
0x1f7: {  	_ =	swait.ge [sflag:s22], $0x2000  }
0x1f8: {  	[sflag:s22] =	ssyncset.done $0x0  }
0x1f9: {  	[sflag:s22] =	ssyncadd.s32 $0xFFFFE000  }
0x1fa: {  	_ =	swait.ge [sflag:s24], $0x800  }
0x1fb: {  	[sflag:s24] =	ssyncset.done $0x0  }
0x1fc: {  	[sflag:s24] =	ssyncadd.s32 $0xFFFFF800  }
0x1fd: {  	_ =	swait.ge [sflag:s22], $0x2000  }
0x1fe: {  	[sflag:s22] =	ssyncset.done $0x0  }
0x1ff: {  	[sflag:s22] =	ssyncadd.s32 $0xFFFFE000  }
0x200: {  	_ =	swait.ge [sflag:s24], $0x800  }
0x201: {  	[sflag:s24] =	ssyncset.done $0x0  }
0x202: {  	[sflag:s24] =	ssyncadd.s32 $0xFFFFF800  }
0x203: {  	[bflag:$0x0] =	sbarrier.arrive $0xFFFF  }
0x204: {  	s11 =	rddreg [dreg:$0x16]  }
0x205: {  	[tilespmem:s12], [sflag:$0x4] =	stream.linear.gather [spmem:s11], $0x2000, $0x38;
	[tilespmem:$0x1F800] =	vst v63  }
0x206: {  	_ =	swait.ge [sflag:s13], $0x2000  }
0x207: {  	[sflag:s13] =	ssyncset.done $0x0  }
0x208: {  	s19 =	rddreg [dreg:$0x9];
	[sflag:s13] =	ssyncadd.s32 $0xFFFFE000  }
0x209: {  	[hbm4b:s19+s4] =	stream.linear.scatter [tilespmem:s12], [sflag:$0x4], $0x2000, $0x38;
	[tilespmem:$0x1F800] =	vst v63  }
0x20a: {  	_ =	swait.ge [sflag:s13], $0x2000  }
0x20b: {  	s26 =	sld [smem:$0x7F5]  }
0x20c: {  	[sflag:s13] =	ssyncset.done $0x0  }
0x20d: {  	[sflag:s13] =	ssyncadd.s32 $0xFFFFE000  }
0x20e: {  	[tilespmem:s14], [sflag:$0x4] =	stream.linear.gather [spmem:s26], $0x800, $0x38;
	[tilespmem:$0x1F800] =	vst v63  }
0x20f: {  	_ =	swait.ge [sflag:s13], $0x800  }
0x210: {  	[sflag:s13] =	ssyncset.done $0x0  }
0x211: {  	s31 =	rddreg [dreg:$0xe];
	[sflag:s13] =	ssyncadd.s32 $0xFFFFF800  }
0x212: {  	[hbm4b:s31+s4] =	stream.linear.scatter [tilespmem:s14], [sflag:$0x4], $0x800, $0x38;
	[tilespmem:$0x1F800] =	vst v63  }
0x213: {  	_ =	swait.ge [sflag:s13], $0x800  }
0x214: {  	[sflag:s13] =	ssyncset.done $0x0  }
0x215: {  	s9 =	rddreg [dreg:$0x1a];
	[sflag:s13] =	ssyncadd.s32 $0xFFFFF800  }
0x216: {  	[tilespmem:s12], [sflag:$0x4] =	stream.linear.gather [spmem:s9], $0x2000, $0x38;
	[tilespmem:$0x1F800] =	vst v63  }
0x217: {  	_ =	swait.ge [sflag:s13], $0x2000  }
0x218: {  	[sflag:s13] =	ssyncset.done $0x0  }
0x219: {  	s6 =	rddreg [dreg:$0xa];
	[sflag:s13] =	ssyncadd.s32 $0xFFFFE000  }
0x21a: {  	[hbm4b:s6+s4] =	stream.linear.scatter [tilespmem:s12], [sflag:$0x4], $0x2000, $0x38;
	[tilespmem:$0x1F800] =	vst v63  }
0x21b: {  	_ =	swait.ge [sflag:s13], $0x2000  }
0x21c: {  	s10 =	sld [smem:$0x7F6]  }
0x21d: {  	[sflag:s13] =	ssyncset.done $0x0  }
0x21e: {  	[sflag:s13] =	ssyncadd.s32 $0xFFFFE000  }
0x21f: {  	[tilespmem:s14], [sflag:$0x4] =	stream.linear.gather [spmem:s10], $0x800, $0x38;
	[tilespmem:$0x1F800] =	vst v63  }
0x220: {  	_ =	swait.ge [sflag:s13], $0x800  }
0x221: {  	[sflag:s13] =	ssyncset.done $0x0  }
0x222: {  	s11 =	rddreg [dreg:$0xf];
	[sflag:s13] =	ssyncadd.s32 $0xFFFFF800  }
0x223: {  	[hbm4b:s11+s4] =	stream.linear.scatter [tilespmem:s14], [sflag:$0x4], $0x800, $0x38;
	[tilespmem:$0x1F800] =	vst v63  }
0x224: {  	_ =	swait.ge [sflag:s13], $0x800  }
0x225: {  	[sflag:s13] =	ssyncset.done $0x0  }
0x226: {  	s10 =	rddreg [dreg:$0x1c];
	[sflag:s13] =	ssyncadd.s32 $0xFFFFF800  }
0x227: {  	[tilespmem:s12], [sflag:$0x4] =	stream.linear.gather [spmem:s10], $0x2000, $0x38;
	[tilespmem:$0x1F800] =	vst v63  }
0x228: {  	_ =	swait.ge [sflag:s13], $0x2000  }
0x229: {  	[sflag:s13] =	ssyncset.done $0x0  }
0x22a: {  	s19 =	rddreg [dreg:$0xb];
	[sflag:s13] =	ssyncadd.s32 $0xFFFFE000  }
0x22b: {  	[hbm4b:s19+s4] =	stream.linear.scatter [tilespmem:s12], [sflag:$0x4], $0x2000, $0x38;
	[tilespmem:$0x1F800] =	vst v63  }
0x22c: {  	_ =	swait.ge [sflag:s13], $0x2000  }
0x22d: {  	s26 =	sld [smem:$0x7F7]  }
0x22e: {  	[sflag:s13] =	ssyncset.done $0x0  }
0x22f: {  	[sflag:s13] =	ssyncadd.s32 $0xFFFFE000  }
0x230: {  	[tilespmem:s14], [sflag:$0x4] =	stream.linear.gather [spmem:s26], $0x800, $0x38;
	[tilespmem:$0x1F800] =	vst v63  }
0x231: {  	_ =	swait.ge [sflag:s13], $0x800  }
0x232: {  	[sflag:s13] =	ssyncset.done $0x0  }
0x233: {  	s31 =	rddreg [dreg:$0x10];
	[sflag:s13] =	ssyncadd.s32 $0xFFFFF800  }
0x234: {  	[hbm4b:s31+s4] =	stream.linear.scatter [tilespmem:s14], [sflag:$0x4], $0x800, $0x38;
	[tilespmem:$0x1F800] =	vst v63  }
0x235: {  	_ =	swait.ge [sflag:s13], $0x800  }
0x236: {  	[sflag:s13] =	ssyncset.done $0x0  }
0x237: {  	s26 =	rddreg [dreg:$0x1e];
	[sflag:s13] =	ssyncadd.s32 $0xFFFFF800  }
0x238: {  	[tilespmem:s12], [sflag:$0x4] =	stream.linear.gather [spmem:s26], $0x2000, $0x38;
	[tilespmem:$0x1F800] =	vst v63  }
0x239: {  	_ =	swait.ge [sflag:s13], $0x2000  }
0x23a: {  	[sflag:s13] =	ssyncset.done $0x0  }
0x23b: {  	s6 =	rddreg [dreg:$0xc];
	[sflag:s13] =	ssyncadd.s32 $0xFFFFE000  }
0x23c: {  	[hbm4b:s6+s4] =	stream.linear.scatter [tilespmem:s12], [sflag:$0x4], $0x2000, $0x38;
	[tilespmem:$0x1F800] =	vst v63  }
0x23d: {  	_ =	swait.ge [sflag:s13], $0x2000  }
0x23e: {  	s11 =	sld [smem:$0x7F8]  }
0x23f: {  	[sflag:s13] =	ssyncset.done $0x0  }
0x240: {  	[sflag:s13] =	ssyncadd.s32 $0xFFFFE000  }
0x241: {  	[tilespmem:s14], [sflag:$0x4] =	stream.linear.gather [spmem:s11], $0x800, $0x38;
	[tilespmem:$0x1F800] =	vst v63  }
0x242: {  	_ =	swait.ge [sflag:s13], $0x800  }
0x243: {  	[sflag:s13] =	ssyncset.done $0x0  }
0x244: {  	s19 =	rddreg [dreg:$0x11];
	[sflag:s13] =	ssyncadd.s32 $0xFFFFF800  }
0x245: {  	[hbm4b:s19+s4] =	stream.linear.scatter [tilespmem:s14], [sflag:$0x4], $0x800, $0x38;
	[tilespmem:$0x1F800] =	vst v63  }
0x246: {  	_ =	swait.ge [sflag:s13], $0x800  }
0x247: {  	s30 =	sld [smem:$0x7FC]  }
0x248: {  	[sflag:s13] =	ssyncset.done $0x0  }
0x249: {  	[sflag:s13] =	ssyncadd.s32 $0xFFFFF800  }
0x24a: {  	[tilespmem:s12], [sflag:$0x4] =	stream.linear.gather [spmem:s30], $0x2000, $0x38;
	[tilespmem:$0x1F800] =	vst v63  }
0x24b: {  	_ =	swait.ge [sflag:s13], $0x2000  }
0x24c: {  	[sflag:s13] =	ssyncset.done $0x0  }
0x24d: {  	s31 =	rddreg [dreg:$0xd];
	[sflag:s13] =	ssyncadd.s32 $0xFFFFE000  }
0x24e: {  	[hbm4b:s31+s4] =	stream.linear.scatter [tilespmem:s12], [sflag:$0x4], $0x2000, $0x38;
	[tilespmem:$0x1F800] =	vst v63  }
0x24f: {  	_ =	swait.ge [sflag:s13], $0x2000  }
0x250: {  	s6 =	sld [smem:$0x7F9]  }
0x251: {  	[sflag:s13] =	ssyncset.done $0x0  }
0x252: {  	[sflag:s13] =	ssyncadd.s32 $0xFFFFE000  }
0x253: {  	[tilespmem:s14], [sflag:$0x4] =	stream.linear.gather [spmem:s6], $0x800, $0x38;
	[tilespmem:$0x1F800] =	vst v63  }
0x254: {  	_ =	swait.ge [sflag:s13], $0x800  }
0x255: {  	[sflag:s13] =	ssyncset.done $0x0  }
0x256: {  	s11 =	rddreg [dreg:$0x12];
	[sflag:s13] =	ssyncadd.s32 $0xFFFFF800  }
0x257: {  	[hbm4b:s11+s4] =	stream.linear.scatter [tilespmem:s14], [sflag:$0x4], $0x800, $0x38;
	[tilespmem:$0x1F800] =	vst v63  }
0x258: {  	_ =	swait.ge [sflag:s13], $0x800  }
0x259: {  	s19 =	sld [smem:$0x7F3];
	_ =	sdelay $0x2  }
0x25a: {  	s31 =	rddreg [dreg:$0x17];
	s11 =	sadd.s32 $0x1, s19  }
0x25b: {  	p0 =	sne.s32 s11, s31  }
.Ltmp2:
0x25c: {  	_ = 	snop;
	(pc) =	sbr.rel @p0 .LBB2_1-.Ltmp2, $3  }
0x25d: {  	_ =	sdelay $0x1  }
0x25e: {  	[sflag:s13] =	ssyncset.done $0x0  }
0x25f: {  	s6 =	sld [smem:$0x7FD];
	[sflag:s13] =	ssyncadd.s32 $0xFFFFF800  }
0x260: {  	_ =	sfence.sel $0x180000  }
0x261: {  	[bflag:$0x0] =	sbarrier.arrive $0xFFFF  }
0x262: {  	_ =	strace $0x9000004A  }
0x263: {  	s0 =	stileid.u32;
	[bflag:$0x2] =	sbarrier.arrive $0xFFFF  }
0x264: {  	p0 =	sne.s32 s0, $0x0;
	s0 =	rddreg [dreg:$0x5]  }
0x265: {  	s0 =	sadd.s32 @!p0 $0x100000, s0  }
0x266: {  	[sflag:s0] =	ssyncadd.tile.s32 @!p0 $0x1;
	_ =	shalt  }
.Lfunc_end2:
_tile_overlayer_lowered:
.L_overlay_start_2:
0x267: {  	(tag) =	ssettag $0x2  }
0x268: {  	s0 =	rddreg [dreg:$0x0];
	s2 =	stileid.u32  }
0x269: {  	s1 =	rddreg [dreg:$0x1];
	p0 =	sne.s32 s2, $0x0  }
0x26a: {  	s3 =	rddreg [dreg:$0x2];
	[bflag:$0x3] =	sbarrier.arrive $0xFFFF;
	s2 =	simm.s32 @!p0 $0x1C04  }
0x26b: {  	[timem:s3], [sflag:s2] =	dma.local @!p0 [hbm:s0], s1  }
0x26c: {  	s0 =	simm.s32 @!p0 $0x4  }
0x26d: {  	_ =	swait.ge @!p0 [sflag:s0], s1  }
0x26e: {  	s1 =	ssub.s32 @!p0 $0x0, s1;
	[sflag:s0] =	ssyncset.done @!p0 $0x0  }
0x26f: {  	[sflag:s0] =	ssyncadd.s32 @!p0 s1  }
0x270: {  	[bflag:$0x3] =	sbarrier.arrive $0xFFFF  }
0x271: {  	_ =	shalt  }

// kernel: kernel.8.cloned.1.call-start
scs
__scs_entry_jumppad:
0x0: {  	(pc) =	sbr.rel $0x88, $3  }
0x1: {  	(tag) =	ssettag $0x0;
	lr =	simm.s32 $0x1  }
0x2: {  	[smem:$0x3F99] =	sst lr;
	_ =	strace $0xD0000000  }
0x3: {  	_ = 	snop  }
0x4: {  	_ = 	snop  }
0x5: {  	_ = 	snop  }
0x6: {  	_ = 	snop  }
0x7: {  	_ = 	snop  }
__scs_overlays_trampoline_lowered:
0x8: {  	[smem:$0x3FA8] =	sst s0  }
0x9: {  	[smem:$0x3FA9] =	sst s1  }
0xa: {  	[smem:$0x3FAA] =	sst s2  }
0xb: {  	[smem:$0x3FAB] =	sst s3  }
0xc: {  	[smem:$0x3FAC] =	sst s4  }
0xd: {  	[smem:$0x3FAD] =	sst s5  }
0xe: {  	[smem:$0x3FAE] =	sst s6  }
0xf: {  	[smem:$0x3FAF] =	sst s7  }
0x10: {  	[smem:$0x3FB0] =	sst s8  }
0x11: {  	[smem:$0x3FB1] =	sst s9;
	s0 =	simm.s32 @!p0 $0x0  }
0x12: {  	s1 =	sld [smem:$0x3F97];
	s0 =	simm.s32 @p0 $0x1  }
0x13: {  	[smem:$0x3FB2] =	sst s0;
	s0 =	simm.s32 @!p1 $0x0  }
0x14: {  	s2 =	sld [smem:$0x3F96];
	s0 =	simm.s32 @p1 $0x1  }
0x15: {  	[smem:$0x3FB3] =	sst s0;
	s0 =	simm.s32 @!p2 $0x0  }
0x16: {  	s3 =	sld [smem:$0x3FDB];
	s0 =	simm.s32 @p2 $0x1  }
0x17: {  	s4 =	simm.s32 $0x1BF5;
	[smem:$0x3FB5] =	sst s0  }
0x18: {  	s0 =	sld [smem:$0x3F98];
	_ =	swait.ge [sflag:s4], $0x0  }
0x19: {  	s7 =	sld [smem:$0x3F99]  }
0x1a: {  	s8 =	sadd.s32 $0xFFFFE003, lr  }
0x1b: {  	s9 =	sadd.s32 $0xFFFFFEF7, lr;
	s5 =	simm.s32 $0xFFFFFFFF;
	p2 =	slt.u32 s8, $0xFFFFF086  }
0x1c: {  	p1 =	slt.u32 s9, $0xF7A;
	s5 =	simm.s32 @!p2 $0x0  }
0x1d: {  	s5 =	simm.s32 @p1 $0x1;
	p0 =	seq.s32 s7, s2  }
0x1e: {  	s7 =	smul.u32 @!p0 $0xF7A, s2;
	p2 =	seq.s32 @!p0 s5, $0x0  }
0x1f: {  	s9 =	smul.u32 $0xF7A, s1;
	s8 =	simm.s32 @!p0 $0x1BF5;
	p2 =	por !p2, p0  }
0x20: {  	[sflag:s8] =	ssyncset.s32 @!p0 $0xFFFFF086;
	s6 =	sadd.s32 @!p0 s3, s7;
	s7 =	simm.s32 @!p0 $0x108  }
0x21: {  	s3 =	sadd.s32 s3, s9;
	s6 =	sadd.s32 @!p0 $0x88, s6;
	s7 =	simm.s32 @p2 $0x1082  }
0x22: {  	[simem:s7], [sflag:s8] =	dma.local @!p0 [hbm:s6], $0xF7A  }
0x23: {  	s9 =	sor.u32 $0xD0000000, s2;
	s6 =	simm.s32 $0x108;
	_ =	swait.ge @!p0 [sflag:s8], $0x0  }
0x24: {  	s3 =	sadd.s32 $0x88, s3;
	s6 =	simm.s32 @!p1 $0x1082;
	[sflag:s4] =	ssyncset.s32 $0xFFFFF086  }
0x25: {  	[simem:s6], [sflag:s4] =	dma.local [hbm:s3], $0xF7A  }
0x26: {  	[smem:$0x3F99] =	sst s1;
	(tag) =	ssettag s2;
	_ =	strace s9  }
0x27: {  	s1 =	sld [smem:$0x3FA9]  }
0x28: {  	s2 =	sld [smem:$0x3FAA]  }
0x29: {  	s4 =	sld [smem:$0x3FAC]  }
0x2a: {  	p0 =	seq.s32 s5, $0x0;
	s5 =	sld [smem:$0x3FAD]  }
0x2b: {  	s6 =	sld [smem:$0x3FAE]  }
0x2c: {  	s7 =	sld [smem:$0x3FAF]  }
0x2d: {  	s3 =	simm.s32 $0x108;
	s8 =	sld [smem:$0x3FB0]  }
0x2e: {  	s3 =	simm.s32 @!p0 $0x1082;
	s9 =	sld [smem:$0x3FB1]  }
0x2f: {  	lr =	sadd.s32 s0, s3;
	s0 =	sld [smem:$0x3FA8]  }
0x30: {  	s3 =	sld [smem:$0x3FAB]  }
0x31: {  	[smem:$0x3FB4] =	sst s10  }
0x32: {  	s10 =	sld [smem:$0x3FB2];
	_ =	sdelay $0x3  }
0x33: {  	p0 =	seq.s32 s10, $0x1;
	s10 =	sld [smem:$0x3FB4];
	_ =	sdelay $0x3  }
0x34: {  	[smem:$0x3FB4] =	sst s10  }
0x35: {  	s10 =	sld [smem:$0x3FB3];
	_ =	sdelay $0x3  }
0x36: {  	p1 =	seq.s32 s10, $0x1;
	s10 =	sld [smem:$0x3FB4];
	_ =	sdelay $0x3  }
0x37: {  	[smem:$0x3FB4] =	sst s10  }
0x38: {  	s10 =	sld [smem:$0x3FB5]  }
0x39: {  	_ = 	snop;
	(pc) =	sbr.ind lr, $3  }
0x3a: {  	_ = 	snop  }
0x3b: {  	_ = 	snop  }
0x3c: {  	p2 =	seq.s32 s10, $0x1;
	s10 =	sld [smem:$0x3FB4]  }
0x3d: {  	_ =	shalt  }
0x3e: {  	_ =	shalt  }
0x3f: {  	_ =	shalt  }
0x40: {  	_ =	shalt  }
0x41: {  	_ =	shalt  }
0x42: {  	_ =	shalt  }
0x43: {  	_ =	shalt  }
0x44: {  	_ =	shalt  }
0x45: {  	_ =	shalt  }
0x46: {  	_ =	shalt  }
0x47: {  	_ =	shalt  }
0x48: {  	_ =	shalt  }
0x49: {  	_ =	shalt  }
0x4a: {  	_ =	shalt  }
0x4b: {  	_ =	shalt  }
0x4c: {  	_ =	shalt  }
0x4d: {  	_ =	shalt  }
0x4e: {  	_ =	shalt  }
0x4f: {  	_ =	shalt  }
0x50: {  	_ =	shalt  }
0x51: {  	_ =	shalt  }
0x52: {  	_ =	shalt  }
0x53: {  	_ =	shalt  }
0x54: {  	_ =	shalt  }
0x55: {  	_ =	shalt  }
0x56: {  	_ =	shalt  }
0x57: {  	_ =	shalt  }
0x58: {  	_ =	shalt  }
0x59: {  	_ =	shalt  }
0x5a: {  	_ =	shalt  }
0x5b: {  	_ =	shalt  }
0x5c: {  	_ =	shalt  }
0x5d: {  	_ =	shalt  }
0x5e: {  	_ =	shalt  }
0x5f: {  	_ =	shalt  }
0x60: {  	_ =	shalt  }
0x61: {  	_ =	shalt  }
0x62: {  	_ =	shalt  }
0x63: {  	_ =	shalt  }
0x64: {  	_ =	shalt  }
0x65: {  	_ =	shalt  }
0x66: {  	_ =	shalt  }
0x67: {  	_ =	shalt  }
0x68: {  	_ =	shalt  }
0x69: {  	_ =	shalt  }
0x6a: {  	_ =	shalt  }
0x6b: {  	_ =	shalt  }
0x6c: {  	_ =	shalt  }
0x6d: {  	_ =	shalt  }
0x6e: {  	_ =	shalt  }
0x6f: {  	_ =	shalt  }
0x70: {  	_ =	shalt  }
0x71: {  	_ =	shalt  }
0x72: {  	_ =	shalt  }
0x73: {  	_ =	shalt  }
0x74: {  	_ =	shalt  }
0x75: {  	_ =	shalt  }
0x76: {  	_ =	shalt  }
0x77: {  	_ =	shalt  }
0x78: {  	_ =	shalt  }
0x79: {  	_ =	shalt  }
0x7a: {  	_ =	shalt  }
0x7b: {  	_ =	shalt  }
0x7c: {  	_ =	shalt  }
0x7d: {  	_ =	shalt  }
0x7e: {  	_ =	shalt  }
0x7f: {  	_ =	shalt  }
0x80: {  	_ =	shalt  }
0x81: {  	_ =	shalt  }
0x82: {  	_ =	shalt  }
0x83: {  	_ =	shalt  }
0x84: {  	_ =	shalt  }
0x85: {  	_ =	shalt  }
0x86: {  	_ =	shalt  }
0x87: {  	_ =	shalt  }
.Lfunc_end0:
.L_simem_size_0:
called_computation.1_lowered:
.L_overlay_start_0:
0x88: {  	s2 =	sld [smem:$0x3FD9]  }
0x89: {  	s3 =	sld [smem:$0x3FFE];
	_ =	sdelay $0x1  }
0x8a: {  	s1 =	srdreg.scid  }
0x8b: {  	s0 =	sand.u32 $0x1, s1  }
0x8c: {  	s17 =	sshll.u32 s0, $0xA;
	s2 =	sadd.s32 s3, s2  }
0x8d: {  	s2 =	sadd.s32 s2, s17  }
0x8e: {  	[smem:$0x3FC0] =	sst s2  }
0x8f: {  	_ = 	snop  }
0x90: {  	s2 =	sld [smem:$0x3FD0];
	(tm) =	ssettm $0x1  }
0x91: {  	s18 =	sld [smem:$0x3FFB];
	_ =	sdelay $0x3  }
0x92: {  	_ =	strace s18  }
0x93: {  	s3 =	sld [smem:$0x3FFC];
	_ =	sdelay $0x3  }
0x94: {  	_ =	strace s3  }
0x95: {  	s3 =	sld [smem:$0x3FFD];
	_ =	sdelay $0x3  }
0x96: {  	_ =	strace s3  }
0x97: {  	_ =	strace $0x8FFFFFFF  }
0x98: {  	s19 =	sld [smem:$0x3FDB];
	_ =	sdelay $0x1  }
0x99: {  	s4 =	simm.s32 $_scs_section_size  }
0x9a: {  	s5 =	simm.s32 $_size__tile_overlayer_lowered;
	s6 =	simm.s32 $_tile_overlayer_lowered  }
0x9b: {  	s22 =	simm.s32 $0x1BFF;
	s21 =	sshll.u32 s6, $0x1;
	s3 =	sadd.s32 s4, s19  }
0x9c: {  	s7 =	simm.s32 $0x0;
	s20 =	sshll.u32 s5, $0x1;
	s5 =	sadd.s32 s21, s3  }
0x9d: {  	[timem:s7], [sflag:s22] =	dma.local [hbm:s5], s20  }
0x9e: {  	_ =	swait.ge [sflag:s22], s20  }
0x9f: {  	s4 =	ssub.s32 $0x0, s20;
	[sflag:s22] =	ssyncset.done $0x0  }
0xa0: {  	[sflag:s22] =	ssyncadd.s32 s4;
	_ =	sdelay $0x1  }
0xa1: {  	s23 =	simm.s32 $0x1B8B  }
0xa2: {  	_ =	swait.ge [sflag:s23], $0x1  }
0xa3: {  	[sflag:s23] =	ssyncset.done $0x0  }
0xa4: {  	s25 =	simm.s32 $0x1B8E;
	s24 =	sld [smem:$0x3FFE];
	[sflag:s23] =	ssyncadd.s32 $0xFFFFFFFF  }
0xa5: {  	s26 =	simm.s32 $execute0_lowered;
	[smem:$0x3FD2] =	sst s25  }
0xa6: {  	s5 =	sshll.u32 s26, $0x1;
	_ =	strace $0x80000046;
	[dreg:$0x1] =	wrdreg $0xFFFFFFFF  }
0xa7: {  	s28 =	simm.s32 $_size_execute0_lowered;
	s3 =	sadd.s32 s3, s5;
	[dreg:$0x0] =	wrdreg $0x0  }
0xa8: {  	s5 =	sshll.u32 s28, $0x1;
	[dreg:$0x2] =	wrdreg s3  }
0xa9: {  	[dreg:$0x3] =	wrdreg s5  }
0xaa: {  	[dreg:$0x4] =	wrdreg $0xC0  }
0xab: {  	_ =	task [dreg:s7], $0x5FFFF  }
0xac: {  	[dreg:$0x1] =	wrdreg $0xFFFFFFFF  }
0xad: {  	[dreg:$0x0] =	wrdreg $0x60  }
0xae: {  	[dreg:$0x2] =	wrdreg s24  }
0xaf: {  	[dreg:$0x3] =	wrdreg s2  }
0xb0: {  	[dreg:$0x4] =	wrdreg $0x130000  }
0xb1: {  	[dreg:$0x5] =	wrdreg $0x90000  }
0xb2: {  	[dreg:$0x6] =	wrdreg $0xA  }
0xb3: {  	_ =	task.clear_ibuf [dreg:s7], $0x7FFFF;
	_ =	strace $0x90000046  }
0xb4: {  	s29 =	simm.s32 $0xA;
	_ =	strace $0x80000048  }
0xb5: {  	_ =	swait.ge [sflag:s29], $0x1  }
0xb6: {  	[sflag:s29] =	ssyncadd.s32 $0xFFFFFFFF  }
0xb7: {  	_ =	strace $0x90000048  }
0xb8: {  	_ =	sfence  }
0xb9: {  	s30 =	sld [smem:$0x0];
	_ =	sdelay $0x2  }
0xba: {  	s31 =	sshll.u32 s1, $0xD;
	s1 =	sshrl.u32 s1, $0x2  }
0xbb: {  	s3 =	sand.u32 $0x4000, s31;
	s1 =	sadd.s32 s1, s30  }
0xbc: {  	s0 =	sor.u32 s3, s0;
	s1 =	sshll.u32 s1, $0x11  }
0xbd: {  	s0 =	sor.u32 s1, s0  }
0xbe: {  	s0 =	sadd.s32 $0x8F2B, s0  }
0xbf: {  	[sflag:s0] =	ssyncadd.remote.s32 $0x1  }
0xc0: {  	_ =	sfence.sel $0xFFFF  }
0xc1: {  	[dreg:$0x0] =	wrdreg $0xFFFFFFFF;
	(pc) =	sbr.abs _section_cstart, $3  }
0xc2: {  	[dreg:$0x1] =	wrdreg $0xFFFFFFFF  }
0xc3: {  	_ =	task.clear_ibuf [dreg:s7], $0x2FFFF;
	_ =	strace $0x9FFFFFFF  }
0xc4: {  	(tm) =	ssettm $0x7FFFFFFF  }
0xc5: {  	_ =	shalt  }
tec
execute0_lowered:
.L_overlay_start_1:
0x0: {  	(tag) =	ssettag $0x1  }
0x1: {  	s0 =	rddreg [dreg:$0x0]  }
0x2: {  	s5 =	rddreg [dreg:$0x1]  }
0x3: {  	s1 =	srdreg.scid;
	s2 =	rddreg [dreg:$0x2]  }
0x4: {  	s16 =	stileid.u32;
	s3 =	rddreg [dreg:$0x3];
	s4 =	simm.s32 $0x0  }
0x5: {  	s29 =	simm.s32 $0x800;
	s30 =	simm.s32 $0x3;
	s7 =	smul.u32 $0x5000, s16  }
0x6: {  	s31 =	simm.s32 $0x680;
	s1 =	sand.u32 $0x1, s1;
	s18 =	smul.u32 $0x28000, s16  }
0x7: {  	[smem:$0x7FF] =	sst s4;
	s15 =	sshll.u32 s16, $0xA;
	s12 =	smul.u32 $0xA000, s16  }
0x8: {  	s8 =	sadd.s32 $0x29600, s0;
	s17 =	sadd.s32 $0x29200, s0;
	s20 =	smul.u32 $0xA00, s16  }
0x9: {  	s6 =	smul.u32 $0x50000, s1;
	_ =	strace $0x80000047;
	[dreg:$0x6] =	wrdreg s8  }
0xa: {  	s9 =	sadd.s32 $0x29400, s0;
	[dreg:$0x7] =	wrdreg s17;
	s10 =	smul.u32 $0xA000, s1  }
0xb: {  	[dreg:$0x8] =	wrdreg s9;
	s19 =	ssub.s32 $0x2, s1;
	s1 =	smul.u32 $0xA0000, s1  }
0xc: {  	s9 =	sshll.u32 s16, $0x7;
	s11 =	sshrl.u32 s19, $0x1;
	s8 =	sshrl.u32 s18, $0x2  }
0xd: {  	s13 =	sadd.s32 s12, s2;
	s14 =	sadd.s32 $0x2000, s12;
	s25 =	sadd.s32 $0x4000, s12  }
0xe: {  	s6 =	sadd.s32 s7, s6;
	s7 =	sadd.s32 s15, s0;
	s11 =	ssub.s32 s19, s11  }
0xf: {  	s17 =	sadd.s32 s8, s2;
	[dreg:$0xa] =	wrdreg s13;
	s21 =	sadd.s32 s1, s12  }
0x10: {  	s23 =	sadd.s32 s1, s14;
	s26 =	sadd.s32 s1, s25;
	s15 =	sadd.s32 $0x6000, s12  }
0x11: {  	s5 =	sadd.s32 s10, s5;
	s12 =	sadd.s32 $0x8000, s12;
	s13 =	simm.s32 $0x2  }
0x12: {  	s8 =	simm.s32 $0x0;
	s6 =	sshrl.u32 s6, $0x3;
	s11 =	smax.u32 s11, $0x1  }
0x13: {  	s22 =	sshrl.u32 s21, $0x3;
	s24 =	sshrl.u32 s23, $0x3;
	s28 =	sadd.s32 s1, s15  }
0x14: {  	s1 =	sadd.s32 s1, s12;
	s18 =	sadd.s32 s20, s5;
	[dreg:$0x9] =	wrdreg s17  }
0x15: {  	s19 =	sadd.s32 $0x4000, s17;
	s20 =	sadd.s32 s14, s2;
	[dreg:$0xb] =	wrdreg s11  }
0x16: {  	s21 =	sadd.s32 s25, s2;
	s23 =	sshll.u32 s16, $0xD;
	[dreg:$0x12] =	wrdreg s19  }
0x17: {  	s25 =	sadd.s32 $0x1800, s7;
	s5 =	simm.s32 $0x2800;
	[dreg:$0x13] =	wrdreg s20  }
0x18: {  	s7 =	simm.s32 $0x4800;
	s16 =	simm.s32 $0x280;
	[dreg:$0x14] =	wrdreg s21  }
0x19: {  	s6 =	sadd.s32 s6, s0;
	s0 =	sadd.s32 $0x29A00, s0;
	[dreg:$0x5] =	wrdreg s18  }
0x1a: {  	s10 =	sshrl.u32 s28, $0x3;
	s1 =	sshrl.u32 s1, $0x3;
	[dreg:$0x17] =	wrdreg s25  }
0x1b: {  	s28 =	sadd.s32 $0x8000, s17;
	s18 =	simm.s32 $0x300;
	s19 =	simm.s32 $0x580  }
0x1c: {  	s20 =	simm.s32 $0x380;
	s11 =	sadd.s32 s0, s22;
	[dreg:$0x1a] =	wrdreg s28  }
0x1d: {  	s21 =	simm.s32 $0x600;
	s10 =	sadd.s32 s0, s10;
	[dreg:$0xc] =	wrdreg s11  }
0x1e: {  	s22 =	sadd.s32 s15, s2;
	s25 =	sadd.s32 $0x15200, s6;
	[dreg:$0xf] =	wrdreg s10  }
0x1f: {  	s15 =	simm.s32 $0x480;
	s11 =	sadd.s32 s0, s24;
	[dreg:$0x15] =	wrdreg s22  }
0x20: {  	s24 =	sadd.s32 s12, s2;
	s12 =	simm.s32 $0x1;
	[dreg:$0xd] =	wrdreg s11  }
0x21: {  	s11 =	sshrl.u32 s26, $0x3;
	[dreg:$0x16] =	wrdreg s24;
	s26 =	sadd.s32 $0x6000, s17  }
0x22: {  	s22 =	simm.s32 $0x700;
	s11 =	sadd.s32 s0, s11;
	[dreg:$0x19] =	wrdreg s26  }
0x23: {  	s0 =	sadd.s32 s0, s1;
	s1 =	simm.s32 $0x400;
	[dreg:$0xe] =	wrdreg s11  }
0x24: {  	s26 =	simm.s32 $0x780;
	[dreg:$0x10] =	wrdreg s0;
	s11 =	sadd.s32 $0x2000, s17  }
0x25: {  	s0 =	sadd.s32 s23, s3;
	s17 =	simm.s32 $0x500;
	[dreg:$0x11] =	wrdreg s11  }
0x26: {  	[dreg:$0x18] =	wrdreg s0;
	s0 =	simm.s32 $0x80;
	s11 =	simm.s32 $0x6800  }
.LBB2_1:
0x27: {  	[dreg:$0x1b] =	wrdreg s8  }
0x28: {  	s6 =	rddreg [dreg:$0x6]  }
0x29: {  	[tilespmem:s29], [sflag:$0x3] =	stream.linear.gather [hbm4b:s6+s4], $0x2000, $0x38;
	[tilespmem:$0x1D000] =	vst v63  }
0x2a: {  	_ =	swait.ge [sflag:s30], $0x2000  }
0x2b: {  	[sflag:s30] =	ssyncset.done $0x0  }
0x2c: {  	s8 =	simm.s32 $0x8800;
	s14 =	rddreg [dreg:$0x7];
	[sflag:s30] =	ssyncadd.s32 $0xFFFFE000  }
0x2d: {  	[tilespmem:s8], [sflag:$0x3] =	stream.linear.gather [hbm4b:s14+s4], $0x800, $0x38;
	[tilespmem:$0x1D000] =	vst v63  }
0x2e: {  	_ =	swait.ge [sflag:s30], $0x800  }
0x2f: {  	[sflag:s30] =	ssyncset.done $0x0  }
0x30: {  	s23 =	rddreg [dreg:$0x9];
	[sflag:s30] =	ssyncadd.s32 $0xFFFFF800  }
0x31: {  	[spmem:s23] =	stream.linear.scatter [tilespmem:s29], [sflag:$0x3], $0x2000, $0x38;
	[tilespmem:$0x1D000] =	vst v63  }
0x32: {  	_ =	swait.ge [sflag:s30], $0x2000  }
0x33: {  	[sflag:s30] =	ssyncset.done $0x0  }
0x34: {  	s24 =	rddreg [dreg:$0x11];
	[sflag:s30] =	ssyncadd.s32 $0xFFFFE000  }
0x35: {  	[spmem:s24] =	stream.linear.scatter [tilespmem:s29], [sflag:$0x3], $0x2000, $0x38;
	[tilespmem:$0x1D000] =	vst v63  }
0x36: {  	_ =	swait.ge [sflag:s30], $0x2000  }
0x37: {  	[sflag:s30] =	ssyncset.done $0x0  }
0x38: {  	s10 =	rddreg [dreg:$0x12];
	[sflag:s30] =	ssyncadd.s32 $0xFFFFE000  }
0x39: {  	[spmem:s10] =	stream.linear.scatter [tilespmem:s29], [sflag:$0x3], $0x2000, $0x38;
	[tilespmem:$0x1D000] =	vst v63  }
0x3a: {  	_ =	swait.ge [sflag:s30], $0x2000  }
0x3b: {  	[sflag:s30] =	ssyncset.done $0x0  }
0x3c: {  	s14 =	rddreg [dreg:$0x19];
	[sflag:s30] =	ssyncadd.s32 $0xFFFFE000  }
0x3d: {  	[spmem:s14] =	stream.linear.scatter [tilespmem:s29], [sflag:$0x3], $0x2000, $0x38;
	[tilespmem:$0x1D000] =	vst v63  }
0x3e: {  	_ =	swait.ge [sflag:s30], $0x2000  }
0x3f: {  	[sflag:s30] =	ssyncset.done $0x0  }
0x40: {  	s23 =	rddreg [dreg:$0x1a];
	[sflag:s30] =	ssyncadd.s32 $0xFFFFE000  }
0x41: {  	[spmem:s23] =	stream.linear.scatter [tilespmem:s29], [sflag:$0x3], $0x2000, $0x38;
	[tilespmem:$0x1D000] =	vst v63  }
0x42: {  	_ =	swait.ge [sflag:s30], $0x2000  }
0x43: {  	[sflag:s30] =	ssyncset.done $0x0  }
0x44: {  	s24 =	rddreg [dreg:$0x8];
	[sflag:s30] =	ssyncadd.s32 $0xFFFFE000  }
0x45: {  	[tilespmem:s8], [sflag:$0x3] =	stream.linear.gather [hbm4b:s24+s4], $0x800, $0x38;
	[tilespmem:$0x1D000] =	vst v63  }
0x46: {  	s8 =	sadd.s32 $0x0, s9  }
0x47: {  	_ =	swait.ge [sflag:s30], $0x800;
	p0 =	sgt.u32 s8, $0x2690  }
0x48: {  	[sflag:s30] =	ssyncset.done $0x0;
	p1 =	sgt.u32 @p0 s8, $0x270F  }
0x49: {  	s6 =	rddreg [dreg:$0x17];
	[sflag:s30] =	ssyncadd.s32 $0xFFFFF800;
	p1 =	por p1, !p0  }
0x4a: {  	s8 =	simm.s32 @!p1 $0x0;
	s23 =	simm.s32 @!p1 $0x2800;
	s24 =	simm.s32 @!p1 $0x4  }
0x4b: {  	[tilespmem:s23], [sflag:$0x4] =	stream.linear.gather @!p1 [hbm4b:s6+s8], $0x400, $0x38;
	[tilespmem:$0x1D000] =	vst v63  }
0x4c: {  	_ =	swait.ge @!p1 [sflag:s24], $0x400  }
0x4d: {  	[sflag:s24] =	ssyncset.done @!p1 $0x0  }
0x4e: {  	s8 =	simm.s32 @!p1 $0x3;
	s10 =	rddreg [dreg:$0x18];
	[sflag:s24] =	ssyncadd.s32 @!p1 $0xFFFFFC00  }
0x4f: {  	[spmem:s10] =	stream.linear.scatter @!p1 [tilespmem:s23], [sflag:$0x3], $0x400, $0x38;
	[tilespmem:$0x1D000] =	vst v63  }
0x50: {  	p0 =	por p0, p0;
	_ =	swait.ge @!p1 [sflag:s8], $0x400  }
0x51: {  	s28 =	simm.s32 @!p0 $0x4;
	[sflag:s8] =	ssyncset.done @!p1 $0x0  }
0x52: {  	s23 =	simm.s32 @!p0 $0x0;
	[sflag:s8] =	ssyncadd.s32 @!p1 $0xFFFFFC00;
	s8 =	simm.s32 @!p0 $0x2800  }
0x53: {  	[tilespmem:s8], [sflag:$0x4] =	stream.linear.gather @!p0 [hbm4b:s6+s23], $0x2000, $0x38;
	[tilespmem:$0x1D000] =	vst v63  }
0x54: {  	_ =	swait.ge @!p0 [sflag:s28], $0x2000  }
0x55: {  	s23 =	sadd.s32 $0x800, s9;
	[sflag:s28] =	ssyncset.done @!p0 $0x0  }
0x56: {  	p2 =	sgt.u32 s23, $0x2690;
	[sflag:s28] =	ssyncadd.s32 @!p0 $0xFFFFE000  }
0x57: {  	[spmem:s10] =	stream.linear.scatter @!p0 [tilespmem:s8], [sflag:$0x4], $0x2000, $0x38;
	[tilespmem:$0x1D000] =	vst v63  }
0x58: {  	s24 =	simm.s32 $0x1000;
	p3 =	sgt.u32 @p2 s23, $0x270F;
	_ =	swait.ge @!p0 [sflag:s28], $0x2000  }
0x59: {  	s23 =	sadd.s32 $0x4000, s6;
	s8 =	sadd.s32 $0x20000, s10;
	[sflag:s28] =	ssyncset.done @!p0 $0x0  }
.LBB2_2:
0x5a: {  	p3 =	por p3, !p2;
	[sflag:s28] =	ssyncadd.s32 @!p0 $0xFFFFE000  }
0x5b: {  	s6 =	smov.u32 s24;
	s24 =	sadd.s32 $0x800, s24;
	p0 =	por p2, p2  }
0x5c: {  	s28 =	simm.s32 @!p3 $0x0;
	s10 =	simm.s32 @!p3 $0x2800;
	s14 =	simm.s32 @!p3 $0x4  }
0x5d: {  	[tilespmem:s10], [sflag:$0x4] =	stream.linear.gather @!p3 [hbm4b:s23+s28], $0x400, $0x38;
	[tilespmem:$0x1D000] =	vst v63  }
0x5e: {  	p1 =	sne.s32 s24, $0x2800;
	_ =	swait.ge @!p3 [sflag:s14], $0x400  }
0x5f: {  	[sflag:s14] =	ssyncset.done @!p3 $0x0  }
0x60: {  	[sflag:s14] =	ssyncadd.s32 @!p3 $0xFFFFFC00;
	s14 =	simm.s32 @!p3 $0x3  }
0x61: {  	[spmem:s8] =	stream.linear.scatter @!p3 [tilespmem:s10], [sflag:$0x3], $0x400, $0x38;
	[tilespmem:$0x1D000] =	vst v63  }
0x62: {  	_ =	swait.ge @!p3 [sflag:s14], $0x400  }
0x63: {  	s28 =	simm.s32 @!p0 $0x4;
	[sflag:s14] =	ssyncset.done @!p3 $0x0  }
0x64: {  	s10 =	simm.s32 @!p0 $0x0;
	[sflag:s14] =	ssyncadd.s32 @!p3 $0xFFFFFC00;
	s14 =	simm.s32 @!p0 $0x2800  }
0x65: {  	[tilespmem:s14], [sflag:$0x4] =	stream.linear.gather @!p0 [hbm4b:s23+s10], $0x2000, $0x38;
	[tilespmem:$0x1D000] =	vst v63  }
0x66: {  	_ =	swait.ge @!p0 [sflag:s28], $0x2000  }
.Ltmp0:
0x67: {  	[sflag:s28] =	ssyncset.done @!p0 $0x0;
	(pc) =	sbr.rel @p1 .LBB2_2-.Ltmp0, $4  }
0x68: {  	s6 =	sadd.s32 s6, s9;
	[sflag:s28] =	ssyncadd.s32 @!p0 $0xFFFFE000  }
0x69: {  	[spmem:s8] =	stream.linear.scatter @!p0 [tilespmem:s14], [sflag:$0x4], $0x2000, $0x38;
	[tilespmem:$0x1D000] =	vst v63  }
0x6a: {  	p2 =	sgt.u32 s6, $0x2690;
	s8 =	sadd.s32 $0x20000, s8;
	_ =	swait.ge @!p0 [sflag:s28], $0x2000  }
0x6b: {  	p3 =	sgt.u32 @p2 s6, $0x270F;
	s23 =	sadd.s32 $0x4000, s23;
	[sflag:s28] =	ssyncset.done @!p0 $0x0  }
0x6c: {  	p1 =	por p3, !p2  }
0x6d: {  	[sflag:s28] =	ssyncadd.s32 @!p0 $0xFFFFE000;
	s6 =	simm.s32 @!p1 $0x0;
	s10 =	simm.s32 @!p1 $0x2800  }
0x6e: {  	[tilespmem:s10], [sflag:$0x4] =	stream.linear.gather @!p1 [hbm4b:s23+s6], $0x400, $0x38;
	[tilespmem:$0x1D000] =	vst v63  }
0x6f: {  	s6 =	simm.s32 @!p1 $0x4  }
0x70: {  	_ =	swait.ge @!p1 [sflag:s6], $0x400  }
0x71: {  	[sflag:s6] =	ssyncset.done @!p1 $0x0  }
0x72: {  	[sflag:s6] =	ssyncadd.s32 @!p1 $0xFFFFFC00;
	s6 =	simm.s32 @!p1 $0x3  }
0x73: {  	[spmem:s8] =	stream.linear.scatter @!p1 [tilespmem:s10], [sflag:$0x3], $0x400, $0x38;
	[tilespmem:$0x1D000] =	vst v63  }
0x74: {  	_ =	swait.ge @!p1 [sflag:s6], $0x400  }
0x75: {  	p0 =	por p2, p2;
	[sflag:s6] =	ssyncset.done @!p1 $0x0  }
0x76: {  	s10 =	simm.s32 @!p0 $0x2800;
	[sflag:s6] =	ssyncadd.s32 @!p1 $0xFFFFFC00;
	s6 =	simm.s32 @!p0 $0x0  }
0x77: {  	[tilespmem:s10], [sflag:$0x4] =	stream.linear.gather @!p0 [hbm4b:s23+s6], $0x2000, $0x38;
	[tilespmem:$0x1D000] =	vst v63  }
0x78: {  	s6 =	simm.s32 @!p0 $0x4  }
0x79: {  	_ =	swait.ge @!p0 [sflag:s6], $0x2000  }
0x7a: {  	[sflag:s6] =	ssyncset.done @!p0 $0x0  }
0x7b: {  	[sflag:s6] =	ssyncadd.s32 @!p0 $0xFFFFE000  }
0x7c: {  	[spmem:s8] =	stream.linear.scatter @!p0 [tilespmem:s10], [sflag:$0x4], $0x2000, $0x38;
	[tilespmem:$0x1D000] =	vst v63  }
0x7d: {  	_ =	swait.ge @!p0 [sflag:s6], $0x2000  }
0x7e: {  	[sflag:s6] =	ssyncset.done @!p0 $0x0  }
0x7f: {  	[sflag:s6] =	ssyncadd.s32 @!p0 $0xFFFFE000  }
0x80: {  	s14 =	sadd.s32 $0x0, s25;
	[bflag:$0x0] =	sbarrier.arrive $0xFFFF  }
0x81: {  	[tilespmem:s4], [sflag:$0x3] =	stream.linear.gather [hbm4b:s14+s4], $0x400, $0x38;
	[tilespmem:$0x1D000] =	vst v63  }
0x82: {  	_ =	swait.ge [sflag:s30], $0x400  }
0x83: {  	s23 =	rddreg [dreg:$0x5];
	[sflag:s30] =	ssyncset.done $0x0  }
0x84: {  	[sflag:s30] =	ssyncadd.s32 $0xFFFFFC00;
	s6 =	sadd.s32 $0x0, s23  }
0x85: {  	[tilespmem:s1], [sflag:$0x3] =	stream.linear.gather [hbm4b:s6+s4], $0x400, $0x38;
	[tilespmem:$0x1D000] =	vst v63  }
0x86: {  	_ =	swait.ge [sflag:s30], $0x400  }
0x87: {  	[sflag:s30] =	ssyncset.done $0x0  }
0x88: {  	[sflag:s30] =	ssyncadd.s32 $0xFFFFFC00  }
0x89: {  	[tilespmem:s29], [sflag:$0x1] =	stream.indirect.gather [spmem:s3], $0x40, s4, s0, $0xb8;
	[tilespmem:$0x1D000] =	vst v63  }
0x8a: {  	_ = 	snop  }
0x8b: {  	[tilespmem:s5], [sflag:$0x1] =	stream.indirect.gather [spmem:s3], $0x40, s0, s0, $0xb8;
	[tilespmem:$0x1D000] =	vst v63  }
0x8c: {  	s14 =	simm.s32 $0x100  }
0x8d: {  	[tilespmem:s7], [sflag:$0x1] =	stream.indirect.gather [spmem:s3], $0x40, s14, s0, $0xb8;
	[tilespmem:$0x1D000] =	vst v63  }
0x8e: {  	s28 =	simm.s32 $0x180  }
0x8f: {  	[tilespmem:s11], [sflag:$0x1] =	stream.indirect.gather [spmem:s3], $0x40, s28, s0, $0xb8;
	[tilespmem:$0x1D000] =	vst v63  }
0x90: {  	_ =	swait.ge [sflag:s12], $0x2000  }
0x91: {  	[sflag:s12] =	ssyncset.done $0x0  }
0x92: {  	[sflag:s12] =	ssyncadd.s32 $0xFFFFE000  }
0x93: {  	[spmem:s2] =	stream.indirect.scatter.add.f32 [tilespmem:s29], [sflag:$0x2], $0x40, s1, s0, $0xb8;
	[tilespmem:$0x1D000] =	vst v63  }
0x94: {  	_ =	swait.ge [sflag:s13], $0x2000  }
0x95: {  	[sflag:s13] =	ssyncset.done $0x0  }
0x96: {  	s24 =	simm.s32 $0x200;
	[sflag:s13] =	ssyncadd.s32 $0xFFFFE000  }
0x97: {  	[tilespmem:s29], [sflag:$0x1] =	stream.indirect.gather [spmem:s3], $0x40, s24, s0, $0xb8;
	[tilespmem:$0x1D000] =	vst v63  }
0x98: {  	_ =	swait.ge [sflag:s12], $0x2000  }
0x99: {  	[sflag:s12] =	ssyncset.done $0x0  }
0x9a: {  	[sflag:s12] =	ssyncadd.s32 $0xFFFFE000  }
0x9b: {  	[spmem:s2] =	stream.indirect.scatter.add.f32 [tilespmem:s5], [sflag:$0x2], $0x40, s15, s0, $0xb8;
	[tilespmem:$0x1D000] =	vst v63  }
0x9c: {  	_ =	swait.ge [sflag:s13], $0x2000  }
0x9d: {  	[sflag:s13] =	ssyncset.done $0x0  }
0x9e: {  	[sflag:s13] =	ssyncadd.s32 $0xFFFFE000  }
0x9f: {  	[tilespmem:s5], [sflag:$0x1] =	stream.indirect.gather [spmem:s3], $0x40, s16, s0, $0xb8;
	[tilespmem:$0x1D000] =	vst v63  }
0xa0: {  	_ =	swait.ge [sflag:s12], $0x2000  }
0xa1: {  	[sflag:s12] =	ssyncset.done $0x0  }
0xa2: {  	[sflag:s12] =	ssyncadd.s32 $0xFFFFE000  }
0xa3: {  	[spmem:s2] =	stream.indirect.scatter.add.f32 [tilespmem:s7], [sflag:$0x2], $0x40, s17, s0, $0xb8;
	[tilespmem:$0x1D000] =	vst v63  }
0xa4: {  	_ =	swait.ge [sflag:s13], $0x2000  }
0xa5: {  	[sflag:s13] =	ssyncset.done $0x0  }
0xa6: {  	[sflag:s13] =	ssyncadd.s32 $0xFFFFE000  }
0xa7: {  	[tilespmem:s7], [sflag:$0x1] =	stream.indirect.gather [spmem:s3], $0x40, s18, s0, $0xb8;
	[tilespmem:$0x1D000] =	vst v63  }
0xa8: {  	_ =	swait.ge [sflag:s12], $0x2000  }
0xa9: {  	[sflag:s12] =	ssyncset.done $0x0  }
0xaa: {  	[sflag:s12] =	ssyncadd.s32 $0xFFFFE000  }
0xab: {  	[spmem:s2] =	stream.indirect.scatter.add.f32 [tilespmem:s11], [sflag:$0x2], $0x40, s19, s0, $0xb8;
	[tilespmem:$0x1D000] =	vst v63  }
0xac: {  	_ =	swait.ge [sflag:s13], $0x2000  }
0xad: {  	[sflag:s13] =	ssyncset.done $0x0  }
0xae: {  	[sflag:s13] =	ssyncadd.s32 $0xFFFFE000  }
0xaf: {  	[tilespmem:s11], [sflag:$0x1] =	stream.indirect.gather [spmem:s3], $0x40, s20, s0, $0xb8;
	[tilespmem:$0x1D000] =	vst v63  }
0xb0: {  	_ =	swait.ge [sflag:s12], $0x2000  }
0xb1: {  	[sflag:s12] =	ssyncset.done $0x0  }
0xb2: {  	[sflag:s12] =	ssyncadd.s32 $0xFFFFE000  }
0xb3: {  	[spmem:s2] =	stream.indirect.scatter.add.f32 [tilespmem:s29], [sflag:$0x2], $0x40, s21, s0, $0xb8;
	[tilespmem:$0x1D000] =	vst v63  }
0xb4: {  	_ =	swait.ge [sflag:s12], $0x2000  }
0xb5: {  	[sflag:s12] =	ssyncset.done $0x0  }
0xb6: {  	[sflag:s12] =	ssyncadd.s32 $0xFFFFE000  }
0xb7: {  	[spmem:s2] =	stream.indirect.scatter.add.f32 [tilespmem:s5], [sflag:$0x2], $0x40, s31, s0, $0xb8;
	[tilespmem:$0x1D000] =	vst v63  }
0xb8: {  	_ =	swait.ge [sflag:s12], $0x2000  }
0xb9: {  	[sflag:s12] =	ssyncset.done $0x0  }
0xba: {  	[sflag:s12] =	ssyncadd.s32 $0xFFFFE000  }
0xbb: {  	[spmem:s2] =	stream.indirect.scatter.add.f32 [tilespmem:s7], [sflag:$0x2], $0x40, s22, s0, $0xb8;
	[tilespmem:$0x1D000] =	vst v63  }
0xbc: {  	_ =	swait.ge [sflag:s12], $0x2000  }
0xbd: {  	[sflag:s12] =	ssyncset.done $0x0  }
0xbe: {  	[sflag:s12] =	ssyncadd.s32 $0xFFFFE000  }
0xbf: {  	[spmem:s2] =	stream.indirect.scatter.add.f32 [tilespmem:s11], [sflag:$0x2], $0x40, s26, s0, $0xb8;
	[tilespmem:$0x1D000] =	vst v63  }
0xc0: {  	_ =	swait.ge [sflag:s13], $0x2000  }
0xc1: {  	[sflag:s13] =	ssyncset.done $0x0  }
0xc2: {  	[sflag:s13] =	ssyncadd.s32 $0xFFFFE000  }
0xc3: {  	_ =	swait.ge [sflag:s13], $0x2000  }
0xc4: {  	[sflag:s13] =	ssyncset.done $0x0  }
0xc5: {  	[sflag:s13] =	ssyncadd.s32 $0xFFFFE000  }
0xc6: {  	_ =	swait.ge [sflag:s13], $0x2000  }
0xc7: {  	[sflag:s13] =	ssyncset.done $0x0  }
0xc8: {  	[sflag:s13] =	ssyncadd.s32 $0xFFFFE000  }
0xc9: {  	_ =	swait.ge [sflag:s13], $0x2000  }
0xca: {  	s8 =	simm.s32 $0x80;
	s24 =	simm.s32 $0x100;
	[sflag:s13] =	ssyncset.done $0x0  }
.LBB2_4:
0xcb: {  	s6 =	sadd.s32 s8, s25;
	[sflag:s13] =	ssyncadd.s32 $0xFFFFE000  }
0xcc: {  	[tilespmem:s4], [sflag:$0x3] =	stream.linear.gather [hbm4b:s6+s4], $0x400, $0x38;
	[tilespmem:$0x1D000] =	vst v63  }
0xcd: {  	s10 =	smov.u32 s24;
	s23 =	sadd.s32 $0x80, s24;
	_ =	swait.ge [sflag:s30], $0x400  }
0xce: {  	p0 =	sne.s32 s24, $0x980;
	s24 =	rddreg [dreg:$0x5];
	[sflag:s30] =	ssyncset.done $0x0  }
0xcf: {  	[sflag:s30] =	ssyncadd.s32 $0xFFFFFC00;
	s6 =	sadd.s32 s8, s24  }
0xd0: {  	[tilespmem:s1], [sflag:$0x3] =	stream.linear.gather [hbm4b:s6+s4], $0x400, $0x38;
	[tilespmem:$0x1D000] =	vst v63  }
0xd1: {  	_ =	swait.ge [sflag:s30], $0x400  }
0xd2: {  	[sflag:s30] =	ssyncset.done $0x0  }
0xd3: {  	[sflag:s30] =	ssyncadd.s32 $0xFFFFFC00  }
0xd4: {  	[tilespmem:s29], [sflag:$0x1] =	stream.indirect.gather [spmem:s3], $0x40, s4, s0, $0xb8;
	[tilespmem:$0x1D000] =	vst v63  }
0xd5: {  	_ = 	snop  }
0xd6: {  	[tilespmem:s5], [sflag:$0x1] =	stream.indirect.gather [spmem:s3], $0x40, s0, s0, $0xb8;
	[tilespmem:$0x1D000] =	vst v63  }
0xd7: {  	_ = 	snop  }
0xd8: {  	[tilespmem:s7], [sflag:$0x1] =	stream.indirect.gather [spmem:s3], $0x40, s14, s0, $0xb8;
	[tilespmem:$0x1D000] =	vst v63  }
0xd9: {  	_ = 	snop  }
0xda: {  	[tilespmem:s11], [sflag:$0x1] =	stream.indirect.gather [spmem:s3], $0x40, s28, s0, $0xb8;
	[tilespmem:$0x1D000] =	vst v63  }
0xdb: {  	_ =	swait.ge [sflag:s12], $0x2000  }
0xdc: {  	[sflag:s12] =	ssyncset.done $0x0  }
0xdd: {  	[sflag:s12] =	ssyncadd.s32 $0xFFFFE000  }
0xde: {  	[spmem:s2] =	stream.indirect.scatter.add.f32 [tilespmem:s29], [sflag:$0x2], $0x40, s1, s0, $0xb8;
	[tilespmem:$0x1D000] =	vst v63  }
0xdf: {  	_ =	swait.ge [sflag:s13], $0x2000  }
0xe0: {  	[sflag:s13] =	ssyncset.done $0x0  }
0xe1: {  	s8 =	smov.u32 s10;
	s10 =	simm.s32 $0x200;
	[sflag:s13] =	ssyncadd.s32 $0xFFFFE000  }
0xe2: {  	[tilespmem:s29], [sflag:$0x1] =	stream.indirect.gather [spmem:s3], $0x40, s10, s0, $0xb8;
	[tilespmem:$0x1D000] =	vst v63  }
0xe3: {  	_ =	swait.ge [sflag:s12], $0x2000  }
0xe4: {  	[sflag:s12] =	ssyncset.done $0x0  }
0xe5: {  	[sflag:s12] =	ssyncadd.s32 $0xFFFFE000  }
0xe6: {  	[spmem:s2] =	stream.indirect.scatter.add.f32 [tilespmem:s5], [sflag:$0x2], $0x40, s15, s0, $0xb8;
	[tilespmem:$0x1D000] =	vst v63  }
0xe7: {  	_ =	swait.ge [sflag:s13], $0x2000  }
0xe8: {  	[sflag:s13] =	ssyncset.done $0x0  }
0xe9: {  	[sflag:s13] =	ssyncadd.s32 $0xFFFFE000  }
0xea: {  	[tilespmem:s5], [sflag:$0x1] =	stream.indirect.gather [spmem:s3], $0x40, s16, s0, $0xb8;
	[tilespmem:$0x1D000] =	vst v63  }
0xeb: {  	_ =	swait.ge [sflag:s12], $0x2000  }
0xec: {  	[sflag:s12] =	ssyncset.done $0x0  }
0xed: {  	[sflag:s12] =	ssyncadd.s32 $0xFFFFE000  }
0xee: {  	[spmem:s2] =	stream.indirect.scatter.add.f32 [tilespmem:s7], [sflag:$0x2], $0x40, s17, s0, $0xb8;
	[tilespmem:$0x1D000] =	vst v63  }
0xef: {  	_ =	swait.ge [sflag:s13], $0x2000  }
0xf0: {  	[sflag:s13] =	ssyncset.done $0x0  }
0xf1: {  	[sflag:s13] =	ssyncadd.s32 $0xFFFFE000  }
0xf2: {  	[tilespmem:s7], [sflag:$0x1] =	stream.indirect.gather [spmem:s3], $0x40, s18, s0, $0xb8;
	[tilespmem:$0x1D000] =	vst v63  }
0xf3: {  	_ =	swait.ge [sflag:s12], $0x2000  }
0xf4: {  	[sflag:s12] =	ssyncset.done $0x0  }
0xf5: {  	[sflag:s12] =	ssyncadd.s32 $0xFFFFE000  }
0xf6: {  	[spmem:s2] =	stream.indirect.scatter.add.f32 [tilespmem:s11], [sflag:$0x2], $0x40, s19, s0, $0xb8;
	[tilespmem:$0x1D000] =	vst v63  }
0xf7: {  	_ =	swait.ge [sflag:s13], $0x2000  }
0xf8: {  	[sflag:s13] =	ssyncset.done $0x0  }
0xf9: {  	[sflag:s13] =	ssyncadd.s32 $0xFFFFE000  }
0xfa: {  	[tilespmem:s11], [sflag:$0x1] =	stream.indirect.gather [spmem:s3], $0x40, s20, s0, $0xb8;
	[tilespmem:$0x1D000] =	vst v63  }
0xfb: {  	_ =	swait.ge [sflag:s12], $0x2000  }
0xfc: {  	[sflag:s12] =	ssyncset.done $0x0  }
0xfd: {  	[sflag:s12] =	ssyncadd.s32 $0xFFFFE000  }
0xfe: {  	[spmem:s2] =	stream.indirect.scatter.add.f32 [tilespmem:s29], [sflag:$0x2], $0x40, s21, s0, $0xb8;
	[tilespmem:$0x1D000] =	vst v63  }
0xff: {  	_ =	swait.ge [sflag:s12], $0x2000  }
0x100: {  	[sflag:s12] =	ssyncset.done $0x0  }
0x101: {  	[sflag:s12] =	ssyncadd.s32 $0xFFFFE000  }
0x102: {  	[spmem:s2] =	stream.indirect.scatter.add.f32 [tilespmem:s5], [sflag:$0x2], $0x40, s31, s0, $0xb8;
	[tilespmem:$0x1D000] =	vst v63  }
0x103: {  	_ =	swait.ge [sflag:s12], $0x2000  }
0x104: {  	[sflag:s12] =	ssyncset.done $0x0  }
0x105: {  	[sflag:s12] =	ssyncadd.s32 $0xFFFFE000  }
0x106: {  	[spmem:s2] =	stream.indirect.scatter.add.f32 [tilespmem:s7], [sflag:$0x2], $0x40, s22, s0, $0xb8;
	[tilespmem:$0x1D000] =	vst v63  }
0x107: {  	_ =	swait.ge [sflag:s12], $0x2000  }
0x108: {  	[sflag:s12] =	ssyncset.done $0x0  }
0x109: {  	[sflag:s12] =	ssyncadd.s32 $0xFFFFE000  }
0x10a: {  	[spmem:s2] =	stream.indirect.scatter.add.f32 [tilespmem:s11], [sflag:$0x2], $0x40, s26, s0, $0xb8;
	[tilespmem:$0x1D000] =	vst v63  }
0x10b: {  	_ =	swait.ge [sflag:s13], $0x2000  }
0x10c: {  	[sflag:s13] =	ssyncset.done $0x0  }
0x10d: {  	[sflag:s13] =	ssyncadd.s32 $0xFFFFE000  }
0x10e: {  	_ =	swait.ge [sflag:s13], $0x2000  }
0x10f: {  	[sflag:s13] =	ssyncset.done $0x0  }
0x110: {  	[sflag:s13] =	ssyncadd.s32 $0xFFFFE000  }
.Ltmp1:
0x111: {  	_ =	swait.ge [sflag:s13], $0x2000;
	(pc) =	sbr.rel @p0 .LBB2_4-.Ltmp1, $4  }
0x112: {  	[sflag:s13] =	ssyncset.done $0x0  }
0x113: {  	[sflag:s13] =	ssyncadd.s32 $0xFFFFE000  }
0x114: {  	_ =	swait.ge [sflag:s13], $0x2000  }
0x115: {  	s24 =	smov.u32 s23;
	[sflag:s13] =	ssyncset.done $0x0  }
0x116: {  	s6 =	sadd.s32 s8, s25;
	[sflag:s13] =	ssyncadd.s32 $0xFFFFE000  }
0x117: {  	[tilespmem:s4], [sflag:$0x3] =	stream.linear.gather [hbm4b:s6+s4], $0x400, $0x38;
	[tilespmem:$0x1D000] =	vst v63  }
0x118: {  	_ =	swait.ge [sflag:s30], $0x400  }
0x119: {  	s24 =	rddreg [dreg:$0x5];
	[sflag:s30] =	ssyncset.done $0x0  }
0x11a: {  	s6 =	sadd.s32 s8, s24;
	[sflag:s30] =	ssyncadd.s32 $0xFFFFFC00  }
0x11b: {  	[tilespmem:s1], [sflag:$0x3] =	stream.linear.gather [hbm4b:s6+s4], $0x400, $0x38;
	[tilespmem:$0x1D000] =	vst v63  }
0x11c: {  	_ =	swait.ge [sflag:s30], $0x400  }
0x11d: {  	[sflag:s30] =	ssyncset.done $0x0  }
0x11e: {  	[sflag:s30] =	ssyncadd.s32 $0xFFFFFC00  }
0x11f: {  	[tilespmem:s29], [sflag:$0x1] =	stream.indirect.gather [spmem:s3], $0x40, s4, s0, $0xb8;
	[tilespmem:$0x1D000] =	vst v63  }
0x120: {  	_ = 	snop  }
0x121: {  	[tilespmem:s5], [sflag:$0x1] =	stream.indirect.gather [spmem:s3], $0x40, s0, s0, $0xb8;
	[tilespmem:$0x1D000] =	vst v63  }
0x122: {  	_ = 	snop  }
0x123: {  	[tilespmem:s7], [sflag:$0x1] =	stream.indirect.gather [spmem:s3], $0x40, s14, s0, $0xb8;
	[tilespmem:$0x1D000] =	vst v63  }
0x124: {  	_ = 	snop  }
0x125: {  	[tilespmem:s11], [sflag:$0x1] =	stream.indirect.gather [spmem:s3], $0x40, s28, s0, $0xb8;
	[tilespmem:$0x1D000] =	vst v63  }
0x126: {  	_ =	swait.ge [sflag:s12], $0x2000  }
0x127: {  	[sflag:s12] =	ssyncset.done $0x0  }
0x128: {  	[sflag:s12] =	ssyncadd.s32 $0xFFFFE000  }
0x129: {  	[spmem:s2] =	stream.indirect.scatter.add.f32 [tilespmem:s29], [sflag:$0x2], $0x40, s1, s0, $0xb8;
	[tilespmem:$0x1D000] =	vst v63  }
0x12a: {  	_ =	swait.ge [sflag:s13], $0x2000  }
0x12b: {  	[sflag:s13] =	ssyncset.done $0x0  }
0x12c: {  	[sflag:s13] =	ssyncadd.s32 $0xFFFFE000  }
0x12d: {  	[tilespmem:s29], [sflag:$0x1] =	stream.indirect.gather [spmem:s3], $0x40, s10, s0, $0xb8;
	[tilespmem:$0x1D000] =	vst v63  }
0x12e: {  	_ =	swait.ge [sflag:s12], $0x2000  }
0x12f: {  	[sflag:s12] =	ssyncset.done $0x0  }
0x130: {  	[sflag:s12] =	ssyncadd.s32 $0xFFFFE000  }
0x131: {  	[spmem:s2] =	stream.indirect.scatter.add.f32 [tilespmem:s5], [sflag:$0x2], $0x40, s15, s0, $0xb8;
	[tilespmem:$0x1D000] =	vst v63  }
0x132: {  	_ =	swait.ge [sflag:s13], $0x2000  }
0x133: {  	[sflag:s13] =	ssyncset.done $0x0  }
0x134: {  	[sflag:s13] =	ssyncadd.s32 $0xFFFFE000  }
0x135: {  	[tilespmem:s5], [sflag:$0x1] =	stream.indirect.gather [spmem:s3], $0x40, s16, s0, $0xb8;
	[tilespmem:$0x1D000] =	vst v63  }
0x136: {  	_ =	swait.ge [sflag:s12], $0x2000  }
0x137: {  	[sflag:s12] =	ssyncset.done $0x0  }
0x138: {  	[sflag:s12] =	ssyncadd.s32 $0xFFFFE000  }
0x139: {  	[spmem:s2] =	stream.indirect.scatter.add.f32 [tilespmem:s7], [sflag:$0x2], $0x40, s17, s0, $0xb8;
	[tilespmem:$0x1D000] =	vst v63  }
0x13a: {  	_ =	swait.ge [sflag:s13], $0x2000  }
0x13b: {  	[sflag:s13] =	ssyncset.done $0x0  }
0x13c: {  	[sflag:s13] =	ssyncadd.s32 $0xFFFFE000  }
0x13d: {  	[tilespmem:s7], [sflag:$0x1] =	stream.indirect.gather [spmem:s3], $0x40, s18, s0, $0xb8;
	[tilespmem:$0x1D000] =	vst v63  }
0x13e: {  	_ =	swait.ge [sflag:s12], $0x2000  }
0x13f: {  	[sflag:s12] =	ssyncset.done $0x0  }
0x140: {  	[sflag:s12] =	ssyncadd.s32 $0xFFFFE000  }
0x141: {  	[spmem:s2] =	stream.indirect.scatter.add.f32 [tilespmem:s11], [sflag:$0x2], $0x40, s19, s0, $0xb8;
	[tilespmem:$0x1D000] =	vst v63  }
0x142: {  	_ =	swait.ge [sflag:s13], $0x2000  }
0x143: {  	[sflag:s13] =	ssyncset.done $0x0  }
0x144: {  	[sflag:s13] =	ssyncadd.s32 $0xFFFFE000  }
0x145: {  	[tilespmem:s11], [sflag:$0x1] =	stream.indirect.gather [spmem:s3], $0x40, s20, s0, $0xb8;
	[tilespmem:$0x1D000] =	vst v63  }
0x146: {  	_ =	swait.ge [sflag:s12], $0x2000  }
0x147: {  	[sflag:s12] =	ssyncset.done $0x0  }
0x148: {  	[sflag:s12] =	ssyncadd.s32 $0xFFFFE000  }
0x149: {  	[spmem:s2] =	stream.indirect.scatter.add.f32 [tilespmem:s29], [sflag:$0x2], $0x40, s21, s0, $0xb8;
	[tilespmem:$0x1D000] =	vst v63  }
0x14a: {  	_ =	swait.ge [sflag:s12], $0x2000  }
0x14b: {  	[sflag:s12] =	ssyncset.done $0x0  }
0x14c: {  	[sflag:s12] =	ssyncadd.s32 $0xFFFFE000  }
0x14d: {  	[spmem:s2] =	stream.indirect.scatter.add.f32 [tilespmem:s5], [sflag:$0x2], $0x40, s31, s0, $0xb8;
	[tilespmem:$0x1D000] =	vst v63  }
0x14e: {  	_ =	swait.ge [sflag:s12], $0x2000  }
0x14f: {  	[sflag:s12] =	ssyncset.done $0x0  }
0x150: {  	[sflag:s12] =	ssyncadd.s32 $0xFFFFE000  }
0x151: {  	[spmem:s2] =	stream.indirect.scatter.add.f32 [tilespmem:s7], [sflag:$0x2], $0x40, s22, s0, $0xb8;
	[tilespmem:$0x1D000] =	vst v63  }
0x152: {  	_ =	swait.ge [sflag:s12], $0x2000  }
0x153: {  	[sflag:s12] =	ssyncset.done $0x0  }
0x154: {  	[sflag:s12] =	ssyncadd.s32 $0xFFFFE000  }
0x155: {  	[spmem:s2] =	stream.indirect.scatter.add.f32 [tilespmem:s11], [sflag:$0x2], $0x40, s26, s0, $0xb8;
	[tilespmem:$0x1D000] =	vst v63  }
0x156: {  	_ =	swait.ge [sflag:s13], $0x2000  }
0x157: {  	[sflag:s13] =	ssyncset.done $0x0  }
0x158: {  	[sflag:s13] =	ssyncadd.s32 $0xFFFFE000  }
0x159: {  	_ =	swait.ge [sflag:s13], $0x2000  }
0x15a: {  	[sflag:s13] =	ssyncset.done $0x0  }
0x15b: {  	[sflag:s13] =	ssyncadd.s32 $0xFFFFE000  }
0x15c: {  	_ =	swait.ge [sflag:s13], $0x2000  }
0x15d: {  	[sflag:s13] =	ssyncset.done $0x0  }
0x15e: {  	[sflag:s13] =	ssyncadd.s32 $0xFFFFE000  }
0x15f: {  	_ =	swait.ge [sflag:s13], $0x2000  }
0x160: {  	[sflag:s13] =	ssyncset.done $0x0  }
0x161: {  	[sflag:s13] =	ssyncadd.s32 $0xFFFFE000  }
0x162: {  	[bflag:$0x0] =	sbarrier.arrive $0xFFFF  }
0x163: {  	s8 =	rddreg [dreg:$0xa]  }
0x164: {  	[tilespmem:s29], [sflag:$0x3] =	stream.linear.gather [spmem:s8], $0x2000, $0x38;
	[tilespmem:$0x1D000] =	vst v63  }
0x165: {  	_ =	swait.ge [sflag:s30], $0x2000  }
0x166: {  	[sflag:s30] =	ssyncset.done $0x0  }
0x167: {  	s10 =	rddreg [dreg:$0xc];
	[sflag:s30] =	ssyncadd.s32 $0xFFFFE000  }
0x168: {  	[hbm4b:s10+s4] =	stream.linear.scatter [tilespmem:s29], [sflag:$0x3], $0x2000, $0x38;
	[tilespmem:$0x1D000] =	vst v63  }
0x169: {  	_ =	swait.ge [sflag:s30], $0x2000  }
0x16a: {  	[sflag:s30] =	ssyncset.done $0x0  }
0x16b: {  	s14 =	rddreg [dreg:$0x13];
	[sflag:s30] =	ssyncadd.s32 $0xFFFFE000  }
0x16c: {  	[tilespmem:s29], [sflag:$0x3] =	stream.linear.gather [spmem:s14], $0x2000, $0x38;
	[tilespmem:$0x1D000] =	vst v63  }
0x16d: {  	_ =	swait.ge [sflag:s30], $0x2000  }
0x16e: {  	[sflag:s30] =	ssyncset.done $0x0  }
0x16f: {  	s23 =	rddreg [dreg:$0xd];
	[sflag:s30] =	ssyncadd.s32 $0xFFFFE000  }
0x170: {  	[hbm4b:s23+s4] =	stream.linear.scatter [tilespmem:s29], [sflag:$0x3], $0x2000, $0x38;
	[tilespmem:$0x1D000] =	vst v63  }
0x171: {  	_ =	swait.ge [sflag:s30], $0x2000  }
0x172: {  	[sflag:s30] =	ssyncset.done $0x0  }
0x173: {  	s24 =	rddreg [dreg:$0x14];
	[sflag:s30] =	ssyncadd.s32 $0xFFFFE000  }
0x174: {  	[tilespmem:s29], [sflag:$0x3] =	stream.linear.gather [spmem:s24], $0x2000, $0x38;
	[tilespmem:$0x1D000] =	vst v63  }
0x175: {  	_ =	swait.ge [sflag:s30], $0x2000  }
0x176: {  	[sflag:s30] =	ssyncset.done $0x0  }
0x177: {  	s28 =	rddreg [dreg:$0xe];
	[sflag:s30] =	ssyncadd.s32 $0xFFFFE000  }
0x178: {  	[hbm4b:s28+s4] =	stream.linear.scatter [tilespmem:s29], [sflag:$0x3], $0x2000, $0x38;
	[tilespmem:$0x1D000] =	vst v63  }
0x179: {  	_ =	swait.ge [sflag:s30], $0x2000  }
0x17a: {  	[sflag:s30] =	ssyncset.done $0x0  }
0x17b: {  	s8 =	rddreg [dreg:$0x15];
	[sflag:s30] =	ssyncadd.s32 $0xFFFFE000  }
0x17c: {  	[tilespmem:s29], [sflag:$0x3] =	stream.linear.gather [spmem:s8], $0x2000, $0x38;
	[tilespmem:$0x1D000] =	vst v63  }
0x17d: {  	_ =	swait.ge [sflag:s30], $0x2000  }
0x17e: {  	[sflag:s30] =	ssyncset.done $0x0  }
0x17f: {  	s10 =	rddreg [dreg:$0xf];
	[sflag:s30] =	ssyncadd.s32 $0xFFFFE000  }
0x180: {  	[hbm4b:s10+s4] =	stream.linear.scatter [tilespmem:s29], [sflag:$0x3], $0x2000, $0x38;
	[tilespmem:$0x1D000] =	vst v63  }
0x181: {  	_ =	swait.ge [sflag:s30], $0x2000  }
0x182: {  	[sflag:s30] =	ssyncset.done $0x0  }
0x183: {  	s14 =	rddreg [dreg:$0x16];
	[sflag:s30] =	ssyncadd.s32 $0xFFFFE000  }
0x184: {  	[tilespmem:s29], [sflag:$0x3] =	stream.linear.gather [spmem:s14], $0x2000, $0x38;
	[tilespmem:$0x1D000] =	vst v63  }
0x185: {  	_ =	swait.ge [sflag:s30], $0x2000  }
0x186: {  	[sflag:s30] =	ssyncset.done $0x0  }
0x187: {  	s23 =	rddreg [dreg:$0x10];
	[sflag:s30] =	ssyncadd.s32 $0xFFFFE000  }
0x188: {  	[hbm4b:s23+s4] =	stream.linear.scatter [tilespmem:s29], [sflag:$0x3], $0x2000, $0x38;
	[tilespmem:$0x1D000] =	vst v63  }
0x189: {  	_ =	swait.ge [sflag:s30], $0x2000  }
0x18a: {  	s24 =	rddreg [dreg:$0x1b]  }
0x18b: {  	s28 =	rddreg [dreg:$0xb];
	s8 =	sadd.s32 $0x1, s24  }
0x18c: {  	p0 =	sne.s32 s8, s28  }
.Ltmp2:
0x18d: {  	_ = 	snop;
	(pc) =	sbr.rel @p0 .LBB2_1-.Ltmp2, $3  }
0x18e: {  	_ =	sdelay $0x1  }
0x18f: {  	[sflag:s30] =	ssyncset.done $0x0  }
0x190: {  	[sflag:s30] =	ssyncadd.s32 $0xFFFFE000  }
0x191: {  	_ =	sfence.sel $0x180000  }
0x192: {  	[bflag:$0x0] =	sbarrier.arrive $0xFFFF  }
0x193: {  	_ =	strace $0x90000047  }
0x194: {  	s0 =	stileid.u32;
	[bflag:$0x2] =	sbarrier.arrive $0xFFFF  }
0x195: {  	p0 =	sne.s32 s0, $0x0;
	s0 =	rddreg [dreg:$0x4]  }
0x196: {  	s0 =	sadd.s32 @!p0 $0x100000, s0  }
0x197: {  	[sflag:s0] =	ssyncadd.tile.s32 @!p0 $0x1;
	_ =	shalt  }
.Lfunc_end2:
_tile_overlayer_lowered:
.L_overlay_start_2:
0x198: {  	(tag) =	ssettag $0x2  }
0x199: {  	s0 =	rddreg [dreg:$0x0];
	s2 =	stileid.u32  }
0x19a: {  	s1 =	rddreg [dreg:$0x1];
	p0 =	sne.s32 s2, $0x0  }
0x19b: {  	s3 =	rddreg [dreg:$0x2];
	[bflag:$0x3] =	sbarrier.arrive $0xFFFF;
	s2 =	simm.s32 @!p0 $0x1C03  }
0x19c: {  	[timem:s3], [sflag:s2] =	dma.local @!p0 [hbm:s0], s1  }
0x19d: {  	s0 =	simm.s32 @!p0 $0x3  }
0x19e: {  	_ =	swait.ge @!p0 [sflag:s0], s1  }
0x19f: {  	s1 =	ssub.s32 @!p0 $0x0, s1;
	[sflag:s0] =	ssyncset.done @!p0 $0x0  }
0x1a0: {  	[sflag:s0] =	ssyncadd.s32 @!p0 s1  }
0x1a1: {  	[bflag:$0x3] =	sbarrier.arrive $0xFFFF  }
0x1a2: {  	_ =	shalt  }

</sc_bundles>
